<compile_context>
chip_gen: v7x
topology: tpu7x:2x2x1
jax: 0.10.2.dev20260603
libtpu: 0.0.44.dev20260713+nightly
codegen_flags: <defaults>
</compile_context>

<pallas_src>
import functools

import jax
import jax.numpy as jnp
from jax import lax
from jax.experimental import pallas as pl
from jax.experimental.pallas import tpu as pltpu
from jax.experimental.pallas import tpu_sc as plsc

NUM_IMAGES = 100000
EMBED_DIM = 32
BATCH = 16384

_info = plsc.get_sparse_core_info()
_NC, _NS = _info.num_cores, _info.num_subcores
_NW = _NC * _NS
_LANE_TILES = (NUM_IMAGES + 127) // 128
_BASE_W = _LANE_TILES // _NW
_EXTRA = _LANE_TILES - _BASE_W * _NW
_MAX_W = _BASE_W + 1
_CHUNK = 4096
_NCHUNK = BATCH // _CHUNK
_NVEC = _CHUNK // 16
_NSLOT = 16
_JBITS = 14


@functools.partial(
    pl.kernel,
    mesh=plsc.VectorSubcoreMesh(core_axis_name="c", subcore_axis_name="s"),
    out_type=jax.ShapeDtypeStruct((BATCH * EMBED_DIM,), jnp.float32),
    scratch_types=[
        pltpu.VMEM((4, _MAX_W, 8, 128), jnp.float32),
        pltpu.VMEM((2, _CHUNK), jnp.int32),
        pltpu.VMEM((BATCH + 16,), jnp.int32),
        pltpu.VMEM((_NSLOT, EMBED_DIM), jnp.float32),
        pltpu.SemaphoreType.DMA,
        pltpu.SemaphoreType.DMA((2,)),
        pltpu.SemaphoreType.DMA((_NSLOT,)),
    ],
    compiler_params=pltpu.CompilerParams(
        use_tc_tiling_on_sc=True,
        needs_layout_passes=False,
        disable_bounds_checks=True,
    ),
)
def _lookup_kernel(table_t, idx_hbm, out_hbm, block_v, idx_v, hit_v, rows_v,
                   sem_blk, sem_idx, sem_out):
    wid = lax.axis_index("s") * _NC + lax.axis_index("c")
    c0 = wid * _BASE_W + jnp.minimum(wid, _EXTRA)
    wc = jnp.where(wid < _EXTRA, _BASE_W + 1, _BASE_W)
    lo = c0 * 128
    hi = (c0 + wc) * 128

    iota = lax.iota(jnp.int32, 16)
    d_lo = iota // 8
    s_lo = iota % 8
    zero16 = jnp.zeros((16,), jnp.int32)
    lo_v = jnp.full((16,), lo, jnp.int32)
    hi_v = jnp.full((16,), hi, jnp.int32)
    c0_v = jnp.full((16,), c0, jnp.int32)

    def blk_walk(ct, do_issue):
        for d in range(4):
            cp = pltpu.make_async_copy(
                table_t.at[pl.ds(d * 8, 8), pl.ds((c0 + ct) * 128, 128)],
                block_v.at[d, ct],
                sem_blk,
            )
            if do_issue:
                cp.start()
            else:
                cp.wait()
        return ct + 1

    def idx_chunk_copy(g):
        return pltpu.make_async_copy(
            idx_hbm.at[pl.ds(g * _CHUNK, _CHUNK)],
            idx_v.at[g % 2],
            sem_idx.at[g % 2],
        )

    idx_chunk_copy(0).start()
    lax.fori_loop(0, wc, lambda ct, _: blk_walk(ct, True), 0)

    def scan_chunk(g, cnt):
        idx_chunk_copy(g).wait()

        @pl.when(g + 1 < _NCHUNK)
        def _():
            idx_chunk_copy(g + 1).start()

        def scan_vec(v, cnt):
            c_vec = idx_v[g % 2, pl.ds(v * 16, 16)]
            m = (c_vec >= lo_v) & (c_vec < hi_v)
            n = plsc.all_reduce_population_count(m)[0]
            packed = jnp.left_shift(c_vec, _JBITS) | (
                iota + (g * _CHUNK + v * 16)
            )
            plsc.store_compressed(hit_v.at[pl.ds(cnt, 16)], packed, mask=m)
            return cnt + n

        return lax.fori_loop(0, _NVEC, scan_vec, cnt, unroll=4)

    total = lax.fori_loop(0, _NCHUNK, scan_chunk, jnp.int32(0))

    lax.fori_loop(0, wc, lambda ct, _: blk_walk(ct, False), 0)

    @pl.when(total > 0)
    def _():
        last = hit_v[pl.ds(total - 1, 16)]
        hit_v[pl.ds(total, 16)] = last.at[zero16].get(
            mode="promise_in_bounds"
        )

    total_pad = (total + 3) & ~3

    def hit_group(grp, _):
        for u in range(4):
            k = grp * 4 + u
            pk_vec = hit_v[pl.ds(k, 16)]
            pk_spl = pk_vec.at[zero16].get(mode="promise_in_bounds")
            qt_spl = jnp.right_shift(pk_spl, _JBITS + 7) - c0_v
            ql_spl = jnp.right_shift(pk_spl, _JBITS) & 127
            lo16 = plsc.load_gather(block_v, [d_lo, qt_spl, s_lo, ql_spl])
            hi16 = plsc.load_gather(block_v, [d_lo + 2, qt_spl, s_lo, ql_spl])
            slot = k & (_NSLOT - 1)
            slot_ref = rows_v.at[slot]

            @pl.when(k >= _NSLOT)
            def _():
                pltpu.make_async_copy(
                    out_hbm.at[pl.ds(0, EMBED_DIM)], slot_ref,
                    sem_out.at[slot],
                ).wait()

            slot_ref[pl.ds(0, 16)] = lo16
            slot_ref[pl.ds(16, 16)] = hi16
            j = pk_vec[0] & (BATCH - 1)
            pltpu.make_async_copy(
                slot_ref, out_hbm.at[pl.ds(j * EMBED_DIM, EMBED_DIM)],
                sem_out.at[slot],
            ).start()
        return 0

    lax.fori_loop(0, total_pad // 4, hit_group, 0)

    for s in range(_NSLOT):
        @pl.when(total_pad > s)
        def _():
            pltpu.make_async_copy(
                out_hbm.at[pl.ds(0, EMBED_DIM)], rows_v.at[s], sem_out.at[s]
            ).wait()


def kernel(camera_indices, embedding_weight):
    idx = camera_indices.astype(jnp.int32)
    flat = _lookup_kernel(embedding_weight.T, idx)
    return flat.reshape(BATCH, EMBED_DIM)

# --- scband reference (transcript-rebuilt; emitter-appended) ---
"""Pipeline reference for scband-appearance-embedding-52759378264723 (READ-ONLY COPY).

The authoritative reference and input builder live on the scoring server;
editing this copy changes nothing except your own understanding.
"""

import jax, jax.numpy as jnp
import numpy as np

NUM_IMAGES = 100000
EMBED_DIM = 32
BATCH = 16384


def setup_inputs(seed: int = 0) -> dict:
    key = jax.random.key(seed)
    k_idx, k_w = jax.random.split(key)
    camera_indices = jax.random.randint(k_idx, (BATCH,), 0, NUM_IMAGES, dtype=jnp.int64 if jax.config.jax_enable_x64 else jnp.int32)
    # nn.init.normal_(weight, 0, 0.01)
    embedding_weight = 0.01 * jax.random.normal(k_w, (NUM_IMAGES, EMBED_DIM), dtype=jnp.float32)
    return {"camera_indices": camera_indices, "embedding_weight": embedding_weight}


def reference(camera_indices, embedding_weight):
    # nn.Embedding lookup -> gather rows of the table
    return jnp.take(embedding_weight, camera_indices, axis=0)

if __name__ == "__main__":
    import jax
    _d = setup_inputs()
    print(jax.jit(kernel)(*tuple(_d.values())))

</pallas_src>

<mosaic_0001>
#map = affine_map<(d0, d1) -> (0, 0)>
#map1 = affine_map<(d0, d1) -> (0)>
module attributes {stable_mosaic.version = 14 : i64} {
  func.func @_lookup_kernel(%arg0: i32, %arg1: i32, %arg2: memref<32x100000xf32, #tpu.memory_space<hbm>>, %arg3: memref<16384xi32, #tpu.memory_space<hbm>>, %arg4: memref<524288xf32, #tpu.memory_space<hbm>>, %arg5: memref<4x25x8x128xf32, #tpu.memory_space<vmem>>, %arg6: memref<2x4096xi32, #tpu.memory_space<vmem>>, %arg7: memref<16400xi32, #tpu.memory_space<vmem>>, %arg8: memref<16x32xf32, #tpu.memory_space<vmem>>, %arg9: memref<!tpu.dma_semaphore, #tpu.memory_space<semaphore_mem>>, %arg10: memref<2x!tpu.dma_semaphore, #tpu.memory_space<semaphore_mem>>, %arg11: memref<16x!tpu.dma_semaphore, #tpu.memory_space<semaphore_mem>>) attributes {dimension_semantics = [#tpu.dimension_semantics<core_parallel>, #tpu.dimension_semantics<subcore_parallel>], iteration_bounds = array<i64: 2, 16>, scalar_prefetch = 0 : i64, scratch_operands = 7 : i64, tpu.core_type = #tpu.core_type<sc_vector_subcore>, window_params = [{transform_indices = #map}, {transform_indices = #map1}, {transform_indices = #map1}]} {
    %mul3A = arith.constant 2 : i32
    %mul3A_0 = arith.muli %arg1, %mul3A : i32
    %add3A = arith.addi %mul3A_0, %arg0 : i32
    %mul3A_1 = arith.constant 24 : i32
    %mul3A_2 = arith.muli %add3A, %mul3A_1 : i32
    %min3A = arith.constant 14 : i32
    %min3A_3 = arith.minsi %add3A, %min3A : i32
    %add3A_4 = arith.addi %mul3A_2, %min3A_3 : i32
    %lt3A = arith.constant 14 : i32
    %lt3A_5 = arith.cmpi slt, %add3A, %lt3A : i32
    %jit3A = arith.constant 25 : i32
    %jit3A_6 = arith.constant 24 : i32
    %select_n3A = arith.select %lt3A_5, %jit3A, %jit3A_6 : i32
    %mul3A_7 = arith.constant 128 : i32
    %mul3A_8 = arith.muli %add3A_4, %mul3A_7 : i32
    %add3A_9 = arith.addi %add3A_4, %select_n3A : i32
    %mul3A_10 = arith.constant 128 : i32
    %mul3A_11 = arith.muli %add3A_9, %mul3A_10 : i32
    %iota3A = tpu.iota {dimensions = array<i32: 0>} : vector<16xi32>
    %jit3A_12 = arith.constant 8 : i32
    %div3A = vector.broadcast %jit3A_12 : i32 to vector<16xi32>
    %div3A_13 = arith.divsi %iota3A, %div3A : vector<16xi32>
    %sign3A = arith.constant 0 : i32
    %sign3A_14 = vector.broadcast %sign3A : i32 to vector<16xi32>
    %sign3A_15 = arith.cmpi sgt, %iota3A, %sign3A_14 : vector<16xi32>
    %sign3A_16 = arith.extui %sign3A_15 : vector<16xi1> to vector<16xi32>
    %sign3A_17 = arith.constant 0 : i32
    %sign3A_18 = vector.broadcast %sign3A_17 : i32 to vector<16xi32>
    %sign3A_19 = arith.cmpi slt, %iota3A, %sign3A_18 : vector<16xi32>
    %sign3A_20 = arith.extui %sign3A_19 : vector<16xi1> to vector<16xi32>
    %sign3A_21 = arith.subi %sign3A_16, %sign3A_20 : vector<16xi32>
    %sign3A_22 = arith.constant 0 : i32
    %sign3A_23 = arith.cmpi sgt, %jit3A_12, %sign3A_22 : i32
    %sign3A_24 = arith.extui %sign3A_23 : i1 to i32
    %sign3A_25 = arith.constant 0 : i32
    %sign3A_26 = arith.cmpi slt, %jit3A_12, %sign3A_25 : i32
    %sign3A_27 = arith.extui %sign3A_26 : i1 to i32
    %sign3A_28 = arith.subi %sign3A_24, %sign3A_27 : i32
    %ne3A = vector.broadcast %sign3A_28 : i32 to vector<16xi32>
    %ne3A_29 = arith.cmpi ne, %sign3A_21, %ne3A : vector<16xi32>
    %rem3A = vector.broadcast %jit3A_12 : i32 to vector<16xi32>
    %rem3A_30 = arith.remsi %iota3A, %rem3A : vector<16xi32>
    %ne3A_31 = arith.constant 0 : i32
    %ne3A_32 = vector.broadcast %ne3A_31 : i32 to vector<16xi32>
    %ne3A_33 = arith.cmpi ne, %rem3A_30, %ne3A_32 : vector<16xi32>
    %and3A = arith.andi %ne3A_29, %ne3A_33 : vector<16xi1>
    %sub3A = arith.constant 1 : i32
    %sub3A_34 = vector.broadcast %sub3A : i32 to vector<16xi32>
    %sub3A_35 = arith.subi %div3A_13, %sub3A_34 : vector<16xi32>
    %select_n3A_36 = arith.select %and3A, %sub3A_35, %div3A_13 : vector<16xi1>, vector<16xi32>
    %jit3A_37 = arith.constant 8 : i32
    %eq3A = arith.constant 0 : i32
    %eq3A_38 = arith.cmpi eq, %jit3A_37, %eq3A : i32
    %jit3A_39 = arith.constant 1 : i32
    %select_n3A_40 = arith.select %eq3A_38, %jit3A_39, %jit3A_37 : i32
    %rem3A_41 = vector.broadcast %select_n3A_40 : i32 to vector<16xi32>
    %rem3A_42 = arith.remsi %iota3A, %rem3A_41 : vector<16xi32>
    %ne3A_43 = arith.constant 0 : i32
    %ne3A_44 = vector.broadcast %ne3A_43 : i32 to vector<16xi32>
    %ne3A_45 = arith.cmpi ne, %rem3A_42, %ne3A_44 : vector<16xi32>
    %lt3A_46 = arith.constant 0 : i32
    %lt3A_47 = vector.broadcast %lt3A_46 : i32 to vector<16xi32>
    %lt3A_48 = arith.cmpi slt, %rem3A_42, %lt3A_47 : vector<16xi32>
    %lt3A_49 = arith.constant 0 : i32
    %lt3A_50 = arith.cmpi slt, %select_n3A_40, %lt3A_49 : i32
    %ne3A_51 = vector.broadcast %lt3A_50 : i1 to vector<16xi1>
    %ne3A_52 = vector.broadcast %ne3A_51 : vector<16xi1> to vector<16xi1>
    %ne3A_53 = arith.xori %lt3A_48, %ne3A_52 : vector<16xi1>
    %and3A_54 = arith.andi %ne3A_53, %ne3A_45 : vector<16xi1>
    %add3A_55 = vector.broadcast %select_n3A_40 : i32 to vector<16xi32>
    %add3A_56 = arith.addi %rem3A_42, %add3A_55 : vector<16xi32>
    %select_n3A_57 = arith.select %and3A_54, %add3A_56, %rem3A_42 : vector<16xi1>, vector<16xi32>
    %broadcast_in_dim3A = arith.constant 0 : i32
    %broadcast_in_dim3A_58 = vector.broadcast %broadcast_in_dim3A : i32 to vector<16xi32>
    %broadcast_in_dim3A_59 = vector.broadcast %mul3A_8 : i32 to vector<16xi32>
    %broadcast_in_dim3A_60 = vector.broadcast %mul3A_11 : i32 to vector<16xi32>
    %broadcast_in_dim3A_61 = vector.broadcast %add3A_4 : i32 to vector<16xi32>
    %dma_start3A = arith.constant 0 : i32
    %dma_start3A_62 = arith.constant 0 : i32
    %dma_start3A_63 = arith.constant 0 : i32
    %dma_start3A_64 = tpu.memref_slice %arg6[%dma_start3A, %dma_start3A_63] : memref<2x4096xi32, #tpu.memory_space<vmem>> -> memref<1x4096xi32, #tpu.memory_space<vmem>>
    %dma_start3A_65 = tpu.memref_squeeze %dma_start3A_64 : memref<1x4096xi32, #tpu.memory_space<vmem>> -> memref<4096xi32, #tpu.memory_space<vmem>>
    %dma_start3A_66 = arith.constant 0 : i32
    %dma_start3A_67 = tpu.memref_slice %arg3[%dma_start3A_66] : memref<16384xi32, #tpu.memory_space<hbm>> -> memref<4096xi32, #tpu.memory_space<hbm>>
    %dma_start3A_68 = tpu.memref_slice %arg10[%dma_start3A_62] : memref<2x!tpu.dma_semaphore, #tpu.memory_space<semaphore_mem>> -> memref<1x!tpu.dma_semaphore, #tpu.memory_space<semaphore_mem>>
    %dma_start3A_69 = tpu.memref_squeeze %dma_start3A_68 : memref<1x!tpu.dma_semaphore, #tpu.memory_space<semaphore_mem>> -> memref<!tpu.dma_semaphore, #tpu.memory_space<semaphore_mem>>
    %dma_start3A_70 = arith.constant 0 : i32
    %dma_start3A_71 = tpu.memref_slice %arg6[%dma_start3A, %dma_start3A_70] : memref<2x4096xi32, #tpu.memory_space<vmem>> -> memref<1x4096xi32, #tpu.memory_space<vmem>>
    %dma_start3A_72 = tpu.memref_squeeze %dma_start3A_71 : memref<1x4096xi32, #tpu.memory_space<vmem>> -> memref<4096xi32, #tpu.memory_space<vmem>>
    %dma_start3A_73 = arith.constant 0 : i32
    %dma_start3A_74 = tpu.memref_slice %arg3[%dma_start3A_73] : memref<16384xi32, #tpu.memory_space<hbm>> -> memref<4096xi32, #tpu.memory_space<hbm>>
    tpu.enqueue_dma source(%dma_start3A_74 : memref<4096xi32, #tpu.memory_space<hbm>>) target(%dma_start3A_72 : memref<4096xi32, #tpu.memory_space<vmem>>) target_semaphore(%dma_start3A_69 : memref<!tpu.dma_semaphore, #tpu.memory_space<semaphore_mem>>)
    %while3A = arith.constant 0 : i32
    %while3A_75 = arith.constant 0 : i32
    %while3A_76 = arith.subi %select_n3A, %while3A : i32
    %while3A_77 = arith.addi %while3A, %while3A_76 : i32
    %while3A_78 = arith.constant 1 : i32
    %while3A_79 = arith.divsi %while3A_76, %while3A_78 : i32
    %while3A_80 = arith.muli %while3A_79, %while3A_78 : i32
    %while3A_81 = arith.addi %while3A, %while3A_80 : i32
    %while3A_82 = arith.constant 1 : i32
    %while3A_83 = scf.for %while3A_226 = %while3A to %while3A_81 step %while3A_82 iter_args(%while3A_227 = %while3A_75) -> (i32)  : i32 {
      %add3A_228 = arith.addi %add3A_4, %while3A_226 : i32
      %mul3A_229 = arith.constant 128 : i32
      %mul3A_230 = arith.muli %add3A_228, %mul3A_229 : i32
      %dma_start3A_231 = arith.constant 0 : i32
      %dma_start3A_232 = arith.constant 0 : i32
      %dma_start3A_233 = arith.constant 0 : i32
      %dma_start3A_234 = tpu.memref_slice %arg5[%dma_start3A_231, %while3A_226, %dma_start3A_232, %dma_start3A_233] : memref<4x25x8x128xf32, #tpu.memory_space<vmem>> -> memref<1x1x8x128xf32, #tpu.memory_space<vmem>>
      %dma_start3A_235 = tpu.memref_squeeze %dma_start3A_234 : memref<1x1x8x128xf32, #tpu.memory_space<vmem>> -> memref<8x128xf32, #tpu.memory_space<vmem>>
      %dma_start3A_236 = arith.constant 0 : i32
      %dma_start3A_237 = tpu.memref_slice %arg2[%dma_start3A_236, %mul3A_230] : memref<32x100000xf32, #tpu.memory_space<hbm>> -> memref<8x128xf32, #tpu.memory_space<hbm>>
      %dma_start3A_238 = arith.constant 0 : i32
      %dma_start3A_239 = arith.constant 0 : i32
      %dma_start3A_240 = tpu.memref_slice %arg5[%dma_start3A_231, %while3A_226, %dma_start3A_238, %dma_start3A_239] : memref<4x25x8x128xf32, #tpu.memory_space<vmem>> -> memref<1x1x8x128xf32, #tpu.memory_space<vmem>>
      %dma_start3A_241 = tpu.memref_squeeze %dma_start3A_240 : memref<1x1x8x128xf32, #tpu.memory_space<vmem>> -> memref<8x128xf32, #tpu.memory_space<vmem>>
      %dma_start3A_242 = arith.constant 0 : i32
      %dma_start3A_243 = tpu.memref_slice %arg2[%dma_start3A_242, %mul3A_230] : memref<32x100000xf32, #tpu.memory_space<hbm>> -> memref<8x128xf32, #tpu.memory_space<hbm>>
      tpu.enqueue_dma source(%dma_start3A_243 : memref<8x128xf32, #tpu.memory_space<hbm>>) target(%dma_start3A_241 : memref<8x128xf32, #tpu.memory_space<vmem>>) target_semaphore(%arg9 : memref<!tpu.dma_semaphore, #tpu.memory_space<semaphore_mem>>)
      %add3A_244 = arith.addi %add3A_4, %while3A_226 : i32
      %mul3A_245 = arith.constant 128 : i32
      %mul3A_246 = arith.muli %add3A_244, %mul3A_245 : i32
      %dma_start3A_247 = arith.constant 1 : i32
      %dma_start3A_248 = arith.constant 0 : i32
      %dma_start3A_249 = arith.constant 0 : i32
      %dma_start3A_250 = tpu.memref_slice %arg5[%dma_start3A_247, %while3A_226, %dma_start3A_248, %dma_start3A_249] : memref<4x25x8x128xf32, #tpu.memory_space<vmem>> -> memref<1x1x8x128xf32, #tpu.memory_space<vmem>>
      %dma_start3A_251 = tpu.memref_squeeze %dma_start3A_250 : memref<1x1x8x128xf32, #tpu.memory_space<vmem>> -> memref<8x128xf32, #tpu.memory_space<vmem>>
      %dma_start3A_252 = arith.constant 8 : i32
      %dma_start3A_253 = tpu.memref_slice %arg2[%dma_start3A_252, %mul3A_246] : memref<32x100000xf32, #tpu.memory_space<hbm>> -> memref<8x128xf32, #tpu.memory_space<hbm>>
      %dma_start3A_254 = arith.constant 0 : i32
      %dma_start3A_255 = arith.constant 0 : i32
      %dma_start3A_256 = tpu.memref_slice %arg5[%dma_start3A_247, %while3A_226, %dma_start3A_254, %dma_start3A_255] : memref<4x25x8x128xf32, #tpu.memory_space<vmem>> -> memref<1x1x8x128xf32, #tpu.memory_space<vmem>>
      %dma_start3A_257 = tpu.memref_squeeze %dma_start3A_256 : memref<1x1x8x128xf32, #tpu.memory_space<vmem>> -> memref<8x128xf32, #tpu.memory_space<vmem>>
      %dma_start3A_258 = arith.constant 8 : i32
      %dma_start3A_259 = tpu.memref_slice %arg2[%dma_start3A_258, %mul3A_246] : memref<32x100000xf32, #tpu.memory_space<hbm>> -> memref<8x128xf32, #tpu.memory_space<hbm>>
      tpu.enqueue_dma source(%dma_start3A_259 : memref<8x128xf32, #tpu.memory_space<hbm>>) target(%dma_start3A_257 : memref<8x128xf32, #tpu.memory_space<vmem>>) target_semaphore(%arg9 : memref<!tpu.dma_semaphore, #tpu.memory_space<semaphore_mem>>)
      %add3A_260 = arith.addi %add3A_4, %while3A_226 : i32
      %mul3A_261 = arith.constant 128 : i32
      %mul3A_262 = arith.muli %add3A_260, %mul3A_261 : i32
      %dma_start3A_263 = arith.constant 2 : i32
      %dma_start3A_264 = arith.constant 0 : i32
      %dma_start3A_265 = arith.constant 0 : i32
      %dma_start3A_266 = tpu.memref_slice %arg5[%dma_start3A_263, %while3A_226, %dma_start3A_264, %dma_start3A_265] : memref<4x25x8x128xf32, #tpu.memory_space<vmem>> -> memref<1x1x8x128xf32, #tpu.memory_space<vmem>>
      %dma_start3A_267 = tpu.memref_squeeze %dma_start3A_266 : memref<1x1x8x128xf32, #tpu.memory_space<vmem>> -> memref<8x128xf32, #tpu.memory_space<vmem>>
      %dma_start3A_268 = arith.constant 16 : i32
      %dma_start3A_269 = tpu.memref_slice %arg2[%dma_start3A_268, %mul3A_262] : memref<32x100000xf32, #tpu.memory_space<hbm>> -> memref<8x128xf32, #tpu.memory_space<hbm>>
      %dma_start3A_270 = arith.constant 0 : i32
      %dma_start3A_271 = arith.constant 0 : i32
      %dma_start3A_272 = tpu.memref_slice %arg5[%dma_start3A_263, %while3A_226, %dma_start3A_270, %dma_start3A_271] : memref<4x25x8x128xf32, #tpu.memory_space<vmem>> -> memref<1x1x8x128xf32, #tpu.memory_space<vmem>>
      %dma_start3A_273 = tpu.memref_squeeze %dma_start3A_272 : memref<1x1x8x128xf32, #tpu.memory_space<vmem>> -> memref<8x128xf32, #tpu.memory_space<vmem>>
      %dma_start3A_274 = arith.constant 16 : i32
      %dma_start3A_275 = tpu.memref_slice %arg2[%dma_start3A_274, %mul3A_262] : memref<32x100000xf32, #tpu.memory_space<hbm>> -> memref<8x128xf32, #tpu.memory_space<hbm>>
      tpu.enqueue_dma source(%dma_start3A_275 : memref<8x128xf32, #tpu.memory_space<hbm>>) target(%dma_start3A_273 : memref<8x128xf32, #tpu.memory_space<vmem>>) target_semaphore(%arg9 : memref<!tpu.dma_semaphore, #tpu.memory_space<semaphore_mem>>)
      %add3A_276 = arith.addi %add3A_4, %while3A_226 : i32
      %mul3A_277 = arith.constant 128 : i32
      %mul3A_278 = arith.muli %add3A_276, %mul3A_277 : i32
      %dma_start3A_279 = arith.constant 3 : i32
      %dma_start3A_280 = arith.constant 0 : i32
      %dma_start3A_281 = arith.constant 0 : i32
      %dma_start3A_282 = tpu.memref_slice %arg5[%dma_start3A_279, %while3A_226, %dma_start3A_280, %dma_start3A_281] : memref<4x25x8x128xf32, #tpu.memory_space<vmem>> -> memref<1x1x8x128xf32, #tpu.memory_space<vmem>>
      %dma_start3A_283 = tpu.memref_squeeze %dma_start3A_282 : memref<1x1x8x128xf32, #tpu.memory_space<vmem>> -> memref<8x128xf32, #tpu.memory_space<vmem>>
      %dma_start3A_284 = arith.constant 24 : i32
      %dma_start3A_285 = tpu.memref_slice %arg2[%dma_start3A_284, %mul3A_278] : memref<32x100000xf32, #tpu.memory_space<hbm>> -> memref<8x128xf32, #tpu.memory_space<hbm>>
      %dma_start3A_286 = arith.constant 0 : i32
      %dma_start3A_287 = arith.constant 0 : i32
      %dma_start3A_288 = tpu.memref_slice %arg5[%dma_start3A_279, %while3A_226, %dma_start3A_286, %dma_start3A_287] : memref<4x25x8x128xf32, #tpu.memory_space<vmem>> -> memref<1x1x8x128xf32, #tpu.memory_space<vmem>>
      %dma_start3A_289 = tpu.memref_squeeze %dma_start3A_288 : memref<1x1x8x128xf32, #tpu.memory_space<vmem>> -> memref<8x128xf32, #tpu.memory_space<vmem>>
      %dma_start3A_290 = arith.constant 24 : i32
      %dma_start3A_291 = tpu.memref_slice %arg2[%dma_start3A_290, %mul3A_278] : memref<32x100000xf32, #tpu.memory_space<hbm>> -> memref<8x128xf32, #tpu.memory_space<hbm>>
      tpu.enqueue_dma source(%dma_start3A_291 : memref<8x128xf32, #tpu.memory_space<hbm>>) target(%dma_start3A_289 : memref<8x128xf32, #tpu.memory_space<vmem>>) target_semaphore(%arg9 : memref<!tpu.dma_semaphore, #tpu.memory_space<semaphore_mem>>)
      %add3A_292 = arith.constant 1 : i32
      %add3A_293 = arith.addi %while3A_226, %add3A_292 : i32
      scf.yield %add3A_293 : i32
    }
    %while3A_84 = arith.constant 1 : i32
    %while3A_85 = scf.for %while3A_226 = %while3A_81 to %while3A_77 step %while3A_84 iter_args(%while3A_227 = %while3A_83) -> (i32)  : i32 {
      %add3A_228 = arith.addi %add3A_4, %while3A_226 : i32
      %mul3A_229 = arith.constant 128 : i32
      %mul3A_230 = arith.muli %add3A_228, %mul3A_229 : i32
      %dma_start3A_231 = arith.constant 0 : i32
      %dma_start3A_232 = arith.constant 0 : i32
      %dma_start3A_233 = arith.constant 0 : i32
      %dma_start3A_234 = tpu.memref_slice %arg5[%dma_start3A_231, %while3A_226, %dma_start3A_232, %dma_start3A_233] : memref<4x25x8x128xf32, #tpu.memory_space<vmem>> -> memref<1x1x8x128xf32, #tpu.memory_space<vmem>>
      %dma_start3A_235 = tpu.memref_squeeze %dma_start3A_234 : memref<1x1x8x128xf32, #tpu.memory_space<vmem>> -> memref<8x128xf32, #tpu.memory_space<vmem>>
      %dma_start3A_236 = arith.constant 0 : i32
      %dma_start3A_237 = tpu.memref_slice %arg2[%dma_start3A_236, %mul3A_230] : memref<32x100000xf32, #tpu.memory_space<hbm>> -> memref<8x128xf32, #tpu.memory_space<hbm>>
      %dma_start3A_238 = arith.constant 0 : i32
      %dma_start3A_239 = arith.constant 0 : i32
      %dma_start3A_240 = tpu.memref_slice %arg5[%dma_start3A_231, %while3A_226, %dma_start3A_238, %dma_start3A_239] : memref<4x25x8x128xf32, #tpu.memory_space<vmem>> -> memref<1x1x8x128xf32, #tpu.memory_space<vmem>>
      %dma_start3A_241 = tpu.memref_squeeze %dma_start3A_240 : memref<1x1x8x128xf32, #tpu.memory_space<vmem>> -> memref<8x128xf32, #tpu.memory_space<vmem>>
      %dma_start3A_242 = arith.constant 0 : i32
      %dma_start3A_243 = tpu.memref_slice %arg2[%dma_start3A_242, %mul3A_230] : memref<32x100000xf32, #tpu.memory_space<hbm>> -> memref<8x128xf32, #tpu.memory_space<hbm>>
      tpu.enqueue_dma source(%dma_start3A_243 : memref<8x128xf32, #tpu.memory_space<hbm>>) target(%dma_start3A_241 : memref<8x128xf32, #tpu.memory_space<vmem>>) target_semaphore(%arg9 : memref<!tpu.dma_semaphore, #tpu.memory_space<semaphore_mem>>)
      %add3A_244 = arith.addi %add3A_4, %while3A_226 : i32
      %mul3A_245 = arith.constant 128 : i32
      %mul3A_246 = arith.muli %add3A_244, %mul3A_245 : i32
      %dma_start3A_247 = arith.constant 1 : i32
      %dma_start3A_248 = arith.constant 0 : i32
      %dma_start3A_249 = arith.constant 0 : i32
      %dma_start3A_250 = tpu.memref_slice %arg5[%dma_start3A_247, %while3A_226, %dma_start3A_248, %dma_start3A_249] : memref<4x25x8x128xf32, #tpu.memory_space<vmem>> -> memref<1x1x8x128xf32, #tpu.memory_space<vmem>>
      %dma_start3A_251 = tpu.memref_squeeze %dma_start3A_250 : memref<1x1x8x128xf32, #tpu.memory_space<vmem>> -> memref<8x128xf32, #tpu.memory_space<vmem>>
      %dma_start3A_252 = arith.constant 8 : i32
      %dma_start3A_253 = tpu.memref_slice %arg2[%dma_start3A_252, %mul3A_246] : memref<32x100000xf32, #tpu.memory_space<hbm>> -> memref<8x128xf32, #tpu.memory_space<hbm>>
      %dma_start3A_254 = arith.constant 0 : i32
      %dma_start3A_255 = arith.constant 0 : i32
      %dma_start3A_256 = tpu.memref_slice %arg5[%dma_start3A_247, %while3A_226, %dma_start3A_254, %dma_start3A_255] : memref<4x25x8x128xf32, #tpu.memory_space<vmem>> -> memref<1x1x8x128xf32, #tpu.memory_space<vmem>>
      %dma_start3A_257 = tpu.memref_squeeze %dma_start3A_256 : memref<1x1x8x128xf32, #tpu.memory_space<vmem>> -> memref<8x128xf32, #tpu.memory_space<vmem>>
      %dma_start3A_258 = arith.constant 8 : i32
      %dma_start3A_259 = tpu.memref_slice %arg2[%dma_start3A_258, %mul3A_246] : memref<32x100000xf32, #tpu.memory_space<hbm>> -> memref<8x128xf32, #tpu.memory_space<hbm>>
      tpu.enqueue_dma source(%dma_start3A_259 : memref<8x128xf32, #tpu.memory_space<hbm>>) target(%dma_start3A_257 : memref<8x128xf32, #tpu.memory_space<vmem>>) target_semaphore(%arg9 : memref<!tpu.dma_semaphore, #tpu.memory_space<semaphore_mem>>)
      %add3A_260 = arith.addi %add3A_4, %while3A_226 : i32
      %mul3A_261 = arith.constant 128 : i32
      %mul3A_262 = arith.muli %add3A_260, %mul3A_261 : i32
      %dma_start3A_263 = arith.constant 2 : i32
      %dma_start3A_264 = arith.constant 0 : i32
      %dma_start3A_265 = arith.constant 0 : i32
      %dma_start3A_266 = tpu.memref_slice %arg5[%dma_start3A_263, %while3A_226, %dma_start3A_264, %dma_start3A_265] : memref<4x25x8x128xf32, #tpu.memory_space<vmem>> -> memref<1x1x8x128xf32, #tpu.memory_space<vmem>>
      %dma_start3A_267 = tpu.memref_squeeze %dma_start3A_266 : memref<1x1x8x128xf32, #tpu.memory_space<vmem>> -> memref<8x128xf32, #tpu.memory_space<vmem>>
      %dma_start3A_268 = arith.constant 16 : i32
      %dma_start3A_269 = tpu.memref_slice %arg2[%dma_start3A_268, %mul3A_262] : memref<32x100000xf32, #tpu.memory_space<hbm>> -> memref<8x128xf32, #tpu.memory_space<hbm>>
      %dma_start3A_270 = arith.constant 0 : i32
      %dma_start3A_271 = arith.constant 0 : i32
      %dma_start3A_272 = tpu.memref_slice %arg5[%dma_start3A_263, %while3A_226, %dma_start3A_270, %dma_start3A_271] : memref<4x25x8x128xf32, #tpu.memory_space<vmem>> -> memref<1x1x8x128xf32, #tpu.memory_space<vmem>>
      %dma_start3A_273 = tpu.memref_squeeze %dma_start3A_272 : memref<1x1x8x128xf32, #tpu.memory_space<vmem>> -> memref<8x128xf32, #tpu.memory_space<vmem>>
      %dma_start3A_274 = arith.constant 16 : i32
      %dma_start3A_275 = tpu.memref_slice %arg2[%dma_start3A_274, %mul3A_262] : memref<32x100000xf32, #tpu.memory_space<hbm>> -> memref<8x128xf32, #tpu.memory_space<hbm>>
      tpu.enqueue_dma source(%dma_start3A_275 : memref<8x128xf32, #tpu.memory_space<hbm>>) target(%dma_start3A_273 : memref<8x128xf32, #tpu.memory_space<vmem>>) target_semaphore(%arg9 : memref<!tpu.dma_semaphore, #tpu.memory_space<semaphore_mem>>)
      %add3A_276 = arith.addi %add3A_4, %while3A_226 : i32
      %mul3A_277 = arith.constant 128 : i32
      %mul3A_278 = arith.muli %add3A_276, %mul3A_277 : i32
      %dma_start3A_279 = arith.constant 3 : i32
      %dma_start3A_280 = arith.constant 0 : i32
      %dma_start3A_281 = arith.constant 0 : i32
      %dma_start3A_282 = tpu.memref_slice %arg5[%dma_start3A_279, %while3A_226, %dma_start3A_280, %dma_start3A_281] : memref<4x25x8x128xf32, #tpu.memory_space<vmem>> -> memref<1x1x8x128xf32, #tpu.memory_space<vmem>>
      %dma_start3A_283 = tpu.memref_squeeze %dma_start3A_282 : memref<1x1x8x128xf32, #tpu.memory_space<vmem>> -> memref<8x128xf32, #tpu.memory_space<vmem>>
      %dma_start3A_284 = arith.constant 24 : i32
      %dma_start3A_285 = tpu.memref_slice %arg2[%dma_start3A_284, %mul3A_278] : memref<32x100000xf32, #tpu.memory_space<hbm>> -> memref<8x128xf32, #tpu.memory_space<hbm>>
      %dma_start3A_286 = arith.constant 0 : i32
      %dma_start3A_287 = arith.constant 0 : i32
      %dma_start3A_288 = tpu.memref_slice %arg5[%dma_start3A_279, %while3A_226, %dma_start3A_286, %dma_start3A_287] : memref<4x25x8x128xf32, #tpu.memory_space<vmem>> -> memref<1x1x8x128xf32, #tpu.memory_space<vmem>>
      %dma_start3A_289 = tpu.memref_squeeze %dma_start3A_288 : memref<1x1x8x128xf32, #tpu.memory_space<vmem>> -> memref<8x128xf32, #tpu.memory_space<vmem>>
      %dma_start3A_290 = arith.constant 24 : i32
      %dma_start3A_291 = tpu.memref_slice %arg2[%dma_start3A_290, %mul3A_278] : memref<32x100000xf32, #tpu.memory_space<hbm>> -> memref<8x128xf32, #tpu.memory_space<hbm>>
      tpu.enqueue_dma source(%dma_start3A_291 : memref<8x128xf32, #tpu.memory_space<hbm>>) target(%dma_start3A_289 : memref<8x128xf32, #tpu.memory_space<vmem>>) target_semaphore(%arg9 : memref<!tpu.dma_semaphore, #tpu.memory_space<semaphore_mem>>)
      %add3A_292 = arith.constant 1 : i32
      %add3A_293 = arith.addi %while3A_226, %add3A_292 : i32
      scf.yield %add3A_293 : i32
    }
    %scan3A = arith.constant 0 : i32
    %scan3A_86 = arith.constant 0 : i32
    %scan3A_87 = arith.constant 4 : i32
    %scan3A_88 = arith.addi %scan3A_86, %scan3A_87 : i32
    %scan3A_89 = arith.constant 1 : i32
    %scan3A_90 = scf.for %scan3A_226 = %scan3A_86 to %scan3A_88 step %scan3A_89 iter_args(%scan3A_227 = %scan3A) -> (i32)  : i32 {
      %mul3A_228 = arith.constant 4096 : i32
      %mul3A_229 = arith.muli %scan3A_226, %mul3A_228 : i32
      %jit3A_230 = arith.constant 2 : i32
      %eq3A_231 = arith.constant 0 : i32
      %eq3A_232 = arith.cmpi eq, %jit3A_230, %eq3A_231 : i32
      %jit3A_233 = arith.constant 1 : i32
      %select_n3A_234 = arith.select %eq3A_232, %jit3A_233, %jit3A_230 : i32
      %rem3A_235 = arith.remsi %scan3A_226, %select_n3A_234 : i32
      %ne3A_236 = arith.constant 0 : i32
      %ne3A_237 = arith.cmpi ne, %rem3A_235, %ne3A_236 : i32
      %lt3A_238 = arith.constant 0 : i32
      %lt3A_239 = arith.cmpi slt, %rem3A_235, %lt3A_238 : i32
      %lt3A_240 = arith.constant 0 : i32
      %lt3A_241 = arith.cmpi slt, %select_n3A_234, %lt3A_240 : i32
      %ne3A_242 = arith.xori %lt3A_239, %lt3A_241 : i1
      %and3A_243 = arith.andi %ne3A_242, %ne3A_237 : i1
      %add3A_244 = arith.addi %rem3A_235, %select_n3A_234 : i32
      %select_n3A_245 = arith.select %and3A_243, %add3A_244, %rem3A_235 : i32
      %jit3A_246 = arith.constant 2 : i32
      %eq3A_247 = arith.constant 0 : i32
      %eq3A_248 = arith.cmpi eq, %jit3A_246, %eq3A_247 : i32
      %jit3A_249 = arith.constant 1 : i32
      %select_n3A_250 = arith.select %eq3A_248, %jit3A_249, %jit3A_246 : i32
      %rem3A_251 = arith.remsi %scan3A_226, %select_n3A_250 : i32
      %ne3A_252 = arith.constant 0 : i32
      %ne3A_253 = arith.cmpi ne, %rem3A_251, %ne3A_252 : i32
      %lt3A_254 = arith.constant 0 : i32
      %lt3A_255 = arith.cmpi slt, %rem3A_251, %lt3A_254 : i32
      %lt3A_256 = arith.constant 0 : i32
      %lt3A_257 = arith.cmpi slt, %select_n3A_250, %lt3A_256 : i32
      %ne3A_258 = arith.xori %lt3A_255, %lt3A_257 : i1
      %and3A_259 = arith.andi %ne3A_258, %ne3A_253 : i1
      %add3A_260 = arith.addi %rem3A_251, %select_n3A_250 : i32
      %select_n3A_261 = arith.select %and3A_259, %add3A_260, %rem3A_251 : i32
      %dma_wait3A = arith.constant 0 : i32
      %dma_wait3A_262 = tpu.memref_slice %arg6[%select_n3A_245, %dma_wait3A] : memref<2x4096xi32, #tpu.memory_space<vmem>> -> memref<1x4096xi32, #tpu.memory_space<vmem>>
      %dma_wait3A_263 = tpu.memref_squeeze %dma_wait3A_262 : memref<1x4096xi32, #tpu.memory_space<vmem>> -> memref<4096xi32, #tpu.memory_space<vmem>>
      %dma_wait3A_264 = tpu.memref_slice %arg3[%mul3A_229] : memref<16384xi32, #tpu.memory_space<hbm>> -> memref<4096xi32, #tpu.memory_space<hbm>>
      %dma_wait3A_265 = tpu.memref_slice %arg10[%select_n3A_261] : memref<2x!tpu.dma_semaphore, #tpu.memory_space<semaphore_mem>> -> memref<1x!tpu.dma_semaphore, #tpu.memory_space<semaphore_mem>>
      %dma_wait3A_266 = tpu.memref_squeeze %dma_wait3A_265 : memref<1x!tpu.dma_semaphore, #tpu.memory_space<semaphore_mem>> -> memref<!tpu.dma_semaphore, #tpu.memory_space<semaphore_mem>>
      %dma_wait3A_267 = arith.constant 0 : i32
      %dma_wait3A_268 = tpu.memref_slice %arg6[%select_n3A_245, %dma_wait3A_267] : memref<2x4096xi32, #tpu.memory_space<vmem>> -> memref<1x4096xi32, #tpu.memory_space<vmem>>
      %dma_wait3A_269 = tpu.memref_squeeze %dma_wait3A_268 : memref<1x4096xi32, #tpu.memory_space<vmem>> -> memref<4096xi32, #tpu.memory_space<vmem>>
      %dma_wait3A_270 = tpu.memref_slice %arg3[%mul3A_229] : memref<16384xi32, #tpu.memory_space<hbm>> -> memref<4096xi32, #tpu.memory_space<hbm>>
      tpu.wait_dma2 semaphore(%dma_wait3A_266 : memref<!tpu.dma_semaphore, #tpu.memory_space<semaphore_mem>>) src(%dma_wait3A_270 : memref<4096xi32, #tpu.memory_space<hbm>>) dst(%dma_wait3A_269 : memref<4096xi32, #tpu.memory_space<vmem>>)
      %add3A_271 = arith.constant 1 : i32
      %add3A_272 = arith.addi %scan3A_226, %add3A_271 : i32
      %lt3A_273 = arith.constant 4 : i32
      %lt3A_274 = arith.cmpi slt, %add3A_272, %lt3A_273 : i32
      %convert_element_type3A_275 = arith.extui %lt3A_274 : i1 to i32
      %cond3A_276 = arith.constant 0 : i32
      %cond3A_277 = arith.cmpi ne, %convert_element_type3A_275, %cond3A_276 : i32
      scf.if %cond3A_277 {
        %add3A_284 = arith.constant 1 : i32
        %add3A_285 = arith.addi %scan3A_226, %add3A_284 : i32
        %mul3A_286 = arith.constant 4096 : i32
        %mul3A_287 = arith.muli %add3A_285, %mul3A_286 : i32
        %jit3A_288 = arith.constant 2 : i32
        %eq3A_289 = arith.constant 0 : i32
        %eq3A_290 = arith.cmpi eq, %jit3A_288, %eq3A_289 : i32
        %jit3A_291 = arith.constant 1 : i32
        %select_n3A_292 = arith.select %eq3A_290, %jit3A_291, %jit3A_288 : i32
        %rem3A_293 = arith.remsi %add3A_285, %select_n3A_292 : i32
        %ne3A_294 = arith.constant 0 : i32
        %ne3A_295 = arith.cmpi ne, %rem3A_293, %ne3A_294 : i32
        %lt3A_296 = arith.constant 0 : i32
        %lt3A_297 = arith.cmpi slt, %rem3A_293, %lt3A_296 : i32
        %lt3A_298 = arith.constant 0 : i32
        %lt3A_299 = arith.cmpi slt, %select_n3A_292, %lt3A_298 : i32
        %ne3A_300 = arith.xori %lt3A_297, %lt3A_299 : i1
        %and3A_301 = arith.andi %ne3A_300, %ne3A_295 : i1
        %add3A_302 = arith.addi %rem3A_293, %select_n3A_292 : i32
        %select_n3A_303 = arith.select %and3A_301, %add3A_302, %rem3A_293 : i32
        %jit3A_304 = arith.constant 2 : i32
        %eq3A_305 = arith.constant 0 : i32
        %eq3A_306 = arith.cmpi eq, %jit3A_304, %eq3A_305 : i32
        %jit3A_307 = arith.constant 1 : i32
        %select_n3A_308 = arith.select %eq3A_306, %jit3A_307, %jit3A_304 : i32
        %rem3A_309 = arith.remsi %add3A_285, %select_n3A_308 : i32
        %ne3A_310 = arith.constant 0 : i32
        %ne3A_311 = arith.cmpi ne, %rem3A_309, %ne3A_310 : i32
        %lt3A_312 = arith.constant 0 : i32
        %lt3A_313 = arith.cmpi slt, %rem3A_309, %lt3A_312 : i32
        %lt3A_314 = arith.constant 0 : i32
        %lt3A_315 = arith.cmpi slt, %select_n3A_308, %lt3A_314 : i32
        %ne3A_316 = arith.xori %lt3A_313, %lt3A_315 : i1
        %and3A_317 = arith.andi %ne3A_316, %ne3A_311 : i1
        %add3A_318 = arith.addi %rem3A_309, %select_n3A_308 : i32
        %select_n3A_319 = arith.select %and3A_317, %add3A_318, %rem3A_309 : i32
        %dma_start3A_320 = arith.constant 0 : i32
        %dma_start3A_321 = tpu.memref_slice %arg6[%select_n3A_303, %dma_start3A_320] : memref<2x4096xi32, #tpu.memory_space<vmem>> -> memref<1x4096xi32, #tpu.memory_space<vmem>>
        %dma_start3A_322 = tpu.memref_squeeze %dma_start3A_321 : memref<1x4096xi32, #tpu.memory_space<vmem>> -> memref<4096xi32, #tpu.memory_space<vmem>>
        %dma_start3A_323 = tpu.memref_slice %arg3[%mul3A_287] : memref<16384xi32, #tpu.memory_space<hbm>> -> memref<4096xi32, #tpu.memory_space<hbm>>
        %dma_start3A_324 = tpu.memref_slice %arg10[%select_n3A_319] : memref<2x!tpu.dma_semaphore, #tpu.memory_space<semaphore_mem>> -> memref<1x!tpu.dma_semaphore, #tpu.memory_space<semaphore_mem>>
        %dma_start3A_325 = tpu.memref_squeeze %dma_start3A_324 : memref<1x!tpu.dma_semaphore, #tpu.memory_space<semaphore_mem>> -> memref<!tpu.dma_semaphore, #tpu.memory_space<semaphore_mem>>
        %dma_start3A_326 = arith.constant 0 : i32
        %dma_start3A_327 = tpu.memref_slice %arg6[%select_n3A_303, %dma_start3A_326] : memref<2x4096xi32, #tpu.memory_space<vmem>> -> memref<1x4096xi32, #tpu.memory_space<vmem>>
        %dma_start3A_328 = tpu.memref_squeeze %dma_start3A_327 : memref<1x4096xi32, #tpu.memory_space<vmem>> -> memref<4096xi32, #tpu.memory_space<vmem>>
        %dma_start3A_329 = tpu.memref_slice %arg3[%mul3A_287] : memref<16384xi32, #tpu.memory_space<hbm>> -> memref<4096xi32, #tpu.memory_space<hbm>>
        tpu.enqueue_dma source(%dma_start3A_329 : memref<4096xi32, #tpu.memory_space<hbm>>) target(%dma_start3A_328 : memref<4096xi32, #tpu.memory_space<vmem>>) target_semaphore(%dma_start3A_325 : memref<!tpu.dma_semaphore, #tpu.memory_space<semaphore_mem>>)
      } else {
      }
      %scan3A_278 = arith.constant 0 : i32
      %scan3A_279 = arith.constant 256 : i32
      %scan3A_280 = arith.addi %scan3A_278, %scan3A_279 : i32
      %scan3A_281 = arith.constant 4 : i32
      %scan3A_282 = scf.for %scan3A_284 = %scan3A_278 to %scan3A_280 step %scan3A_281 iter_args(%scan3A_285 = %scan3A_227) -> (i32)  : i32 {
        %jit3A_286 = arith.constant 2 : i32
        %eq3A_287 = arith.constant 0 : i32
        %eq3A_288 = arith.cmpi eq, %jit3A_286, %eq3A_287 : i32
        %jit3A_289 = arith.constant 1 : i32
        %select_n3A_290 = arith.select %eq3A_288, %jit3A_289, %jit3A_286 : i32
        %rem3A_291 = arith.remsi %scan3A_226, %select_n3A_290 : i32
        %ne3A_292 = arith.constant 0 : i32
        %ne3A_293 = arith.cmpi ne, %rem3A_291, %ne3A_292 : i32
        %lt3A_294 = arith.constant 0 : i32
        %lt3A_295 = arith.cmpi slt, %rem3A_291, %lt3A_294 : i32
        %lt3A_296 = arith.constant 0 : i32
        %lt3A_297 = arith.cmpi slt, %select_n3A_290, %lt3A_296 : i32
        %ne3A_298 = arith.xori %lt3A_295, %lt3A_297 : i1
        %and3A_299 = arith.andi %ne3A_298, %ne3A_293 : i1
        %add3A_300 = arith.addi %rem3A_291, %select_n3A_290 : i32
        %select_n3A_301 = arith.select %and3A_299, %add3A_300, %rem3A_291 : i32
        %mul3A_302 = arith.constant 16 : i32
        %mul3A_303 = arith.muli %scan3A_284, %mul3A_302 : i32
        %get3A = arith.index_cast %select_n3A_301 : i32 to index
        %get3A_304 = arith.index_cast %mul3A_303 : i32 to index
        %get3A_305 = tpu.vector_load %arg6[%get3A, %get3A_304] {strides = array<i32>} : memref<2x4096xi32, #tpu.memory_space<vmem>>, vector<16xi32>,
        %ge3A = arith.cmpi sge, %get3A_305, %broadcast_in_dim3A_59 : vector<16xi32>
        %lt3A_306 = arith.cmpi slt, %get3A_305, %broadcast_in_dim3A_60 : vector<16xi32>
        %and3A_307 = arith.andi %ge3A, %lt3A_306 : vector<16xi1>
        %all_reduce_population_count3A = tpu.all_reduce %and3A_307 {dim = 0 : i64, kind = #tpu.reduction_kind<sum>} : vector<16xi1> -> vector<16xi32>
        %slice3A = vector.extract_strided_slice %all_reduce_population_count3A {offsets = [0], sizes = [1], strides = [1]} : vector<16xi32> to vector<1xi32>
        %squeeze3A = vector.extract %slice3A[0] : i32 from vector<1xi32>
        %shift_left3A = arith.constant 14 : i32
        %shift_left3A_308 = vector.broadcast %shift_left3A : i32 to vector<16xi32>
        %shift_left3A_309 = arith.shli %get3A_305, %shift_left3A_308 : vector<16xi32>
        %mul3A_310 = arith.constant 4096 : i32
        %mul3A_311 = arith.muli %scan3A_226, %mul3A_310 : i32
        %mul3A_312 = arith.constant 16 : i32
        %mul3A_313 = arith.muli %scan3A_284, %mul3A_312 : i32
        %add3A_314 = arith.addi %mul3A_311, %mul3A_313 : i32
        %add3A_315 = vector.broadcast %add3A_314 : i32 to vector<16xi32>
        %add3A_316 = arith.addi %iota3A, %add3A_315 : vector<16xi32>
        %or3A = arith.ori %shift_left3A_309, %add3A_316 : vector<16xi32>
        %swap3A = arith.index_cast %scan3A_285 : i32 to index
        %swap3A_317 = tpu.vector_load %arg7[%swap3A] masked %and3A_307 {strides = array<i32>} : memref<16400xi32, #tpu.memory_space<vmem>>, vector<16xi32>, vector<16xi1>
        tpu.vector_store %arg7[%swap3A], %or3A masked %and3A_307 {strides = array<i32>} : memref<16400xi32, #tpu.memory_space<vmem>>, vector<16xi32>, vector<16xi1>
        %add3A_318 = arith.addi %scan3A_285, %squeeze3A : i32
        %scan3A_319 = arith.constant 1 : i32
        %scan3A_320 = arith.addi %scan3A_284, %scan3A_319 : i32
        %jit3A_321 = arith.constant 2 : i32
        %eq3A_322 = arith.constant 0 : i32
        %eq3A_323 = arith.cmpi eq, %jit3A_321, %eq3A_322 : i32
        %jit3A_324 = arith.constant 1 : i32
        %select_n3A_325 = arith.select %eq3A_323, %jit3A_324, %jit3A_321 : i32
        %rem3A_326 = arith.remsi %scan3A_226, %select_n3A_325 : i32
        %ne3A_327 = arith.constant 0 : i32
        %ne3A_328 = arith.cmpi ne, %rem3A_326, %ne3A_327 : i32
        %lt3A_329 = arith.constant 0 : i32
        %lt3A_330 = arith.cmpi slt, %rem3A_326, %lt3A_329 : i32
        %lt3A_331 = arith.constant 0 : i32
        %lt3A_332 = arith.cmpi slt, %select_n3A_325, %lt3A_331 : i32
        %ne3A_333 = arith.xori %lt3A_330, %lt3A_332 : i1
        %and3A_334 = arith.andi %ne3A_333, %ne3A_328 : i1
        %add3A_335 = arith.addi %rem3A_326, %select_n3A_325 : i32
        %select_n3A_336 = arith.select %and3A_334, %add3A_335, %rem3A_326 : i32
        %mul3A_337 = arith.constant 16 : i32
        %mul3A_338 = arith.muli %scan3A_320, %mul3A_337 : i32
        %get3A_339 = arith.index_cast %select_n3A_336 : i32 to index
        %get3A_340 = arith.index_cast %mul3A_338 : i32 to index
        %get3A_341 = tpu.vector_load %arg6[%get3A_339, %get3A_340] {strides = array<i32>} : memref<2x4096xi32, #tpu.memory_space<vmem>>, vector<16xi32>,
        %ge3A_342 = arith.cmpi sge, %get3A_341, %broadcast_in_dim3A_59 : vector<16xi32>
        %lt3A_343 = arith.cmpi slt, %get3A_341, %broadcast_in_dim3A_60 : vector<16xi32>
        %and3A_344 = arith.andi %ge3A_342, %lt3A_343 : vector<16xi1>
        %all_reduce_population_count3A_345 = tpu.all_reduce %and3A_344 {dim = 0 : i64, kind = #tpu.reduction_kind<sum>} : vector<16xi1> -> vector<16xi32>
        %slice3A_346 = vector.extract_strided_slice %all_reduce_population_count3A_345 {offsets = [0], sizes = [1], strides = [1]} : vector<16xi32> to vector<1xi32>
        %squeeze3A_347 = vector.extract %slice3A_346[0] : i32 from vector<1xi32>
        %shift_left3A_348 = arith.constant 14 : i32
        %shift_left3A_349 = vector.broadcast %shift_left3A_348 : i32 to vector<16xi32>
        %shift_left3A_350 = arith.shli %get3A_341, %shift_left3A_349 : vector<16xi32>
        %mul3A_351 = arith.constant 4096 : i32
        %mul3A_352 = arith.muli %scan3A_226, %mul3A_351 : i32
        %mul3A_353 = arith.constant 16 : i32
        %mul3A_354 = arith.muli %scan3A_320, %mul3A_353 : i32
        %add3A_355 = arith.addi %mul3A_352, %mul3A_354 : i32
        %add3A_356 = vector.broadcast %add3A_355 : i32 to vector<16xi32>
        %add3A_357 = arith.addi %iota3A, %add3A_356 : vector<16xi32>
        %or3A_358 = arith.ori %shift_left3A_350, %add3A_357 : vector<16xi32>
        %swap3A_359 = arith.index_cast %add3A_318 : i32 to index
        %swap3A_360 = tpu.vector_load %arg7[%swap3A_359] masked %and3A_344 {strides = array<i32>} : memref<16400xi32, #tpu.memory_space<vmem>>, vector<16xi32>, vector<16xi1>
        tpu.vector_store %arg7[%swap3A_359], %or3A_358 masked %and3A_344 {strides = array<i32>} : memref<16400xi32, #tpu.memory_space<vmem>>, vector<16xi32>, vector<16xi1>
        %add3A_361 = arith.addi %add3A_318, %squeeze3A_347 : i32
        %scan3A_362 = arith.constant 2 : i32
        %scan3A_363 = arith.addi %scan3A_284, %scan3A_362 : i32
        %jit3A_364 = arith.constant 2 : i32
        %eq3A_365 = arith.constant 0 : i32
        %eq3A_366 = arith.cmpi eq, %jit3A_364, %eq3A_365 : i32
        %jit3A_367 = arith.constant 1 : i32
        %select_n3A_368 = arith.select %eq3A_366, %jit3A_367, %jit3A_364 : i32
        %rem3A_369 = arith.remsi %scan3A_226, %select_n3A_368 : i32
        %ne3A_370 = arith.constant 0 : i32
        %ne3A_371 = arith.cmpi ne, %rem3A_369, %ne3A_370 : i32
        %lt3A_372 = arith.constant 0 : i32
        %lt3A_373 = arith.cmpi slt, %rem3A_369, %lt3A_372 : i32
        %lt3A_374 = arith.constant 0 : i32
        %lt3A_375 = arith.cmpi slt, %select_n3A_368, %lt3A_374 : i32
        %ne3A_376 = arith.xori %lt3A_373, %lt3A_375 : i1
        %and3A_377 = arith.andi %ne3A_376, %ne3A_371 : i1
        %add3A_378 = arith.addi %rem3A_369, %select_n3A_368 : i32
        %select_n3A_379 = arith.select %and3A_377, %add3A_378, %rem3A_369 : i32
        %mul3A_380 = arith.constant 16 : i32
        %mul3A_381 = arith.muli %scan3A_363, %mul3A_380 : i32
        %get3A_382 = arith.index_cast %select_n3A_379 : i32 to index
        %get3A_383 = arith.index_cast %mul3A_381 : i32 to index
        %get3A_384 = tpu.vector_load %arg6[%get3A_382, %get3A_383] {strides = array<i32>} : memref<2x4096xi32, #tpu.memory_space<vmem>>, vector<16xi32>,
        %ge3A_385 = arith.cmpi sge, %get3A_384, %broadcast_in_dim3A_59 : vector<16xi32>
        %lt3A_386 = arith.cmpi slt, %get3A_384, %broadcast_in_dim3A_60 : vector<16xi32>
        %and3A_387 = arith.andi %ge3A_385, %lt3A_386 : vector<16xi1>
        %all_reduce_population_count3A_388 = tpu.all_reduce %and3A_387 {dim = 0 : i64, kind = #tpu.reduction_kind<sum>} : vector<16xi1> -> vector<16xi32>
        %slice3A_389 = vector.extract_strided_slice %all_reduce_population_count3A_388 {offsets = [0], sizes = [1], strides = [1]} : vector<16xi32> to vector<1xi32>
        %squeeze3A_390 = vector.extract %slice3A_389[0] : i32 from vector<1xi32>
        %shift_left3A_391 = arith.constant 14 : i32
        %shift_left3A_392 = vector.broadcast %shift_left3A_391 : i32 to vector<16xi32>
        %shift_left3A_393 = arith.shli %get3A_384, %shift_left3A_392 : vector<16xi32>
        %mul3A_394 = arith.constant 4096 : i32
        %mul3A_395 = arith.muli %scan3A_226, %mul3A_394 : i32
        %mul3A_396 = arith.constant 16 : i32
        %mul3A_397 = arith.muli %scan3A_363, %mul3A_396 : i32
        %add3A_398 = arith.addi %mul3A_395, %mul3A_397 : i32
        %add3A_399 = vector.broadcast %add3A_398 : i32 to vector<16xi32>
        %add3A_400 = arith.addi %iota3A, %add3A_399 : vector<16xi32>
        %or3A_401 = arith.ori %shift_left3A_393, %add3A_400 : vector<16xi32>
        %swap3A_402 = arith.index_cast %add3A_361 : i32 to index
        %swap3A_403 = tpu.vector_load %arg7[%swap3A_402] masked %and3A_387 {strides = array<i32>} : memref<16400xi32, #tpu.memory_space<vmem>>, vector<16xi32>, vector<16xi1>
        tpu.vector_store %arg7[%swap3A_402], %or3A_401 masked %and3A_387 {strides = array<i32>} : memref<16400xi32, #tpu.memory_space<vmem>>, vector<16xi32>, vector<16xi1>
        %add3A_404 = arith.addi %add3A_361, %squeeze3A_390 : i32
        %scan3A_405 = arith.constant 3 : i32
        %scan3A_406 = arith.addi %scan3A_284, %scan3A_405 : i32
        %jit3A_407 = arith.constant 2 : i32
        %eq3A_408 = arith.constant 0 : i32
        %eq3A_409 = arith.cmpi eq, %jit3A_407, %eq3A_408 : i32
        %jit3A_410 = arith.constant 1 : i32
        %select_n3A_411 = arith.select %eq3A_409, %jit3A_410, %jit3A_407 : i32
        %rem3A_412 = arith.remsi %scan3A_226, %select_n3A_411 : i32
        %ne3A_413 = arith.constant 0 : i32
        %ne3A_414 = arith.cmpi ne, %rem3A_412, %ne3A_413 : i32
        %lt3A_415 = arith.constant 0 : i32
        %lt3A_416 = arith.cmpi slt, %rem3A_412, %lt3A_415 : i32
        %lt3A_417 = arith.constant 0 : i32
        %lt3A_418 = arith.cmpi slt, %select_n3A_411, %lt3A_417 : i32
        %ne3A_419 = arith.xori %lt3A_416, %lt3A_418 : i1
        %and3A_420 = arith.andi %ne3A_419, %ne3A_414 : i1
        %add3A_421 = arith.addi %rem3A_412, %select_n3A_411 : i32
        %select_n3A_422 = arith.select %and3A_420, %add3A_421, %rem3A_412 : i32
        %mul3A_423 = arith.constant 16 : i32
        %mul3A_424 = arith.muli %scan3A_406, %mul3A_423 : i32
        %get3A_425 = arith.index_cast %select_n3A_422 : i32 to index
        %get3A_426 = arith.index_cast %mul3A_424 : i32 to index
        %get3A_427 = tpu.vector_load %arg6[%get3A_425, %get3A_426] {strides = array<i32>} : memref<2x4096xi32, #tpu.memory_space<vmem>>, vector<16xi32>,
        %ge3A_428 = arith.cmpi sge, %get3A_427, %broadcast_in_dim3A_59 : vector<16xi32>
        %lt3A_429 = arith.cmpi slt, %get3A_427, %broadcast_in_dim3A_60 : vector<16xi32>
        %and3A_430 = arith.andi %ge3A_428, %lt3A_429 : vector<16xi1>
        %all_reduce_population_count3A_431 = tpu.all_reduce %and3A_430 {dim = 0 : i64, kind = #tpu.reduction_kind<sum>} : vector<16xi1> -> vector<16xi32>
        %slice3A_432 = vector.extract_strided_slice %all_reduce_population_count3A_431 {offsets = [0], sizes = [1], strides = [1]} : vector<16xi32> to vector<1xi32>
        %squeeze3A_433 = vector.extract %slice3A_432[0] : i32 from vector<1xi32>
        %shift_left3A_434 = arith.constant 14 : i32
        %shift_left3A_435 = vector.broadcast %shift_left3A_434 : i32 to vector<16xi32>
        %shift_left3A_436 = arith.shli %get3A_427, %shift_left3A_435 : vector<16xi32>
        %mul3A_437 = arith.constant 4096 : i32
        %mul3A_438 = arith.muli %scan3A_226, %mul3A_437 : i32
        %mul3A_439 = arith.constant 16 : i32
        %mul3A_440 = arith.muli %scan3A_406, %mul3A_439 : i32
        %add3A_441 = arith.addi %mul3A_438, %mul3A_440 : i32
        %add3A_442 = vector.broadcast %add3A_441 : i32 to vector<16xi32>
        %add3A_443 = arith.addi %iota3A, %add3A_442 : vector<16xi32>
        %or3A_444 = arith.ori %shift_left3A_436, %add3A_443 : vector<16xi32>
        %swap3A_445 = arith.index_cast %add3A_404 : i32 to index
        %swap3A_446 = tpu.vector_load %arg7[%swap3A_445] masked %and3A_430 {strides = array<i32>} : memref<16400xi32, #tpu.memory_space<vmem>>, vector<16xi32>, vector<16xi1>
        tpu.vector_store %arg7[%swap3A_445], %or3A_444 masked %and3A_430 {strides = array<i32>} : memref<16400xi32, #tpu.memory_space<vmem>>, vector<16xi32>, vector<16xi1>
        %add3A_447 = arith.addi %add3A_404, %squeeze3A_433 : i32
        scf.yield %add3A_447 : i32
      }
      %scan3A_283 = arith.constant 256 : i32
      scf.yield %scan3A_282 : i32
    }
    %scan3A_91 = arith.constant 4 : i32
    %while3A_92 = arith.constant 0 : i32
    %while3A_93 = arith.constant 0 : i32
    %while3A_94 = arith.subi %select_n3A, %while3A_92 : i32
    %while3A_95 = arith.addi %while3A_92, %while3A_94 : i32
    %while3A_96 = arith.constant 1 : i32
    %while3A_97 = arith.divsi %while3A_94, %while3A_96 : i32
    %while3A_98 = arith.muli %while3A_97, %while3A_96 : i32
    %while3A_99 = arith.addi %while3A_92, %while3A_98 : i32
    %while3A_100 = arith.constant 1 : i32
    %while3A_101 = scf.for %while3A_226 = %while3A_92 to %while3A_99 step %while3A_100 iter_args(%while3A_227 = %while3A_93) -> (i32)  : i32 {
      %add3A_228 = arith.addi %add3A_4, %while3A_226 : i32
      %mul3A_229 = arith.constant 128 : i32
      %mul3A_230 = arith.muli %add3A_228, %mul3A_229 : i32
      %dma_wait3A = arith.constant 0 : i32
      %dma_wait3A_231 = arith.constant 0 : i32
      %dma_wait3A_232 = arith.constant 0 : i32
      %dma_wait3A_233 = tpu.memref_slice %arg5[%dma_wait3A, %while3A_226, %dma_wait3A_231, %dma_wait3A_232] : memref<4x25x8x128xf32, #tpu.memory_space<vmem>> -> memref<1x1x8x128xf32, #tpu.memory_space<vmem>>
      %dma_wait3A_234 = tpu.memref_squeeze %dma_wait3A_233 : memref<1x1x8x128xf32, #tpu.memory_space<vmem>> -> memref<8x128xf32, #tpu.memory_space<vmem>>
      %dma_wait3A_235 = arith.constant 0 : i32
      %dma_wait3A_236 = tpu.memref_slice %arg2[%dma_wait3A_235, %mul3A_230] : memref<32x100000xf32, #tpu.memory_space<hbm>> -> memref<8x128xf32, #tpu.memory_space<hbm>>
      %dma_wait3A_237 = arith.constant 0 : i32
      %dma_wait3A_238 = arith.constant 0 : i32
      %dma_wait3A_239 = tpu.memref_slice %arg5[%dma_wait3A, %while3A_226, %dma_wait3A_237, %dma_wait3A_238] : memref<4x25x8x128xf32, #tpu.memory_space<vmem>> -> memref<1x1x8x128xf32, #tpu.memory_space<vmem>>
      %dma_wait3A_240 = tpu.memref_squeeze %dma_wait3A_239 : memref<1x1x8x128xf32, #tpu.memory_space<vmem>> -> memref<8x128xf32, #tpu.memory_space<vmem>>
      %dma_wait3A_241 = arith.constant 0 : i32
      %dma_wait3A_242 = tpu.memref_slice %arg2[%dma_wait3A_241, %mul3A_230] : memref<32x100000xf32, #tpu.memory_space<hbm>> -> memref<8x128xf32, #tpu.memory_space<hbm>>
      tpu.wait_dma2 semaphore(%arg9 : memref<!tpu.dma_semaphore, #tpu.memory_space<semaphore_mem>>) src(%dma_wait3A_242 : memref<8x128xf32, #tpu.memory_space<hbm>>) dst(%dma_wait3A_240 : memref<8x128xf32, #tpu.memory_space<vmem>>)
      %add3A_243 = arith.addi %add3A_4, %while3A_226 : i32
      %mul3A_244 = arith.constant 128 : i32
      %mul3A_245 = arith.muli %add3A_243, %mul3A_244 : i32
      %dma_wait3A_246 = arith.constant 1 : i32
      %dma_wait3A_247 = arith.constant 0 : i32
      %dma_wait3A_248 = arith.constant 0 : i32
      %dma_wait3A_249 = tpu.memref_slice %arg5[%dma_wait3A_246, %while3A_226, %dma_wait3A_247, %dma_wait3A_248] : memref<4x25x8x128xf32, #tpu.memory_space<vmem>> -> memref<1x1x8x128xf32, #tpu.memory_space<vmem>>
      %dma_wait3A_250 = tpu.memref_squeeze %dma_wait3A_249 : memref<1x1x8x128xf32, #tpu.memory_space<vmem>> -> memref<8x128xf32, #tpu.memory_space<vmem>>
      %dma_wait3A_251 = arith.constant 8 : i32
      %dma_wait3A_252 = tpu.memref_slice %arg2[%dma_wait3A_251, %mul3A_245] : memref<32x100000xf32, #tpu.memory_space<hbm>> -> memref<8x128xf32, #tpu.memory_space<hbm>>
      %dma_wait3A_253 = arith.constant 0 : i32
      %dma_wait3A_254 = arith.constant 0 : i32
      %dma_wait3A_255 = tpu.memref_slice %arg5[%dma_wait3A_246, %while3A_226, %dma_wait3A_253, %dma_wait3A_254] : memref<4x25x8x128xf32, #tpu.memory_space<vmem>> -> memref<1x1x8x128xf32, #tpu.memory_space<vmem>>
      %dma_wait3A_256 = tpu.memref_squeeze %dma_wait3A_255 : memref<1x1x8x128xf32, #tpu.memory_space<vmem>> -> memref<8x128xf32, #tpu.memory_space<vmem>>
      %dma_wait3A_257 = arith.constant 8 : i32
      %dma_wait3A_258 = tpu.memref_slice %arg2[%dma_wait3A_257, %mul3A_245] : memref<32x100000xf32, #tpu.memory_space<hbm>> -> memref<8x128xf32, #tpu.memory_space<hbm>>
      tpu.wait_dma2 semaphore(%arg9 : memref<!tpu.dma_semaphore, #tpu.memory_space<semaphore_mem>>) src(%dma_wait3A_258 : memref<8x128xf32, #tpu.memory_space<hbm>>) dst(%dma_wait3A_256 : memref<8x128xf32, #tpu.memory_space<vmem>>)
      %add3A_259 = arith.addi %add3A_4, %while3A_226 : i32
      %mul3A_260 = arith.constant 128 : i32
      %mul3A_261 = arith.muli %add3A_259, %mul3A_260 : i32
      %dma_wait3A_262 = arith.constant 2 : i32
      %dma_wait3A_263 = arith.constant 0 : i32
      %dma_wait3A_264 = arith.constant 0 : i32
      %dma_wait3A_265 = tpu.memref_slice %arg5[%dma_wait3A_262, %while3A_226, %dma_wait3A_263, %dma_wait3A_264] : memref<4x25x8x128xf32, #tpu.memory_space<vmem>> -> memref<1x1x8x128xf32, #tpu.memory_space<vmem>>
      %dma_wait3A_266 = tpu.memref_squeeze %dma_wait3A_265 : memref<1x1x8x128xf32, #tpu.memory_space<vmem>> -> memref<8x128xf32, #tpu.memory_space<vmem>>
      %dma_wait3A_267 = arith.constant 16 : i32
      %dma_wait3A_268 = tpu.memref_slice %arg2[%dma_wait3A_267, %mul3A_261] : memref<32x100000xf32, #tpu.memory_space<hbm>> -> memref<8x128xf32, #tpu.memory_space<hbm>>
      %dma_wait3A_269 = arith.constant 0 : i32
      %dma_wait3A_270 = arith.constant 0 : i32
      %dma_wait3A_271 = tpu.memref_slice %arg5[%dma_wait3A_262, %while3A_226, %dma_wait3A_269, %dma_wait3A_270] : memref<4x25x8x128xf32, #tpu.memory_space<vmem>> -> memref<1x1x8x128xf32, #tpu.memory_space<vmem>>
      %dma_wait3A_272 = tpu.memref_squeeze %dma_wait3A_271 : memref<1x1x8x128xf32, #tpu.memory_space<vmem>> -> memref<8x128xf32, #tpu.memory_space<vmem>>
      %dma_wait3A_273 = arith.constant 16 : i32
      %dma_wait3A_274 = tpu.memref_slice %arg2[%dma_wait3A_273, %mul3A_261] : memref<32x100000xf32, #tpu.memory_space<hbm>> -> memref<8x128xf32, #tpu.memory_space<hbm>>
      tpu.wait_dma2 semaphore(%arg9 : memref<!tpu.dma_semaphore, #tpu.memory_space<semaphore_mem>>) src(%dma_wait3A_274 : memref<8x128xf32, #tpu.memory_space<hbm>>) dst(%dma_wait3A_272 : memref<8x128xf32, #tpu.memory_space<vmem>>)
      %add3A_275 = arith.addi %add3A_4, %while3A_226 : i32
      %mul3A_276 = arith.constant 128 : i32
      %mul3A_277 = arith.muli %add3A_275, %mul3A_276 : i32
      %dma_wait3A_278 = arith.constant 3 : i32
      %dma_wait3A_279 = arith.constant 0 : i32
      %dma_wait3A_280 = arith.constant 0 : i32
      %dma_wait3A_281 = tpu.memref_slice %arg5[%dma_wait3A_278, %while3A_226, %dma_wait3A_279, %dma_wait3A_280] : memref<4x25x8x128xf32, #tpu.memory_space<vmem>> -> memref<1x1x8x128xf32, #tpu.memory_space<vmem>>
      %dma_wait3A_282 = tpu.memref_squeeze %dma_wait3A_281 : memref<1x1x8x128xf32, #tpu.memory_space<vmem>> -> memref<8x128xf32, #tpu.memory_space<vmem>>
      %dma_wait3A_283 = arith.constant 24 : i32
      %dma_wait3A_284 = tpu.memref_slice %arg2[%dma_wait3A_283, %mul3A_277] : memref<32x100000xf32, #tpu.memory_space<hbm>> -> memref<8x128xf32, #tpu.memory_space<hbm>>
      %dma_wait3A_285 = arith.constant 0 : i32
      %dma_wait3A_286 = arith.constant 0 : i32
      %dma_wait3A_287 = tpu.memref_slice %arg5[%dma_wait3A_278, %while3A_226, %dma_wait3A_285, %dma_wait3A_286] : memref<4x25x8x128xf32, #tpu.memory_space<vmem>> -> memref<1x1x8x128xf32, #tpu.memory_space<vmem>>
      %dma_wait3A_288 = tpu.memref_squeeze %dma_wait3A_287 : memref<1x1x8x128xf32, #tpu.memory_space<vmem>> -> memref<8x128xf32, #tpu.memory_space<vmem>>
      %dma_wait3A_289 = arith.constant 24 : i32
      %dma_wait3A_290 = tpu.memref_slice %arg2[%dma_wait3A_289, %mul3A_277] : memref<32x100000xf32, #tpu.memory_space<hbm>> -> memref<8x128xf32, #tpu.memory_space<hbm>>
      tpu.wait_dma2 semaphore(%arg9 : memref<!tpu.dma_semaphore, #tpu.memory_space<semaphore_mem>>) src(%dma_wait3A_290 : memref<8x128xf32, #tpu.memory_space<hbm>>) dst(%dma_wait3A_288 : memref<8x128xf32, #tpu.memory_space<vmem>>)
      %add3A_291 = arith.constant 1 : i32
      %add3A_292 = arith.addi %while3A_226, %add3A_291 : i32
      scf.yield %add3A_292 : i32
    }
    %while3A_102 = arith.constant 1 : i32
    %while3A_103 = scf.for %while3A_226 = %while3A_99 to %while3A_95 step %while3A_102 iter_args(%while3A_227 = %while3A_101) -> (i32)  : i32 {
      %add3A_228 = arith.addi %add3A_4, %while3A_226 : i32
      %mul3A_229 = arith.constant 128 : i32
      %mul3A_230 = arith.muli %add3A_228, %mul3A_229 : i32
      %dma_wait3A = arith.constant 0 : i32
      %dma_wait3A_231 = arith.constant 0 : i32
      %dma_wait3A_232 = arith.constant 0 : i32
      %dma_wait3A_233 = tpu.memref_slice %arg5[%dma_wait3A, %while3A_226, %dma_wait3A_231, %dma_wait3A_232] : memref<4x25x8x128xf32, #tpu.memory_space<vmem>> -> memref<1x1x8x128xf32, #tpu.memory_space<vmem>>
      %dma_wait3A_234 = tpu.memref_squeeze %dma_wait3A_233 : memref<1x1x8x128xf32, #tpu.memory_space<vmem>> -> memref<8x128xf32, #tpu.memory_space<vmem>>
      %dma_wait3A_235 = arith.constant 0 : i32
      %dma_wait3A_236 = tpu.memref_slice %arg2[%dma_wait3A_235, %mul3A_230] : memref<32x100000xf32, #tpu.memory_space<hbm>> -> memref<8x128xf32, #tpu.memory_space<hbm>>
      %dma_wait3A_237 = arith.constant 0 : i32
      %dma_wait3A_238 = arith.constant 0 : i32
      %dma_wait3A_239 = tpu.memref_slice %arg5[%dma_wait3A, %while3A_226, %dma_wait3A_237, %dma_wait3A_238] : memref<4x25x8x128xf32, #tpu.memory_space<vmem>> -> memref<1x1x8x128xf32, #tpu.memory_space<vmem>>
      %dma_wait3A_240 = tpu.memref_squeeze %dma_wait3A_239 : memref<1x1x8x128xf32, #tpu.memory_space<vmem>> -> memref<8x128xf32, #tpu.memory_space<vmem>>
      %dma_wait3A_241 = arith.constant 0 : i32
      %dma_wait3A_242 = tpu.memref_slice %arg2[%dma_wait3A_241, %mul3A_230] : memref<32x100000xf32, #tpu.memory_space<hbm>> -> memref<8x128xf32, #tpu.memory_space<hbm>>
      tpu.wait_dma2 semaphore(%arg9 : memref<!tpu.dma_semaphore, #tpu.memory_space<semaphore_mem>>) src(%dma_wait3A_242 : memref<8x128xf32, #tpu.memory_space<hbm>>) dst(%dma_wait3A_240 : memref<8x128xf32, #tpu.memory_space<vmem>>)
      %add3A_243 = arith.addi %add3A_4, %while3A_226 : i32
      %mul3A_244 = arith.constant 128 : i32
      %mul3A_245 = arith.muli %add3A_243, %mul3A_244 : i32
      %dma_wait3A_246 = arith.constant 1 : i32
      %dma_wait3A_247 = arith.constant 0 : i32
      %dma_wait3A_248 = arith.constant 0 : i32
      %dma_wait3A_249 = tpu.memref_slice %arg5[%dma_wait3A_246, %while3A_226, %dma_wait3A_247, %dma_wait3A_248] : memref<4x25x8x128xf32, #tpu.memory_space<vmem>> -> memref<1x1x8x128xf32, #tpu.memory_space<vmem>>
      %dma_wait3A_250 = tpu.memref_squeeze %dma_wait3A_249 : memref<1x1x8x128xf32, #tpu.memory_space<vmem>> -> memref<8x128xf32, #tpu.memory_space<vmem>>
      %dma_wait3A_251 = arith.constant 8 : i32
      %dma_wait3A_252 = tpu.memref_slice %arg2[%dma_wait3A_251, %mul3A_245] : memref<32x100000xf32, #tpu.memory_space<hbm>> -> memref<8x128xf32, #tpu.memory_space<hbm>>
      %dma_wait3A_253 = arith.constant 0 : i32
      %dma_wait3A_254 = arith.constant 0 : i32
      %dma_wait3A_255 = tpu.memref_slice %arg5[%dma_wait3A_246, %while3A_226, %dma_wait3A_253, %dma_wait3A_254] : memref<4x25x8x128xf32, #tpu.memory_space<vmem>> -> memref<1x1x8x128xf32, #tpu.memory_space<vmem>>
      %dma_wait3A_256 = tpu.memref_squeeze %dma_wait3A_255 : memref<1x1x8x128xf32, #tpu.memory_space<vmem>> -> memref<8x128xf32, #tpu.memory_space<vmem>>
      %dma_wait3A_257 = arith.constant 8 : i32
      %dma_wait3A_258 = tpu.memref_slice %arg2[%dma_wait3A_257, %mul3A_245] : memref<32x100000xf32, #tpu.memory_space<hbm>> -> memref<8x128xf32, #tpu.memory_space<hbm>>
      tpu.wait_dma2 semaphore(%arg9 : memref<!tpu.dma_semaphore, #tpu.memory_space<semaphore_mem>>) src(%dma_wait3A_258 : memref<8x128xf32, #tpu.memory_space<hbm>>) dst(%dma_wait3A_256 : memref<8x128xf32, #tpu.memory_space<vmem>>)
      %add3A_259 = arith.addi %add3A_4, %while3A_226 : i32
      %mul3A_260 = arith.constant 128 : i32
      %mul3A_261 = arith.muli %add3A_259, %mul3A_260 : i32
      %dma_wait3A_262 = arith.constant 2 : i32
      %dma_wait3A_263 = arith.constant 0 : i32
      %dma_wait3A_264 = arith.constant 0 : i32
      %dma_wait3A_265 = tpu.memref_slice %arg5[%dma_wait3A_262, %while3A_226, %dma_wait3A_263, %dma_wait3A_264] : memref<4x25x8x128xf32, #tpu.memory_space<vmem>> -> memref<1x1x8x128xf32, #tpu.memory_space<vmem>>
      %dma_wait3A_266 = tpu.memref_squeeze %dma_wait3A_265 : memref<1x1x8x128xf32, #tpu.memory_space<vmem>> -> memref<8x128xf32, #tpu.memory_space<vmem>>
      %dma_wait3A_267 = arith.constant 16 : i32
      %dma_wait3A_268 = tpu.memref_slice %arg2[%dma_wait3A_267, %mul3A_261] : memref<32x100000xf32, #tpu.memory_space<hbm>> -> memref<8x128xf32, #tpu.memory_space<hbm>>
      %dma_wait3A_269 = arith.constant 0 : i32
      %dma_wait3A_270 = arith.constant 0 : i32
      %dma_wait3A_271 = tpu.memref_slice %arg5[%dma_wait3A_262, %while3A_226, %dma_wait3A_269, %dma_wait3A_270] : memref<4x25x8x128xf32, #tpu.memory_space<vmem>> -> memref<1x1x8x128xf32, #tpu.memory_space<vmem>>
      %dma_wait3A_272 = tpu.memref_squeeze %dma_wait3A_271 : memref<1x1x8x128xf32, #tpu.memory_space<vmem>> -> memref<8x128xf32, #tpu.memory_space<vmem>>
      %dma_wait3A_273 = arith.constant 16 : i32
      %dma_wait3A_274 = tpu.memref_slice %arg2[%dma_wait3A_273, %mul3A_261] : memref<32x100000xf32, #tpu.memory_space<hbm>> -> memref<8x128xf32, #tpu.memory_space<hbm>>
      tpu.wait_dma2 semaphore(%arg9 : memref<!tpu.dma_semaphore, #tpu.memory_space<semaphore_mem>>) src(%dma_wait3A_274 : memref<8x128xf32, #tpu.memory_space<hbm>>) dst(%dma_wait3A_272 : memref<8x128xf32, #tpu.memory_space<vmem>>)
      %add3A_275 = arith.addi %add3A_4, %while3A_226 : i32
      %mul3A_276 = arith.constant 128 : i32
      %mul3A_277 = arith.muli %add3A_275, %mul3A_276 : i32
      %dma_wait3A_278 = arith.constant 3 : i32
      %dma_wait3A_279 = arith.constant 0 : i32
      %dma_wait3A_280 = arith.constant 0 : i32
      %dma_wait3A_281 = tpu.memref_slice %arg5[%dma_wait3A_278, %while3A_226, %dma_wait3A_279, %dma_wait3A_280] : memref<4x25x8x128xf32, #tpu.memory_space<vmem>> -> memref<1x1x8x128xf32, #tpu.memory_space<vmem>>
      %dma_wait3A_282 = tpu.memref_squeeze %dma_wait3A_281 : memref<1x1x8x128xf32, #tpu.memory_space<vmem>> -> memref<8x128xf32, #tpu.memory_space<vmem>>
      %dma_wait3A_283 = arith.constant 24 : i32
      %dma_wait3A_284 = tpu.memref_slice %arg2[%dma_wait3A_283, %mul3A_277] : memref<32x100000xf32, #tpu.memory_space<hbm>> -> memref<8x128xf32, #tpu.memory_space<hbm>>
      %dma_wait3A_285 = arith.constant 0 : i32
      %dma_wait3A_286 = arith.constant 0 : i32
      %dma_wait3A_287 = tpu.memref_slice %arg5[%dma_wait3A_278, %while3A_226, %dma_wait3A_285, %dma_wait3A_286] : memref<4x25x8x128xf32, #tpu.memory_space<vmem>> -> memref<1x1x8x128xf32, #tpu.memory_space<vmem>>
      %dma_wait3A_288 = tpu.memref_squeeze %dma_wait3A_287 : memref<1x1x8x128xf32, #tpu.memory_space<vmem>> -> memref<8x128xf32, #tpu.memory_space<vmem>>
      %dma_wait3A_289 = arith.constant 24 : i32
      %dma_wait3A_290 = tpu.memref_slice %arg2[%dma_wait3A_289, %mul3A_277] : memref<32x100000xf32, #tpu.memory_space<hbm>> -> memref<8x128xf32, #tpu.memory_space<hbm>>
      tpu.wait_dma2 semaphore(%arg9 : memref<!tpu.dma_semaphore, #tpu.memory_space<semaphore_mem>>) src(%dma_wait3A_290 : memref<8x128xf32, #tpu.memory_space<hbm>>) dst(%dma_wait3A_288 : memref<8x128xf32, #tpu.memory_space<vmem>>)
      %add3A_291 = arith.constant 1 : i32
      %add3A_292 = arith.addi %while3A_226, %add3A_291 : i32
      scf.yield %add3A_292 : i32
    }
    %gt3A = arith.constant 0 : i32
    %gt3A_104 = arith.cmpi sgt, %scan3A_90, %gt3A : i32
    %convert_element_type3A = arith.extui %gt3A_104 : i1 to i32
    %cond3A = arith.constant 0 : i32
    %cond3A_105 = arith.cmpi ne, %convert_element_type3A, %cond3A : i32
    scf.if %cond3A_105 {
      %sub3A_226 = arith.constant 1 : i32
      %sub3A_227 = arith.subi %scan3A_90, %sub3A_226 : i32
      %get3A = arith.index_cast %sub3A_227 : i32 to index
      %get3A_228 = tpu.vector_load %arg7[%get3A] {strides = array<i32>} : memref<16400xi32, #tpu.memory_space<vmem>>, vector<16xi32>,
      %lt3A_229 = arith.constant 0 : i32
      %lt3A_230 = vector.broadcast %lt3A_229 : i32 to vector<16xi32>
      %lt3A_231 = arith.cmpi slt, %broadcast_in_dim3A_58, %lt3A_230 : vector<16xi32>
      %add3A_232 = arith.constant 16 : i32
      %add3A_233 = vector.broadcast %add3A_232 : i32 to vector<16xi32>
      %add3A_234 = arith.addi %broadcast_in_dim3A_58, %add3A_233 : vector<16xi32>
      %select_n3A_235 = arith.select %lt3A_231, %add3A_234, %broadcast_in_dim3A_58 : vector<16xi1>, vector<16xi32>
      %broadcast_in_dim3A_236 = vector.shape_cast %select_n3A_235 : vector<16xi32> to vector<16x1xi32>
      %gather3A = vector.shape_cast %broadcast_in_dim3A_236 : vector<16x1xi32> to vector<16xi32>
      %gather3A_237 = tpu.dynamic_gather %get3A_228[%gather3A] in [0] : vector<16xi32>, vector<16xi32> -> vector<16xi32>
      %swap3A = arith.index_cast %scan3A_90 : i32 to index
      %swap3A_238 = tpu.vector_load %arg7[%swap3A] {strides = array<i32>} : memref<16400xi32, #tpu.memory_space<vmem>>, vector<16xi32>,
      tpu.vector_store %arg7[%swap3A], %gather3A_237 {strides = array<i32>} : memref<16400xi32, #tpu.memory_space<vmem>>, vector<16xi32>,
    } else {
    }
    %add3A_106 = arith.constant 3 : i32
    %add3A_107 = arith.addi %scan3A_90, %add3A_106 : i32
    %and3A_108 = arith.constant -4 : i32
    %and3A_109 = arith.andi %add3A_107, %and3A_108 : i32
    %jit3A_110 = arith.constant 4 : i32
    %div3A_111 = arith.divsi %and3A_109, %jit3A_110 : i32
    %sign3A_112 = arith.constant 0 : i32
    %sign3A_113 = arith.cmpi sgt, %and3A_109, %sign3A_112 : i32
    %sign3A_114 = arith.extui %sign3A_113 : i1 to i32
    %sign3A_115 = arith.constant 0 : i32
    %sign3A_116 = arith.cmpi slt, %and3A_109, %sign3A_115 : i32
    %sign3A_117 = arith.extui %sign3A_116 : i1 to i32
    %sign3A_118 = arith.subi %sign3A_114, %sign3A_117 : i32
    %sign3A_119 = arith.constant 0 : i32
    %sign3A_120 = arith.cmpi sgt, %jit3A_110, %sign3A_119 : i32
    %sign3A_121 = arith.extui %sign3A_120 : i1 to i32
    %sign3A_122 = arith.constant 0 : i32
    %sign3A_123 = arith.cmpi slt, %jit3A_110, %sign3A_122 : i32
    %sign3A_124 = arith.extui %sign3A_123 : i1 to i32
    %sign3A_125 = arith.subi %sign3A_121, %sign3A_124 : i32
    %ne3A_126 = arith.cmpi ne, %sign3A_118, %sign3A_125 : i32
    %rem3A_127 = arith.remsi %and3A_109, %jit3A_110 : i32
    %ne3A_128 = arith.constant 0 : i32
    %ne3A_129 = arith.cmpi ne, %rem3A_127, %ne3A_128 : i32
    %and3A_130 = arith.andi %ne3A_126, %ne3A_129 : i1
    %sub3A_131 = arith.constant 1 : i32
    %sub3A_132 = arith.subi %div3A_111, %sub3A_131 : i32
    %select_n3A_133 = arith.select %and3A_130, %sub3A_132, %div3A_111 : i32
    %while3A_134 = arith.constant 0 : i32
    %while3A_135 = arith.constant 0 : i32
    %while3A_136 = arith.subi %select_n3A_133, %while3A_134 : i32
    %while3A_137 = arith.addi %while3A_134, %while3A_136 : i32
    %while3A_138 = arith.constant 1 : i32
    %while3A_139 = arith.divsi %while3A_136, %while3A_138 : i32
    %while3A_140 = arith.muli %while3A_139, %while3A_138 : i32
    %while3A_141 = arith.addi %while3A_134, %while3A_140 : i32
    %while3A_142 = arith.constant 1 : i32
    %while3A_143 = scf.for %while3A_226 = %while3A_134 to %while3A_141 step %while3A_142 iter_args(%while3A_227 = %while3A_135) -> (i32)  : i32 {
      %mul3A_228 = arith.constant 4 : i32
      %mul3A_229 = arith.muli %while3A_226, %mul3A_228 : i32
      %add3A_230 = arith.constant 0 : i32
      %add3A_231 = arith.addi %mul3A_229, %add3A_230 : i32
      %get3A = arith.index_cast %add3A_231 : i32 to index
      %get3A_232 = tpu.vector_load %arg7[%get3A] {strides = array<i32>} : memref<16400xi32, #tpu.memory_space<vmem>>, vector<16xi32>,
      %lt3A_233 = arith.constant 0 : i32
      %lt3A_234 = vector.broadcast %lt3A_233 : i32 to vector<16xi32>
      %lt3A_235 = arith.cmpi slt, %broadcast_in_dim3A_58, %lt3A_234 : vector<16xi32>
      %add3A_236 = arith.constant 16 : i32
      %add3A_237 = vector.broadcast %add3A_236 : i32 to vector<16xi32>
      %add3A_238 = arith.addi %broadcast_in_dim3A_58, %add3A_237 : vector<16xi32>
      %select_n3A_239 = arith.select %lt3A_235, %add3A_238, %broadcast_in_dim3A_58 : vector<16xi1>, vector<16xi32>
      %broadcast_in_dim3A_240 = vector.shape_cast %select_n3A_239 : vector<16xi32> to vector<16x1xi32>
      %gather3A = vector.shape_cast %broadcast_in_dim3A_240 : vector<16x1xi32> to vector<16xi32>
      %gather3A_241 = tpu.dynamic_gather %get3A_232[%gather3A] in [0] : vector<16xi32>, vector<16xi32> -> vector<16xi32>
      %shift_right_arithmetic3A = arith.constant 21 : i32
      %shift_right_arithmetic3A_242 = vector.broadcast %shift_right_arithmetic3A : i32 to vector<16xi32>
      %shift_right_arithmetic3A_243 = arith.shrsi %gather3A_241, %shift_right_arithmetic3A_242 : vector<16xi32>
      %sub3A_244 = arith.subi %shift_right_arithmetic3A_243, %broadcast_in_dim3A_61 : vector<16xi32>
      %shift_right_arithmetic3A_245 = arith.constant 14 : i32
      %shift_right_arithmetic3A_246 = vector.broadcast %shift_right_arithmetic3A_245 : i32 to vector<16xi32>
      %shift_right_arithmetic3A_247 = arith.shrsi %gather3A_241, %shift_right_arithmetic3A_246 : vector<16xi32>
      %and3A_248 = arith.constant 127 : i32
      %and3A_249 = vector.broadcast %and3A_248 : i32 to vector<16xi32>
      %and3A_250 = arith.andi %shift_right_arithmetic3A_247, %and3A_249 : vector<16xi32>
      %gather3A_251 = tpu.vector_load_idx %arg5[%select_n3A_36, %sub3A_244, %select_n3A_57, %and3A_250] : memref<4x25x8x128xf32, #tpu.memory_space<vmem>>[vector<16xi32>, vector<16xi32>, vector<16xi32>, vector<16xi32>], vector<16xf32>,
      %add3A_252 = arith.constant 2 : i32
      %add3A_253 = vector.broadcast %add3A_252 : i32 to vector<16xi32>
      %add3A_254 = arith.addi %select_n3A_36, %add3A_253 : vector<16xi32>
      %gather3A_255 = tpu.vector_load_idx %arg5[%add3A_254, %sub3A_244, %select_n3A_57, %and3A_250] : memref<4x25x8x128xf32, #tpu.memory_space<vmem>>[vector<16xi32>, vector<16xi32>, vector<16xi32>, vector<16xi32>], vector<16xf32>,
      %and3A_256 = arith.constant 15 : i32
      %and3A_257 = arith.andi %add3A_231, %and3A_256 : i32
      %ge3A = arith.constant 16 : i32
      %ge3A_258 = arith.cmpi sge, %add3A_231, %ge3A : i32
      %convert_element_type3A_259 = arith.extui %ge3A_258 : i1 to i32
      %cond3A_260 = arith.constant 0 : i32
      %cond3A_261 = arith.cmpi ne, %convert_element_type3A_259, %cond3A_260 : i32
      scf.if %cond3A_261 {
        %dma_wait3A = arith.constant 0 : i32
        %dma_wait3A_478 = tpu.memref_slice %arg8[%and3A_257, %dma_wait3A] : memref<16x32xf32, #tpu.memory_space<vmem>> -> memref<1x32xf32, #tpu.memory_space<vmem>>
        %dma_wait3A_479 = tpu.memref_squeeze %dma_wait3A_478 : memref<1x32xf32, #tpu.memory_space<vmem>> -> memref<32xf32, #tpu.memory_space<vmem>>
        %dma_wait3A_480 = arith.constant 0 : i32
        %dma_wait3A_481 = tpu.memref_slice %arg4[%dma_wait3A_480] : memref<524288xf32, #tpu.memory_space<hbm>> -> memref<32xf32, #tpu.memory_space<hbm>>
        %dma_wait3A_482 = tpu.memref_slice %arg11[%and3A_257] : memref<16x!tpu.dma_semaphore, #tpu.memory_space<semaphore_mem>> -> memref<1x!tpu.dma_semaphore, #tpu.memory_space<semaphore_mem>>
        %dma_wait3A_483 = tpu.memref_squeeze %dma_wait3A_482 : memref<1x!tpu.dma_semaphore, #tpu.memory_space<semaphore_mem>> -> memref<!tpu.dma_semaphore, #tpu.memory_space<semaphore_mem>>
        %dma_wait3A_484 = arith.constant 0 : i32
        %dma_wait3A_485 = tpu.memref_slice %arg8[%and3A_257, %dma_wait3A_484] : memref<16x32xf32, #tpu.memory_space<vmem>> -> memref<1x32xf32, #tpu.memory_space<vmem>>
        %dma_wait3A_486 = tpu.memref_squeeze %dma_wait3A_485 : memref<1x32xf32, #tpu.memory_space<vmem>> -> memref<32xf32, #tpu.memory_space<vmem>>
        %dma_wait3A_487 = arith.constant 0 : i32
        %dma_wait3A_488 = tpu.memref_slice %arg4[%dma_wait3A_487] : memref<524288xf32, #tpu.memory_space<hbm>> -> memref<32xf32, #tpu.memory_space<hbm>>
        tpu.wait_dma2 semaphore(%dma_wait3A_483 : memref<!tpu.dma_semaphore, #tpu.memory_space<semaphore_mem>>) src(%dma_wait3A_488 : memref<32xf32, #tpu.memory_space<hbm>>) dst(%dma_wait3A_486 : memref<32xf32, #tpu.memory_space<vmem>>)
      } else {
      }
      %swap3A = arith.constant 0 : i32
      %swap3A_262 = tpu.memref_slice %arg8[%and3A_257, %swap3A] : memref<16x32xf32, #tpu.memory_space<vmem>> -> memref<1x32xf32, #tpu.memory_space<vmem>>
      %swap3A_263 = tpu.memref_squeeze %swap3A_262 : memref<1x32xf32, #tpu.memory_space<vmem>> -> memref<32xf32, #tpu.memory_space<vmem>>
      %swap3A_264 = arith.constant 0 : index
      %swap3A_265 = tpu.vector_load %swap3A_263[%swap3A_264] {strides = array<i32>} : memref<32xf32, #tpu.memory_space<vmem>>, vector<16xf32>,
      tpu.vector_store %swap3A_263[%swap3A_264], %gather3A_251 {strides = array<i32>} : memref<32xf32, #tpu.memory_space<vmem>>, vector<16xf32>,
      %swap3A_266 = arith.constant 0 : i32
      %swap3A_267 = tpu.memref_slice %arg8[%and3A_257, %swap3A_266] : memref<16x32xf32, #tpu.memory_space<vmem>> -> memref<1x32xf32, #tpu.memory_space<vmem>>
      %swap3A_268 = tpu.memref_squeeze %swap3A_267 : memref<1x32xf32, #tpu.memory_space<vmem>> -> memref<32xf32, #tpu.memory_space<vmem>>
      %swap3A_269 = arith.constant 16 : index
      %swap3A_270 = tpu.vector_load %swap3A_268[%swap3A_269] {strides = array<i32>} : memref<32xf32, #tpu.memory_space<vmem>>, vector<16xf32>,
      tpu.vector_store %swap3A_268[%swap3A_269], %gather3A_255 {strides = array<i32>} : memref<32xf32, #tpu.memory_space<vmem>>, vector<16xf32>,
      %slice3A = vector.extract_strided_slice %get3A_232 {offsets = [0], sizes = [1], strides = [1]} : vector<16xi32> to vector<1xi32>
      %squeeze3A = vector.extract %slice3A[0] : i32 from vector<1xi32>
      %and3A_271 = arith.constant 16383 : i32
      %and3A_272 = arith.andi %squeeze3A, %and3A_271 : i32
      %mul3A_273 = arith.constant 32 : i32
      %mul3A_274 = arith.muli %and3A_272, %mul3A_273 : i32
      %dma_start3A_275 = arith.constant 0 : i32
      %dma_start3A_276 = tpu.memref_slice %arg8[%and3A_257, %dma_start3A_275] : memref<16x32xf32, #tpu.memory_space<vmem>> -> memref<1x32xf32, #tpu.memory_space<vmem>>
      %dma_start3A_277 = tpu.memref_squeeze %dma_start3A_276 : memref<1x32xf32, #tpu.memory_space<vmem>> -> memref<32xf32, #tpu.memory_space<vmem>>
      %dma_start3A_278 = tpu.memref_slice %arg4[%mul3A_274] : memref<524288xf32, #tpu.memory_space<hbm>> -> memref<32xf32, #tpu.memory_space<hbm>>
      %dma_start3A_279 = tpu.memref_slice %arg11[%and3A_257] : memref<16x!tpu.dma_semaphore, #tpu.memory_space<semaphore_mem>> -> memref<1x!tpu.dma_semaphore, #tpu.memory_space<semaphore_mem>>
      %dma_start3A_280 = tpu.memref_squeeze %dma_start3A_279 : memref<1x!tpu.dma_semaphore, #tpu.memory_space<semaphore_mem>> -> memref<!tpu.dma_semaphore, #tpu.memory_space<semaphore_mem>>
      %dma_start3A_281 = tpu.memref_slice %arg4[%mul3A_274] : memref<524288xf32, #tpu.memory_space<hbm>> -> memref<32xf32, #tpu.memory_space<hbm>>
      %dma_start3A_282 = arith.constant 0 : i32
      %dma_start3A_283 = tpu.memref_slice %arg8[%and3A_257, %dma_start3A_282] : memref<16x32xf32, #tpu.memory_space<vmem>> -> memref<1x32xf32, #tpu.memory_space<vmem>>
      %dma_start3A_284 = tpu.memref_squeeze %dma_start3A_283 : memref<1x32xf32, #tpu.memory_space<vmem>> -> memref<32xf32, #tpu.memory_space<vmem>>
      tpu.enqueue_dma source(%dma_start3A_284 : memref<32xf32, #tpu.memory_space<vmem>>) target(%dma_start3A_281 : memref<32xf32, #tpu.memory_space<hbm>>) target_semaphore(%dma_start3A_280 : memref<!tpu.dma_semaphore, #tpu.memory_space<semaphore_mem>>)
      %mul3A_285 = arith.constant 4 : i32
      %mul3A_286 = arith.muli %while3A_226, %mul3A_285 : i32
      %add3A_287 = arith.constant 1 : i32
      %add3A_288 = arith.addi %mul3A_286, %add3A_287 : i32
      %get3A_289 = arith.index_cast %add3A_288 : i32 to index
      %get3A_290 = tpu.vector_load %arg7[%get3A_289] {strides = array<i32>} : memref<16400xi32, #tpu.memory_space<vmem>>, vector<16xi32>,
      %lt3A_291 = arith.constant 0 : i32
      %lt3A_292 = vector.broadcast %lt3A_291 : i32 to vector<16xi32>
      %lt3A_293 = arith.cmpi slt, %broadcast_in_dim3A_58, %lt3A_292 : vector<16xi32>
      %add3A_294 = arith.constant 16 : i32
      %add3A_295 = vector.broadcast %add3A_294 : i32 to vector<16xi32>
      %add3A_296 = arith.addi %broadcast_in_dim3A_58, %add3A_295 : vector<16xi32>
      %select_n3A_297 = arith.select %lt3A_293, %add3A_296, %broadcast_in_dim3A_58 : vector<16xi1>, vector<16xi32>
      %broadcast_in_dim3A_298 = vector.shape_cast %select_n3A_297 : vector<16xi32> to vector<16x1xi32>
      %gather3A_299 = vector.shape_cast %broadcast_in_dim3A_298 : vector<16x1xi32> to vector<16xi32>
      %gather3A_300 = tpu.dynamic_gather %get3A_290[%gather3A_299] in [0] : vector<16xi32>, vector<16xi32> -> vector<16xi32>
      %shift_right_arithmetic3A_301 = arith.constant 21 : i32
      %shift_right_arithmetic3A_302 = vector.broadcast %shift_right_arithmetic3A_301 : i32 to vector<16xi32>
      %shift_right_arithmetic3A_303 = arith.shrsi %gather3A_300, %shift_right_arithmetic3A_302 : vector<16xi32>
      %sub3A_304 = arith.subi %shift_right_arithmetic3A_303, %broadcast_in_dim3A_61 : vector<16xi32>
      %shift_right_arithmetic3A_305 = arith.constant 14 : i32
      %shift_right_arithmetic3A_306 = vector.broadcast %shift_right_arithmetic3A_305 : i32 to vector<16xi32>
      %shift_right_arithmetic3A_307 = arith.shrsi %gather3A_300, %shift_right_arithmetic3A_306 : vector<16xi32>
      %and3A_308 = arith.constant 127 : i32
      %and3A_309 = vector.broadcast %and3A_308 : i32 to vector<16xi32>
      %and3A_310 = arith.andi %shift_right_arithmetic3A_307, %and3A_309 : vector<16xi32>
      %gather3A_311 = tpu.vector_load_idx %arg5[%select_n3A_36, %sub3A_304, %select_n3A_57, %and3A_310] : memref<4x25x8x128xf32, #tpu.memory_space<vmem>>[vector<16xi32>, vector<16xi32>, vector<16xi32>, vector<16xi32>], vector<16xf32>,
      %add3A_312 = arith.constant 2 : i32
      %add3A_313 = vector.broadcast %add3A_312 : i32 to vector<16xi32>
      %add3A_314 = arith.addi %select_n3A_36, %add3A_313 : vector<16xi32>
      %gather3A_315 = tpu.vector_load_idx %arg5[%add3A_314, %sub3A_304, %select_n3A_57, %and3A_310] : memref<4x25x8x128xf32, #tpu.memory_space<vmem>>[vector<16xi32>, vector<16xi32>, vector<16xi32>, vector<16xi32>], vector<16xf32>,
      %and3A_316 = arith.constant 15 : i32
      %and3A_317 = arith.andi %add3A_288, %and3A_316 : i32
      %ge3A_318 = arith.constant 16 : i32
      %ge3A_319 = arith.cmpi sge, %add3A_288, %ge3A_318 : i32
      %convert_element_type3A_320 = arith.extui %ge3A_319 : i1 to i32
      %cond3A_321 = arith.constant 0 : i32
      %cond3A_322 = arith.cmpi ne, %convert_element_type3A_320, %cond3A_321 : i32
      scf.if %cond3A_322 {
        %dma_wait3A = arith.constant 0 : i32
        %dma_wait3A_478 = tpu.memref_slice %arg8[%and3A_317, %dma_wait3A] : memref<16x32xf32, #tpu.memory_space<vmem>> -> memref<1x32xf32, #tpu.memory_space<vmem>>
        %dma_wait3A_479 = tpu.memref_squeeze %dma_wait3A_478 : memref<1x32xf32, #tpu.memory_space<vmem>> -> memref<32xf32, #tpu.memory_space<vmem>>
        %dma_wait3A_480 = arith.constant 0 : i32
        %dma_wait3A_481 = tpu.memref_slice %arg4[%dma_wait3A_480] : memref<524288xf32, #tpu.memory_space<hbm>> -> memref<32xf32, #tpu.memory_space<hbm>>
        %dma_wait3A_482 = tpu.memref_slice %arg11[%and3A_317] : memref<16x!tpu.dma_semaphore, #tpu.memory_space<semaphore_mem>> -> memref<1x!tpu.dma_semaphore, #tpu.memory_space<semaphore_mem>>
        %dma_wait3A_483 = tpu.memref_squeeze %dma_wait3A_482 : memref<1x!tpu.dma_semaphore, #tpu.memory_space<semaphore_mem>> -> memref<!tpu.dma_semaphore, #tpu.memory_space<semaphore_mem>>
        %dma_wait3A_484 = arith.constant 0 : i32
        %dma_wait3A_485 = tpu.memref_slice %arg8[%and3A_317, %dma_wait3A_484] : memref<16x32xf32, #tpu.memory_space<vmem>> -> memref<1x32xf32, #tpu.memory_space<vmem>>
        %dma_wait3A_486 = tpu.memref_squeeze %dma_wait3A_485 : memref<1x32xf32, #tpu.memory_space<vmem>> -> memref<32xf32, #tpu.memory_space<vmem>>
        %dma_wait3A_487 = arith.constant 0 : i32
        %dma_wait3A_488 = tpu.memref_slice %arg4[%dma_wait3A_487] : memref<524288xf32, #tpu.memory_space<hbm>> -> memref<32xf32, #tpu.memory_space<hbm>>
        tpu.wait_dma2 semaphore(%dma_wait3A_483 : memref<!tpu.dma_semaphore, #tpu.memory_space<semaphore_mem>>) src(%dma_wait3A_488 : memref<32xf32, #tpu.memory_space<hbm>>) dst(%dma_wait3A_486 : memref<32xf32, #tpu.memory_space<vmem>>)
      } else {
      }
      %swap3A_323 = arith.constant 0 : i32
      %swap3A_324 = tpu.memref_slice %arg8[%and3A_317, %swap3A_323] : memref<16x32xf32, #tpu.memory_space<vmem>> -> memref<1x32xf32, #tpu.memory_space<vmem>>
      %swap3A_325 = tpu.memref_squeeze %swap3A_324 : memref<1x32xf32, #tpu.memory_space<vmem>> -> memref<32xf32, #tpu.memory_space<vmem>>
      %swap3A_326 = arith.constant 0 : index
      %swap3A_327 = tpu.vector_load %swap3A_325[%swap3A_326] {strides = array<i32>} : memref<32xf32, #tpu.memory_space<vmem>>, vector<16xf32>,
      tpu.vector_store %swap3A_325[%swap3A_326], %gather3A_311 {strides = array<i32>} : memref<32xf32, #tpu.memory_space<vmem>>, vector<16xf32>,
      %swap3A_328 = arith.constant 0 : i32
      %swap3A_329 = tpu.memref_slice %arg8[%and3A_317, %swap3A_328] : memref<16x32xf32, #tpu.memory_space<vmem>> -> memref<1x32xf32, #tpu.memory_space<vmem>>
      %swap3A_330 = tpu.memref_squeeze %swap3A_329 : memref<1x32xf32, #tpu.memory_space<vmem>> -> memref<32xf32, #tpu.memory_space<vmem>>
      %swap3A_331 = arith.constant 16 : index
      %swap3A_332 = tpu.vector_load %swap3A_330[%swap3A_331] {strides = array<i32>} : memref<32xf32, #tpu.memory_space<vmem>>, vector<16xf32>,
      tpu.vector_store %swap3A_330[%swap3A_331], %gather3A_315 {strides = array<i32>} : memref<32xf32, #tpu.memory_space<vmem>>, vector<16xf32>,
      %slice3A_333 = vector.extract_strided_slice %get3A_290 {offsets = [0], sizes = [1], strides = [1]} : vector<16xi32> to vector<1xi32>
      %squeeze3A_334 = vector.extract %slice3A_333[0] : i32 from vector<1xi32>
      %and3A_335 = arith.constant 16383 : i32
      %and3A_336 = arith.andi %squeeze3A_334, %and3A_335 : i32
      %mul3A_337 = arith.constant 32 : i32
      %mul3A_338 = arith.muli %and3A_336, %mul3A_337 : i32
      %dma_start3A_339 = arith.constant 0 : i32
      %dma_start3A_340 = tpu.memref_slice %arg8[%and3A_317, %dma_start3A_339] : memref<16x32xf32, #tpu.memory_space<vmem>> -> memref<1x32xf32, #tpu.memory_space<vmem>>
      %dma_start3A_341 = tpu.memref_squeeze %dma_start3A_340 : memref<1x32xf32, #tpu.memory_space<vmem>> -> memref<32xf32, #tpu.memory_space<vmem>>
      %dma_start3A_342 = tpu.memref_slice %arg4[%mul3A_338] : memref<524288xf32, #tpu.memory_space<hbm>> -> memref<32xf32, #tpu.memory_space<hbm>>
      %dma_start3A_343 = tpu.memref_slice %arg11[%and3A_317] : memref<16x!tpu.dma_semaphore, #tpu.memory_space<semaphore_mem>> -> memref<1x!tpu.dma_semaphore, #tpu.memory_space<semaphore_mem>>
      %dma_start3A_344 = tpu.memref_squeeze %dma_start3A_343 : memref<1x!tpu.dma_semaphore, #tpu.memory_space<semaphore_mem>> -> memref<!tpu.dma_semaphore, #tpu.memory_space<semaphore_mem>>
      %dma_start3A_345 = tpu.memref_slice %arg4[%mul3A_338] : memref<524288xf32, #tpu.memory_space<hbm>> -> memref<32xf32, #tpu.memory_space<hbm>>
      %dma_start3A_346 = arith.constant 0 : i32
      %dma_start3A_347 = tpu.memref_slice %arg8[%and3A_317, %dma_start3A_346] : memref<16x32xf32, #tpu.memory_space<vmem>> -> memref<1x32xf32, #tpu.memory_space<vmem>>
      %dma_start3A_348 = tpu.memref_squeeze %dma_start3A_347 : memref<1x32xf32, #tpu.memory_space<vmem>> -> memref<32xf32, #tpu.memory_space<vmem>>
      tpu.enqueue_dma source(%dma_start3A_348 : memref<32xf32, #tpu.memory_space<vmem>>) target(%dma_start3A_345 : memref<32xf32, #tpu.memory_space<hbm>>) target_semaphore(%dma_start3A_344 : memref<!tpu.dma_semaphore, #tpu.memory_space<semaphore_mem>>)
      %mul3A_349 = arith.constant 4 : i32
      %mul3A_350 = arith.muli %while3A_226, %mul3A_349 : i32
      %add3A_351 = arith.constant 2 : i32
      %add3A_352 = arith.addi %mul3A_350, %add3A_351 : i32
      %get3A_353 = arith.index_cast %add3A_352 : i32 to index
      %get3A_354 = tpu.vector_load %arg7[%get3A_353] {strides = array<i32>} : memref<16400xi32, #tpu.memory_space<vmem>>, vector<16xi32>,
      %lt3A_355 = arith.constant 0 : i32
      %lt3A_356 = vector.broadcast %lt3A_355 : i32 to vector<16xi32>
      %lt3A_357 = arith.cmpi slt, %broadcast_in_dim3A_58, %lt3A_356 : vector<16xi32>
      %add3A_358 = arith.constant 16 : i32
      %add3A_359 = vector.broadcast %add3A_358 : i32 to vector<16xi32>
      %add3A_360 = arith.addi %broadcast_in_dim3A_58, %add3A_359 : vector<16xi32>
      %select_n3A_361 = arith.select %lt3A_357, %add3A_360, %broadcast_in_dim3A_58 : vector<16xi1>, vector<16xi32>
      %broadcast_in_dim3A_362 = vector.shape_cast %select_n3A_361 : vector<16xi32> to vector<16x1xi32>
      %gather3A_363 = vector.shape_cast %broadcast_in_dim3A_362 : vector<16x1xi32> to vector<16xi32>
      %gather3A_364 = tpu.dynamic_gather %get3A_354[%gather3A_363] in [0] : vector<16xi32>, vector<16xi32> -> vector<16xi32>
      %shift_right_arithmetic3A_365 = arith.constant 21 : i32
      %shift_right_arithmetic3A_366 = vector.broadcast %shift_right_arithmetic3A_365 : i32 to vector<16xi32>
      %shift_right_arithmetic3A_367 = arith.shrsi %gather3A_364, %shift_right_arithmetic3A_366 : vector<16xi32>
      %sub3A_368 = arith.subi %shift_right_arithmetic3A_367, %broadcast_in_dim3A_61 : vector<16xi32>
      %shift_right_arithmetic3A_369 = arith.constant 14 : i32
      %shift_right_arithmetic3A_370 = vector.broadcast %shift_right_arithmetic3A_369 : i32 to vector<16xi32>
      %shift_right_arithmetic3A_371 = arith.shrsi %gather3A_364, %shift_right_arithmetic3A_370 : vector<16xi32>
      %and3A_372 = arith.constant 127 : i32
      %and3A_373 = vector.broadcast %and3A_372 : i32 to vector<16xi32>
      %and3A_374 = arith.andi %shift_right_arithmetic3A_371, %and3A_373 : vector<16xi32>
      %gather3A_375 = tpu.vector_load_idx %arg5[%select_n3A_36, %sub3A_368, %select_n3A_57, %and3A_374] : memref<4x25x8x128xf32, #tpu.memory_space<vmem>>[vector<16xi32>, vector<16xi32>, vector<16xi32>, vector<16xi32>], vector<16xf32>,
      %add3A_376 = arith.constant 2 : i32
      %add3A_377 = vector.broadcast %add3A_376 : i32 to vector<16xi32>
      %add3A_378 = arith.addi %select_n3A_36, %add3A_377 : vector<16xi32>
      %gather3A_379 = tpu.vector_load_idx %arg5[%add3A_378, %sub3A_368, %select_n3A_57, %and3A_374] : memref<4x25x8x128xf32, #tpu.memory_space<vmem>>[vector<16xi32>, vector<16xi32>, vector<16xi32>, vector<16xi32>], vector<16xf32>,
      %and3A_380 = arith.constant 15 : i32
      %and3A_381 = arith.andi %add3A_352, %and3A_380 : i32
      %ge3A_382 = arith.constant 16 : i32
      %ge3A_383 = arith.cmpi sge, %add3A_352, %ge3A_382 : i32
      %convert_element_type3A_384 = arith.extui %ge3A_383 : i1 to i32
      %cond3A_385 = arith.constant 0 : i32
      %cond3A_386 = arith.cmpi ne, %convert_element_type3A_384, %cond3A_385 : i32
      scf.if %cond3A_386 {
        %dma_wait3A = arith.constant 0 : i32
        %dma_wait3A_478 = tpu.memref_slice %arg8[%and3A_381, %dma_wait3A] : memref<16x32xf32, #tpu.memory_space<vmem>> -> memref<1x32xf32, #tpu.memory_space<vmem>>
        %dma_wait3A_479 = tpu.memref_squeeze %dma_wait3A_478 : memref<1x32xf32, #tpu.memory_space<vmem>> -> memref<32xf32, #tpu.memory_space<vmem>>
        %dma_wait3A_480 = arith.constant 0 : i32
        %dma_wait3A_481 = tpu.memref_slice %arg4[%dma_wait3A_480] : memref<524288xf32, #tpu.memory_space<hbm>> -> memref<32xf32, #tpu.memory_space<hbm>>
        %dma_wait3A_482 = tpu.memref_slice %arg11[%and3A_381] : memref<16x!tpu.dma_semaphore, #tpu.memory_space<semaphore_mem>> -> memref<1x!tpu.dma_semaphore, #tpu.memory_space<semaphore_mem>>
        %dma_wait3A_483 = tpu.memref_squeeze %dma_wait3A_482 : memref<1x!tpu.dma_semaphore, #tpu.memory_space<semaphore_mem>> -> memref<!tpu.dma_semaphore, #tpu.memory_space<semaphore_mem>>
        %dma_wait3A_484 = arith.constant 0 : i32
        %dma_wait3A_485 = tpu.memref_slice %arg8[%and3A_381, %dma_wait3A_484] : memref<16x32xf32, #tpu.memory_space<vmem>> -> memref<1x32xf32, #tpu.memory_space<vmem>>
        %dma_wait3A_486 = tpu.memref_squeeze %dma_wait3A_485 : memref<1x32xf32, #tpu.memory_space<vmem>> -> memref<32xf32, #tpu.memory_space<vmem>>
        %dma_wait3A_487 = arith.constant 0 : i32
        %dma_wait3A_488 = tpu.memref_slice %arg4[%dma_wait3A_487] : memref<524288xf32, #tpu.memory_space<hbm>> -> memref<32xf32, #tpu.memory_space<hbm>>
        tpu.wait_dma2 semaphore(%dma_wait3A_483 : memref<!tpu.dma_semaphore, #tpu.memory_space<semaphore_mem>>) src(%dma_wait3A_488 : memref<32xf32, #tpu.memory_space<hbm>>) dst(%dma_wait3A_486 : memref<32xf32, #tpu.memory_space<vmem>>)
      } else {
      }
      %swap3A_387 = arith.constant 0 : i32
      %swap3A_388 = tpu.memref_slice %arg8[%and3A_381, %swap3A_387] : memref<16x32xf32, #tpu.memory_space<vmem>> -> memref<1x32xf32, #tpu.memory_space<vmem>>
      %swap3A_389 = tpu.memref_squeeze %swap3A_388 : memref<1x32xf32, #tpu.memory_space<vmem>> -> memref<32xf32, #tpu.memory_space<vmem>>
      %swap3A_390 = arith.constant 0 : index
      %swap3A_391 = tpu.vector_load %swap3A_389[%swap3A_390] {strides = array<i32>} : memref<32xf32, #tpu.memory_space<vmem>>, vector<16xf32>,
      tpu.vector_store %swap3A_389[%swap3A_390], %gather3A_375 {strides = array<i32>} : memref<32xf32, #tpu.memory_space<vmem>>, vector<16xf32>,
      %swap3A_392 = arith.constant 0 : i32
      %swap3A_393 = tpu.memref_slice %arg8[%and3A_381, %swap3A_392] : memref<16x32xf32, #tpu.memory_space<vmem>> -> memref<1x32xf32, #tpu.memory_space<vmem>>
      %swap3A_394 = tpu.memref_squeeze %swap3A_393 : memref<1x32xf32, #tpu.memory_space<vmem>> -> memref<32xf32, #tpu.memory_space<vmem>>
      %swap3A_395 = arith.constant 16 : index
      %swap3A_396 = tpu.vector_load %swap3A_394[%swap3A_395] {strides = array<i32>} : memref<32xf32, #tpu.memory_space<vmem>>, vector<16xf32>,
      tpu.vector_store %swap3A_394[%swap3A_395], %gather3A_379 {strides = array<i32>} : memref<32xf32, #tpu.memory_space<vmem>>, vector<16xf32>,
      %slice3A_397 = vector.extract_strided_slice %get3A_354 {offsets = [0], sizes = [1], strides = [1]} : vector<16xi32> to vector<1xi32>
      %squeeze3A_398 = vector.extract %slice3A_397[0] : i32 from vector<1xi32>
      %and3A_399 = arith.constant 16383 : i32
      %and3A_400 = arith.andi %squeeze3A_398, %and3A_399 : i32
      %mul3A_401 = arith.constant 32 : i32
      %mul3A_402 = arith.muli %and3A_400, %mul3A_401 : i32
      %dma_start3A_403 = arith.constant 0 : i32
      %dma_start3A_404 = tpu.memref_slice %arg8[%and3A_381, %dma_start3A_403] : memref<16x32xf32, #tpu.memory_space<vmem>> -> memref<1x32xf32, #tpu.memory_space<vmem>>
      %dma_start3A_405 = tpu.memref_squeeze %dma_start3A_404 : memref<1x32xf32, #tpu.memory_space<vmem>> -> memref<32xf32, #tpu.memory_space<vmem>>
      %dma_start3A_406 = tpu.memref_slice %arg4[%mul3A_402] : memref<524288xf32, #tpu.memory_space<hbm>> -> memref<32xf32, #tpu.memory_space<hbm>>
      %dma_start3A_407 = tpu.memref_slice %arg11[%and3A_381] : memref<16x!tpu.dma_semaphore, #tpu.memory_space<semaphore_mem>> -> memref<1x!tpu.dma_semaphore, #tpu.memory_space<semaphore_mem>>
      %dma_start3A_408 = tpu.memref_squeeze %dma_start3A_407 : memref<1x!tpu.dma_semaphore, #tpu.memory_space<semaphore_mem>> -> memref<!tpu.dma_semaphore, #tpu.memory_space<semaphore_mem>>
      %dma_start3A_409 = tpu.memref_slice %arg4[%mul3A_402] : memref<524288xf32, #tpu.memory_space<hbm>> -> memref<32xf32, #tpu.memory_space<hbm>>
      %dma_start3A_410 = arith.constant 0 : i32
      %dma_start3A_411 = tpu.memref_slice %arg8[%and3A_381, %dma_start3A_410] : memref<16x32xf32, #tpu.memory_space<vmem>> -> memref<1x32xf32, #tpu.memory_space<vmem>>
      %dma_start3A_412 = tpu.memref_squeeze %dma_start3A_411 : memref<1x32xf32, #tpu.memory_space<vmem>> -> memref<32xf32, #tpu.memory_space<vmem>>
      tpu.enqueue_dma source(%dma_start3A_412 : memref<32xf32, #tpu.memory_space<vmem>>) target(%dma_start3A_409 : memref<32xf32, #tpu.memory_space<hbm>>) target_semaphore(%dma_start3A_408 : memref<!tpu.dma_semaphore, #tpu.memory_space<semaphore_mem>>)
      %mul3A_413 = arith.constant 4 : i32
      %mul3A_414 = arith.muli %while3A_226, %mul3A_413 : i32
      %add3A_415 = arith.constant 3 : i32
      %add3A_416 = arith.addi %mul3A_414, %add3A_415 : i32
      %get3A_417 = arith.index_cast %add3A_416 : i32 to index
      %get3A_418 = tpu.vector_load %arg7[%get3A_417] {strides = array<i32>} : memref<16400xi32, #tpu.memory_space<vmem>>, vector<16xi32>,
      %lt3A_419 = arith.constant 0 : i32
      %lt3A_420 = vector.broadcast %lt3A_419 : i32 to vector<16xi32>
      %lt3A_421 = arith.cmpi slt, %broadcast_in_dim3A_58, %lt3A_420 : vector<16xi32>
      %add3A_422 = arith.constant 16 : i32
      %add3A_423 = vector.broadcast %add3A_422 : i32 to vector<16xi32>
      %add3A_424 = arith.addi %broadcast_in_dim3A_58, %add3A_423 : vector<16xi32>
      %select_n3A_425 = arith.select %lt3A_421, %add3A_424, %broadcast_in_dim3A_58 : vector<16xi1>, vector<16xi32>
      %broadcast_in_dim3A_426 = vector.shape_cast %select_n3A_425 : vector<16xi32> to vector<16x1xi32>
      %gather3A_427 = vector.shape_cast %broadcast_in_dim3A_426 : vector<16x1xi32> to vector<16xi32>
      %gather3A_428 = tpu.dynamic_gather %get3A_418[%gather3A_427] in [0] : vector<16xi32>, vector<16xi32> -> vector<16xi32>
      %shift_right_arithmetic3A_429 = arith.constant 21 : i32
      %shift_right_arithmetic3A_430 = vector.broadcast %shift_right_arithmetic3A_429 : i32 to vector<16xi32>
      %shift_right_arithmetic3A_431 = arith.shrsi %gather3A_428, %shift_right_arithmetic3A_430 : vector<16xi32>
      %sub3A_432 = arith.subi %shift_right_arithmetic3A_431, %broadcast_in_dim3A_61 : vector<16xi32>
      %shift_right_arithmetic3A_433 = arith.constant 14 : i32
      %shift_right_arithmetic3A_434 = vector.broadcast %shift_right_arithmetic3A_433 : i32 to vector<16xi32>
      %shift_right_arithmetic3A_435 = arith.shrsi %gather3A_428, %shift_right_arithmetic3A_434 : vector<16xi32>
      %and3A_436 = arith.constant 127 : i32
      %and3A_437 = vector.broadcast %and3A_436 : i32 to vector<16xi32>
      %and3A_438 = arith.andi %shift_right_arithmetic3A_435, %and3A_437 : vector<16xi32>
      %gather3A_439 = tpu.vector_load_idx %arg5[%select_n3A_36, %sub3A_432, %select_n3A_57, %and3A_438] : memref<4x25x8x128xf32, #tpu.memory_space<vmem>>[vector<16xi32>, vector<16xi32>, vector<16xi32>, vector<16xi32>], vector<16xf32>,
      %add3A_440 = arith.constant 2 : i32
      %add3A_441 = vector.broadcast %add3A_440 : i32 to vector<16xi32>
      %add3A_442 = arith.addi %select_n3A_36, %add3A_441 : vector<16xi32>
      %gather3A_443 = tpu.vector_load_idx %arg5[%add3A_442, %sub3A_432, %select_n3A_57, %and3A_438] : memref<4x25x8x128xf32, #tpu.memory_space<vmem>>[vector<16xi32>, vector<16xi32>, vector<16xi32>, vector<16xi32>], vector<16xf32>,
      %and3A_444 = arith.constant 15 : i32
      %and3A_445 = arith.andi %add3A_416, %and3A_444 : i32
      %ge3A_446 = arith.constant 16 : i32
      %ge3A_447 = arith.cmpi sge, %add3A_416, %ge3A_446 : i32
      %convert_element_type3A_448 = arith.extui %ge3A_447 : i1 to i32
      %cond3A_449 = arith.constant 0 : i32
      %cond3A_450 = arith.cmpi ne, %convert_element_type3A_448, %cond3A_449 : i32
      scf.if %cond3A_450 {
        %dma_wait3A = arith.constant 0 : i32
        %dma_wait3A_478 = tpu.memref_slice %arg8[%and3A_445, %dma_wait3A] : memref<16x32xf32, #tpu.memory_space<vmem>> -> memref<1x32xf32, #tpu.memory_space<vmem>>
        %dma_wait3A_479 = tpu.memref_squeeze %dma_wait3A_478 : memref<1x32xf32, #tpu.memory_space<vmem>> -> memref<32xf32, #tpu.memory_space<vmem>>
        %dma_wait3A_480 = arith.constant 0 : i32
        %dma_wait3A_481 = tpu.memref_slice %arg4[%dma_wait3A_480] : memref<524288xf32, #tpu.memory_space<hbm>> -> memref<32xf32, #tpu.memory_space<hbm>>
        %dma_wait3A_482 = tpu.memref_slice %arg11[%and3A_445] : memref<16x!tpu.dma_semaphore, #tpu.memory_space<semaphore_mem>> -> memref<1x!tpu.dma_semaphore, #tpu.memory_space<semaphore_mem>>
        %dma_wait3A_483 = tpu.memref_squeeze %dma_wait3A_482 : memref<1x!tpu.dma_semaphore, #tpu.memory_space<semaphore_mem>> -> memref<!tpu.dma_semaphore, #tpu.memory_space<semaphore_mem>>
        %dma_wait3A_484 = arith.constant 0 : i32
        %dma_wait3A_485 = tpu.memref_slice %arg8[%and3A_445, %dma_wait3A_484] : memref<16x32xf32, #tpu.memory_space<vmem>> -> memref<1x32xf32, #tpu.memory_space<vmem>>
        %dma_wait3A_486 = tpu.memref_squeeze %dma_wait3A_485 : memref<1x32xf32, #tpu.memory_space<vmem>> -> memref<32xf32, #tpu.memory_space<vmem>>
        %dma_wait3A_487 = arith.constant 0 : i32
        %dma_wait3A_488 = tpu.memref_slice %arg4[%dma_wait3A_487] : memref<524288xf32, #tpu.memory_space<hbm>> -> memref<32xf32, #tpu.memory_space<hbm>>
        tpu.wait_dma2 semaphore(%dma_wait3A_483 : memref<!tpu.dma_semaphore, #tpu.memory_space<semaphore_mem>>) src(%dma_wait3A_488 : memref<32xf32, #tpu.memory_space<hbm>>) dst(%dma_wait3A_486 : memref<32xf32, #tpu.memory_space<vmem>>)
      } else {
      }
      %swap3A_451 = arith.constant 0 : i32
      %swap3A_452 = tpu.memref_slice %arg8[%and3A_445, %swap3A_451] : memref<16x32xf32, #tpu.memory_space<vmem>> -> memref<1x32xf32, #tpu.memory_space<vmem>>
      %swap3A_453 = tpu.memref_squeeze %swap3A_452 : memref<1x32xf32, #tpu.memory_space<vmem>> -> memref<32xf32, #tpu.memory_space<vmem>>
      %swap3A_454 = arith.constant 0 : index
      %swap3A_455 = tpu.vector_load %swap3A_453[%swap3A_454] {strides = array<i32>} : memref<32xf32, #tpu.memory_space<vmem>>, vector<16xf32>,
      tpu.vector_store %swap3A_453[%swap3A_454], %gather3A_439 {strides = array<i32>} : memref<32xf32, #tpu.memory_space<vmem>>, vector<16xf32>,
      %swap3A_456 = arith.constant 0 : i32
      %swap3A_457 = tpu.memref_slice %arg8[%and3A_445, %swap3A_456] : memref<16x32xf32, #tpu.memory_space<vmem>> -> memref<1x32xf32, #tpu.memory_space<vmem>>
      %swap3A_458 = tpu.memref_squeeze %swap3A_457 : memref<1x32xf32, #tpu.memory_space<vmem>> -> memref<32xf32, #tpu.memory_space<vmem>>
      %swap3A_459 = arith.constant 16 : index
      %swap3A_460 = tpu.vector_load %swap3A_458[%swap3A_459] {strides = array<i32>} : memref<32xf32, #tpu.memory_space<vmem>>, vector<16xf32>,
      tpu.vector_store %swap3A_458[%swap3A_459], %gather3A_443 {strides = array<i32>} : memref<32xf32, #tpu.memory_space<vmem>>, vector<16xf32>,
      %slice3A_461 = vector.extract_strided_slice %get3A_418 {offsets = [0], sizes = [1], strides = [1]} : vector<16xi32> to vector<1xi32>
      %squeeze3A_462 = vector.extract %slice3A_461[0] : i32 from vector<1xi32>
      %and3A_463 = arith.constant 16383 : i32
      %and3A_464 = arith.andi %squeeze3A_462, %and3A_463 : i32
      %mul3A_465 = arith.constant 32 : i32
      %mul3A_466 = arith.muli %and3A_464, %mul3A_465 : i32
      %dma_start3A_467 = arith.constant 0 : i32
      %dma_start3A_468 = tpu.memref_slice %arg8[%and3A_445, %dma_start3A_467] : memref<16x32xf32, #tpu.memory_space<vmem>> -> memref<1x32xf32, #tpu.memory_space<vmem>>
      %dma_start3A_469 = tpu.memref_squeeze %dma_start3A_468 : memref<1x32xf32, #tpu.memory_space<vmem>> -> memref<32xf32, #tpu.memory_space<vmem>>
      %dma_start3A_470 = tpu.memref_slice %arg4[%mul3A_466] : memref<524288xf32, #tpu.memory_space<hbm>> -> memref<32xf32, #tpu.memory_space<hbm>>
      %dma_start3A_471 = tpu.memref_slice %arg11[%and3A_445] : memref<16x!tpu.dma_semaphore, #tpu.memory_space<semaphore_mem>> -> memref<1x!tpu.dma_semaphore, #tpu.memory_space<semaphore_mem>>
      %dma_start3A_472 = tpu.memref_squeeze %dma_start3A_471 : memref<1x!tpu.dma_semaphore, #tpu.memory_space<semaphore_mem>> -> memref<!tpu.dma_semaphore, #tpu.memory_space<semaphore_mem>>
      %dma_start3A_473 = tpu.memref_slice %arg4[%mul3A_466] : memref<524288xf32, #tpu.memory_space<hbm>> -> memref<32xf32, #tpu.memory_space<hbm>>
      %dma_start3A_474 = arith.constant 0 : i32
      %dma_start3A_475 = tpu.memref_slice %arg8[%and3A_445, %dma_start3A_474] : memref<16x32xf32, #tpu.memory_space<vmem>> -> memref<1x32xf32, #tpu.memory_space<vmem>>
      %dma_start3A_476 = tpu.memref_squeeze %dma_start3A_475 : memref<1x32xf32, #tpu.memory_space<vmem>> -> memref<32xf32, #tpu.memory_space<vmem>>
      tpu.enqueue_dma source(%dma_start3A_476 : memref<32xf32, #tpu.memory_space<vmem>>) target(%dma_start3A_473 : memref<32xf32, #tpu.memory_space<hbm>>) target_semaphore(%dma_start3A_472 : memref<!tpu.dma_semaphore, #tpu.memory_space<semaphore_mem>>)
      %while3A_477 = arith.constant 0 : i32
      scf.yield %while3A_477 : i32
    }
    %while3A_144 = arith.constant 1 : i32
    %while3A_145 = scf.for %while3A_226 = %while3A_141 to %while3A_137 step %while3A_144 iter_args(%while3A_227 = %while3A_143) -> (i32)  : i32 {
      %mul3A_228 = arith.constant 4 : i32
      %mul3A_229 = arith.muli %while3A_226, %mul3A_228 : i32
      %add3A_230 = arith.constant 0 : i32
      %add3A_231 = arith.addi %mul3A_229, %add3A_230 : i32
      %get3A = arith.index_cast %add3A_231 : i32 to index
      %get3A_232 = tpu.vector_load %arg7[%get3A] {strides = array<i32>} : memref<16400xi32, #tpu.memory_space<vmem>>, vector<16xi32>,
      %lt3A_233 = arith.constant 0 : i32
      %lt3A_234 = vector.broadcast %lt3A_233 : i32 to vector<16xi32>
      %lt3A_235 = arith.cmpi slt, %broadcast_in_dim3A_58, %lt3A_234 : vector<16xi32>
      %add3A_236 = arith.constant 16 : i32
      %add3A_237 = vector.broadcast %add3A_236 : i32 to vector<16xi32>
      %add3A_238 = arith.addi %broadcast_in_dim3A_58, %add3A_237 : vector<16xi32>
      %select_n3A_239 = arith.select %lt3A_235, %add3A_238, %broadcast_in_dim3A_58 : vector<16xi1>, vector<16xi32>
      %broadcast_in_dim3A_240 = vector.shape_cast %select_n3A_239 : vector<16xi32> to vector<16x1xi32>
      %gather3A = vector.shape_cast %broadcast_in_dim3A_240 : vector<16x1xi32> to vector<16xi32>
      %gather3A_241 = tpu.dynamic_gather %get3A_232[%gather3A] in [0] : vector<16xi32>, vector<16xi32> -> vector<16xi32>
      %shift_right_arithmetic3A = arith.constant 21 : i32
      %shift_right_arithmetic3A_242 = vector.broadcast %shift_right_arithmetic3A : i32 to vector<16xi32>
      %shift_right_arithmetic3A_243 = arith.shrsi %gather3A_241, %shift_right_arithmetic3A_242 : vector<16xi32>
      %sub3A_244 = arith.subi %shift_right_arithmetic3A_243, %broadcast_in_dim3A_61 : vector<16xi32>
      %shift_right_arithmetic3A_245 = arith.constant 14 : i32
      %shift_right_arithmetic3A_246 = vector.broadcast %shift_right_arithmetic3A_245 : i32 to vector<16xi32>
      %shift_right_arithmetic3A_247 = arith.shrsi %gather3A_241, %shift_right_arithmetic3A_246 : vector<16xi32>
      %and3A_248 = arith.constant 127 : i32
      %and3A_249 = vector.broadcast %and3A_248 : i32 to vector<16xi32>
      %and3A_250 = arith.andi %shift_right_arithmetic3A_247, %and3A_249 : vector<16xi32>
      %gather3A_251 = tpu.vector_load_idx %arg5[%select_n3A_36, %sub3A_244, %select_n3A_57, %and3A_250] : memref<4x25x8x128xf32, #tpu.memory_space<vmem>>[vector<16xi32>, vector<16xi32>, vector<16xi32>, vector<16xi32>], vector<16xf32>,
      %add3A_252 = arith.constant 2 : i32
      %add3A_253 = vector.broadcast %add3A_252 : i32 to vector<16xi32>
      %add3A_254 = arith.addi %select_n3A_36, %add3A_253 : vector<16xi32>
      %gather3A_255 = tpu.vector_load_idx %arg5[%add3A_254, %sub3A_244, %select_n3A_57, %and3A_250] : memref<4x25x8x128xf32, #tpu.memory_space<vmem>>[vector<16xi32>, vector<16xi32>, vector<16xi32>, vector<16xi32>], vector<16xf32>,
      %and3A_256 = arith.constant 15 : i32
      %and3A_257 = arith.andi %add3A_231, %and3A_256 : i32
      %ge3A = arith.constant 16 : i32
      %ge3A_258 = arith.cmpi sge, %add3A_231, %ge3A : i32
      %convert_element_type3A_259 = arith.extui %ge3A_258 : i1 to i32
      %cond3A_260 = arith.constant 0 : i32
      %cond3A_261 = arith.cmpi ne, %convert_element_type3A_259, %cond3A_260 : i32
      scf.if %cond3A_261 {
        %dma_wait3A = arith.constant 0 : i32
        %dma_wait3A_478 = tpu.memref_slice %arg8[%and3A_257, %dma_wait3A] : memref<16x32xf32, #tpu.memory_space<vmem>> -> memref<1x32xf32, #tpu.memory_space<vmem>>
        %dma_wait3A_479 = tpu.memref_squeeze %dma_wait3A_478 : memref<1x32xf32, #tpu.memory_space<vmem>> -> memref<32xf32, #tpu.memory_space<vmem>>
        %dma_wait3A_480 = arith.constant 0 : i32
        %dma_wait3A_481 = tpu.memref_slice %arg4[%dma_wait3A_480] : memref<524288xf32, #tpu.memory_space<hbm>> -> memref<32xf32, #tpu.memory_space<hbm>>
        %dma_wait3A_482 = tpu.memref_slice %arg11[%and3A_257] : memref<16x!tpu.dma_semaphore, #tpu.memory_space<semaphore_mem>> -> memref<1x!tpu.dma_semaphore, #tpu.memory_space<semaphore_mem>>
        %dma_wait3A_483 = tpu.memref_squeeze %dma_wait3A_482 : memref<1x!tpu.dma_semaphore, #tpu.memory_space<semaphore_mem>> -> memref<!tpu.dma_semaphore, #tpu.memory_space<semaphore_mem>>
        %dma_wait3A_484 = arith.constant 0 : i32
        %dma_wait3A_485 = tpu.memref_slice %arg8[%and3A_257, %dma_wait3A_484] : memref<16x32xf32, #tpu.memory_space<vmem>> -> memref<1x32xf32, #tpu.memory_space<vmem>>
        %dma_wait3A_486 = tpu.memref_squeeze %dma_wait3A_485 : memref<1x32xf32, #tpu.memory_space<vmem>> -> memref<32xf32, #tpu.memory_space<vmem>>
        %dma_wait3A_487 = arith.constant 0 : i32
        %dma_wait3A_488 = tpu.memref_slice %arg4[%dma_wait3A_487] : memref<524288xf32, #tpu.memory_space<hbm>> -> memref<32xf32, #tpu.memory_space<hbm>>
        tpu.wait_dma2 semaphore(%dma_wait3A_483 : memref<!tpu.dma_semaphore, #tpu.memory_space<semaphore_mem>>) src(%dma_wait3A_488 : memref<32xf32, #tpu.memory_space<hbm>>) dst(%dma_wait3A_486 : memref<32xf32, #tpu.memory_space<vmem>>)
      } else {
      }
      %swap3A = arith.constant 0 : i32
      %swap3A_262 = tpu.memref_slice %arg8[%and3A_257, %swap3A] : memref<16x32xf32, #tpu.memory_space<vmem>> -> memref<1x32xf32, #tpu.memory_space<vmem>>
      %swap3A_263 = tpu.memref_squeeze %swap3A_262 : memref<1x32xf32, #tpu.memory_space<vmem>> -> memref<32xf32, #tpu.memory_space<vmem>>
      %swap3A_264 = arith.constant 0 : index
      %swap3A_265 = tpu.vector_load %swap3A_263[%swap3A_264] {strides = array<i32>} : memref<32xf32, #tpu.memory_space<vmem>>, vector<16xf32>,
      tpu.vector_store %swap3A_263[%swap3A_264], %gather3A_251 {strides = array<i32>} : memref<32xf32, #tpu.memory_space<vmem>>, vector<16xf32>,
      %swap3A_266 = arith.constant 0 : i32
      %swap3A_267 = tpu.memref_slice %arg8[%and3A_257, %swap3A_266] : memref<16x32xf32, #tpu.memory_space<vmem>> -> memref<1x32xf32, #tpu.memory_space<vmem>>
      %swap3A_268 = tpu.memref_squeeze %swap3A_267 : memref<1x32xf32, #tpu.memory_space<vmem>> -> memref<32xf32, #tpu.memory_space<vmem>>
      %swap3A_269 = arith.constant 16 : index
      %swap3A_270 = tpu.vector_load %swap3A_268[%swap3A_269] {strides = array<i32>} : memref<32xf32, #tpu.memory_space<vmem>>, vector<16xf32>,
      tpu.vector_store %swap3A_268[%swap3A_269], %gather3A_255 {strides = array<i32>} : memref<32xf32, #tpu.memory_space<vmem>>, vector<16xf32>,
      %slice3A = vector.extract_strided_slice %get3A_232 {offsets = [0], sizes = [1], strides = [1]} : vector<16xi32> to vector<1xi32>
      %squeeze3A = vector.extract %slice3A[0] : i32 from vector<1xi32>
      %and3A_271 = arith.constant 16383 : i32
      %and3A_272 = arith.andi %squeeze3A, %and3A_271 : i32
      %mul3A_273 = arith.constant 32 : i32
      %mul3A_274 = arith.muli %and3A_272, %mul3A_273 : i32
      %dma_start3A_275 = arith.constant 0 : i32
      %dma_start3A_276 = tpu.memref_slice %arg8[%and3A_257, %dma_start3A_275] : memref<16x32xf32, #tpu.memory_space<vmem>> -> memref<1x32xf32, #tpu.memory_space<vmem>>
      %dma_start3A_277 = tpu.memref_squeeze %dma_start3A_276 : memref<1x32xf32, #tpu.memory_space<vmem>> -> memref<32xf32, #tpu.memory_space<vmem>>
      %dma_start3A_278 = tpu.memref_slice %arg4[%mul3A_274] : memref<524288xf32, #tpu.memory_space<hbm>> -> memref<32xf32, #tpu.memory_space<hbm>>
      %dma_start3A_279 = tpu.memref_slice %arg11[%and3A_257] : memref<16x!tpu.dma_semaphore, #tpu.memory_space<semaphore_mem>> -> memref<1x!tpu.dma_semaphore, #tpu.memory_space<semaphore_mem>>
      %dma_start3A_280 = tpu.memref_squeeze %dma_start3A_279 : memref<1x!tpu.dma_semaphore, #tpu.memory_space<semaphore_mem>> -> memref<!tpu.dma_semaphore, #tpu.memory_space<semaphore_mem>>
      %dma_start3A_281 = tpu.memref_slice %arg4[%mul3A_274] : memref<524288xf32, #tpu.memory_space<hbm>> -> memref<32xf32, #tpu.memory_space<hbm>>
      %dma_start3A_282 = arith.constant 0 : i32
      %dma_start3A_283 = tpu.memref_slice %arg8[%and3A_257, %dma_start3A_282] : memref<16x32xf32, #tpu.memory_space<vmem>> -> memref<1x32xf32, #tpu.memory_space<vmem>>
      %dma_start3A_284 = tpu.memref_squeeze %dma_start3A_283 : memref<1x32xf32, #tpu.memory_space<vmem>> -> memref<32xf32, #tpu.memory_space<vmem>>
      tpu.enqueue_dma source(%dma_start3A_284 : memref<32xf32, #tpu.memory_space<vmem>>) target(%dma_start3A_281 : memref<32xf32, #tpu.memory_space<hbm>>) target_semaphore(%dma_start3A_280 : memref<!tpu.dma_semaphore, #tpu.memory_space<semaphore_mem>>)
      %mul3A_285 = arith.constant 4 : i32
      %mul3A_286 = arith.muli %while3A_226, %mul3A_285 : i32
      %add3A_287 = arith.constant 1 : i32
      %add3A_288 = arith.addi %mul3A_286, %add3A_287 : i32
      %get3A_289 = arith.index_cast %add3A_288 : i32 to index
      %get3A_290 = tpu.vector_load %arg7[%get3A_289] {strides = array<i32>} : memref<16400xi32, #tpu.memory_space<vmem>>, vector<16xi32>,
      %lt3A_291 = arith.constant 0 : i32
      %lt3A_292 = vector.broadcast %lt3A_291 : i32 to vector<16xi32>
      %lt3A_293 = arith.cmpi slt, %broadcast_in_dim3A_58, %lt3A_292 : vector<16xi32>
      %add3A_294 = arith.constant 16 : i32
      %add3A_295 = vector.broadcast %add3A_294 : i32 to vector<16xi32>
      %add3A_296 = arith.addi %broadcast_in_dim3A_58, %add3A_295 : vector<16xi32>
      %select_n3A_297 = arith.select %lt3A_293, %add3A_296, %broadcast_in_dim3A_58 : vector<16xi1>, vector<16xi32>
      %broadcast_in_dim3A_298 = vector.shape_cast %select_n3A_297 : vector<16xi32> to vector<16x1xi32>
      %gather3A_299 = vector.shape_cast %broadcast_in_dim3A_298 : vector<16x1xi32> to vector<16xi32>
      %gather3A_300 = tpu.dynamic_gather %get3A_290[%gather3A_299] in [0] : vector<16xi32>, vector<16xi32> -> vector<16xi32>
      %shift_right_arithmetic3A_301 = arith.constant 21 : i32
      %shift_right_arithmetic3A_302 = vector.broadcast %shift_right_arithmetic3A_301 : i32 to vector<16xi32>
      %shift_right_arithmetic3A_303 = arith.shrsi %gather3A_300, %shift_right_arithmetic3A_302 : vector<16xi32>
      %sub3A_304 = arith.subi %shift_right_arithmetic3A_303, %broadcast_in_dim3A_61 : vector<16xi32>
      %shift_right_arithmetic3A_305 = arith.constant 14 : i32
      %shift_right_arithmetic3A_306 = vector.broadcast %shift_right_arithmetic3A_305 : i32 to vector<16xi32>
      %shift_right_arithmetic3A_307 = arith.shrsi %gather3A_300, %shift_right_arithmetic3A_306 : vector<16xi32>
      %and3A_308 = arith.constant 127 : i32
      %and3A_309 = vector.broadcast %and3A_308 : i32 to vector<16xi32>
      %and3A_310 = arith.andi %shift_right_arithmetic3A_307, %and3A_309 : vector<16xi32>
      %gather3A_311 = tpu.vector_load_idx %arg5[%select_n3A_36, %sub3A_304, %select_n3A_57, %and3A_310] : memref<4x25x8x128xf32, #tpu.memory_space<vmem>>[vector<16xi32>, vector<16xi32>, vector<16xi32>, vector<16xi32>], vector<16xf32>,
      %add3A_312 = arith.constant 2 : i32
      %add3A_313 = vector.broadcast %add3A_312 : i32 to vector<16xi32>
      %add3A_314 = arith.addi %select_n3A_36, %add3A_313 : vector<16xi32>
      %gather3A_315 = tpu.vector_load_idx %arg5[%add3A_314, %sub3A_304, %select_n3A_57, %and3A_310] : memref<4x25x8x128xf32, #tpu.memory_space<vmem>>[vector<16xi32>, vector<16xi32>, vector<16xi32>, vector<16xi32>], vector<16xf32>,
      %and3A_316 = arith.constant 15 : i32
      %and3A_317 = arith.andi %add3A_288, %and3A_316 : i32
      %ge3A_318 = arith.constant 16 : i32
      %ge3A_319 = arith.cmpi sge, %add3A_288, %ge3A_318 : i32
      %convert_element_type3A_320 = arith.extui %ge3A_319 : i1 to i32
      %cond3A_321 = arith.constant 0 : i32
      %cond3A_322 = arith.cmpi ne, %convert_element_type3A_320, %cond3A_321 : i32
      scf.if %cond3A_322 {
        %dma_wait3A = arith.constant 0 : i32
        %dma_wait3A_478 = tpu.memref_slice %arg8[%and3A_317, %dma_wait3A] : memref<16x32xf32, #tpu.memory_space<vmem>> -> memref<1x32xf32, #tpu.memory_space<vmem>>
        %dma_wait3A_479 = tpu.memref_squeeze %dma_wait3A_478 : memref<1x32xf32, #tpu.memory_space<vmem>> -> memref<32xf32, #tpu.memory_space<vmem>>
        %dma_wait3A_480 = arith.constant 0 : i32
        %dma_wait3A_481 = tpu.memref_slice %arg4[%dma_wait3A_480] : memref<524288xf32, #tpu.memory_space<hbm>> -> memref<32xf32, #tpu.memory_space<hbm>>
        %dma_wait3A_482 = tpu.memref_slice %arg11[%and3A_317] : memref<16x!tpu.dma_semaphore, #tpu.memory_space<semaphore_mem>> -> memref<1x!tpu.dma_semaphore, #tpu.memory_space<semaphore_mem>>
        %dma_wait3A_483 = tpu.memref_squeeze %dma_wait3A_482 : memref<1x!tpu.dma_semaphore, #tpu.memory_space<semaphore_mem>> -> memref<!tpu.dma_semaphore, #tpu.memory_space<semaphore_mem>>
        %dma_wait3A_484 = arith.constant 0 : i32
        %dma_wait3A_485 = tpu.memref_slice %arg8[%and3A_317, %dma_wait3A_484] : memref<16x32xf32, #tpu.memory_space<vmem>> -> memref<1x32xf32, #tpu.memory_space<vmem>>
        %dma_wait3A_486 = tpu.memref_squeeze %dma_wait3A_485 : memref<1x32xf32, #tpu.memory_space<vmem>> -> memref<32xf32, #tpu.memory_space<vmem>>
        %dma_wait3A_487 = arith.constant 0 : i32
        %dma_wait3A_488 = tpu.memref_slice %arg4[%dma_wait3A_487] : memref<524288xf32, #tpu.memory_space<hbm>> -> memref<32xf32, #tpu.memory_space<hbm>>
        tpu.wait_dma2 semaphore(%dma_wait3A_483 : memref<!tpu.dma_semaphore, #tpu.memory_space<semaphore_mem>>) src(%dma_wait3A_488 : memref<32xf32, #tpu.memory_space<hbm>>) dst(%dma_wait3A_486 : memref<32xf32, #tpu.memory_space<vmem>>)
      } else {
      }
      %swap3A_323 = arith.constant 0 : i32
      %swap3A_324 = tpu.memref_slice %arg8[%and3A_317, %swap3A_323] : memref<16x32xf32, #tpu.memory_space<vmem>> -> memref<1x32xf32, #tpu.memory_space<vmem>>
      %swap3A_325 = tpu.memref_squeeze %swap3A_324 : memref<1x32xf32, #tpu.memory_space<vmem>> -> memref<32xf32, #tpu.memory_space<vmem>>
      %swap3A_326 = arith.constant 0 : index
      %swap3A_327 = tpu.vector_load %swap3A_325[%swap3A_326] {strides = array<i32>} : memref<32xf32, #tpu.memory_space<vmem>>, vector<16xf32>,
      tpu.vector_store %swap3A_325[%swap3A_326], %gather3A_311 {strides = array<i32>} : memref<32xf32, #tpu.memory_space<vmem>>, vector<16xf32>,
      %swap3A_328 = arith.constant 0 : i32
      %swap3A_329 = tpu.memref_slice %arg8[%and3A_317, %swap3A_328] : memref<16x32xf32, #tpu.memory_space<vmem>> -> memref<1x32xf32, #tpu.memory_space<vmem>>
      %swap3A_330 = tpu.memref_squeeze %swap3A_329 : memref<1x32xf32, #tpu.memory_space<vmem>> -> memref<32xf32, #tpu.memory_space<vmem>>
      %swap3A_331 = arith.constant 16 : index
      %swap3A_332 = tpu.vector_load %swap3A_330[%swap3A_331] {strides = array<i32>} : memref<32xf32, #tpu.memory_space<vmem>>, vector<16xf32>,
      tpu.vector_store %swap3A_330[%swap3A_331], %gather3A_315 {strides = array<i32>} : memref<32xf32, #tpu.memory_space<vmem>>, vector<16xf32>,
      %slice3A_333 = vector.extract_strided_slice %get3A_290 {offsets = [0], sizes = [1], strides = [1]} : vector<16xi32> to vector<1xi32>
      %squeeze3A_334 = vector.extract %slice3A_333[0] : i32 from vector<1xi32>
      %and3A_335 = arith.constant 16383 : i32
      %and3A_336 = arith.andi %squeeze3A_334, %and3A_335 : i32
      %mul3A_337 = arith.constant 32 : i32
      %mul3A_338 = arith.muli %and3A_336, %mul3A_337 : i32
      %dma_start3A_339 = arith.constant 0 : i32
      %dma_start3A_340 = tpu.memref_slice %arg8[%and3A_317, %dma_start3A_339] : memref<16x32xf32, #tpu.memory_space<vmem>> -> memref<1x32xf32, #tpu.memory_space<vmem>>
      %dma_start3A_341 = tpu.memref_squeeze %dma_start3A_340 : memref<1x32xf32, #tpu.memory_space<vmem>> -> memref<32xf32, #tpu.memory_space<vmem>>
      %dma_start3A_342 = tpu.memref_slice %arg4[%mul3A_338] : memref<524288xf32, #tpu.memory_space<hbm>> -> memref<32xf32, #tpu.memory_space<hbm>>
      %dma_start3A_343 = tpu.memref_slice %arg11[%and3A_317] : memref<16x!tpu.dma_semaphore, #tpu.memory_space<semaphore_mem>> -> memref<1x!tpu.dma_semaphore, #tpu.memory_space<semaphore_mem>>
      %dma_start3A_344 = tpu.memref_squeeze %dma_start3A_343 : memref<1x!tpu.dma_semaphore, #tpu.memory_space<semaphore_mem>> -> memref<!tpu.dma_semaphore, #tpu.memory_space<semaphore_mem>>
      %dma_start3A_345 = tpu.memref_slice %arg4[%mul3A_338] : memref<524288xf32, #tpu.memory_space<hbm>> -> memref<32xf32, #tpu.memory_space<hbm>>
      %dma_start3A_346 = arith.constant 0 : i32
      %dma_start3A_347 = tpu.memref_slice %arg8[%and3A_317, %dma_start3A_346] : memref<16x32xf32, #tpu.memory_space<vmem>> -> memref<1x32xf32, #tpu.memory_space<vmem>>
      %dma_start3A_348 = tpu.memref_squeeze %dma_start3A_347 : memref<1x32xf32, #tpu.memory_space<vmem>> -> memref<32xf32, #tpu.memory_space<vmem>>
      tpu.enqueue_dma source(%dma_start3A_348 : memref<32xf32, #tpu.memory_space<vmem>>) target(%dma_start3A_345 : memref<32xf32, #tpu.memory_space<hbm>>) target_semaphore(%dma_start3A_344 : memref<!tpu.dma_semaphore, #tpu.memory_space<semaphore_mem>>)
      %mul3A_349 = arith.constant 4 : i32
      %mul3A_350 = arith.muli %while3A_226, %mul3A_349 : i32
      %add3A_351 = arith.constant 2 : i32
      %add3A_352 = arith.addi %mul3A_350, %add3A_351 : i32
      %get3A_353 = arith.index_cast %add3A_352 : i32 to index
      %get3A_354 = tpu.vector_load %arg7[%get3A_353] {strides = array<i32>} : memref<16400xi32, #tpu.memory_space<vmem>>, vector<16xi32>,
      %lt3A_355 = arith.constant 0 : i32
      %lt3A_356 = vector.broadcast %lt3A_355 : i32 to vector<16xi32>
      %lt3A_357 = arith.cmpi slt, %broadcast_in_dim3A_58, %lt3A_356 : vector<16xi32>
      %add3A_358 = arith.constant 16 : i32
      %add3A_359 = vector.broadcast %add3A_358 : i32 to vector<16xi32>
      %add3A_360 = arith.addi %broadcast_in_dim3A_58, %add3A_359 : vector<16xi32>
      %select_n3A_361 = arith.select %lt3A_357, %add3A_360, %broadcast_in_dim3A_58 : vector<16xi1>, vector<16xi32>
      %broadcast_in_dim3A_362 = vector.shape_cast %select_n3A_361 : vector<16xi32> to vector<16x1xi32>
      %gather3A_363 = vector.shape_cast %broadcast_in_dim3A_362 : vector<16x1xi32> to vector<16xi32>
      %gather3A_364 = tpu.dynamic_gather %get3A_354[%gather3A_363] in [0] : vector<16xi32>, vector<16xi32> -> vector<16xi32>
      %shift_right_arithmetic3A_365 = arith.constant 21 : i32
      %shift_right_arithmetic3A_366 = vector.broadcast %shift_right_arithmetic3A_365 : i32 to vector<16xi32>
      %shift_right_arithmetic3A_367 = arith.shrsi %gather3A_364, %shift_right_arithmetic3A_366 : vector<16xi32>
      %sub3A_368 = arith.subi %shift_right_arithmetic3A_367, %broadcast_in_dim3A_61 : vector<16xi32>
      %shift_right_arithmetic3A_369 = arith.constant 14 : i32
      %shift_right_arithmetic3A_370 = vector.broadcast %shift_right_arithmetic3A_369 : i32 to vector<16xi32>
      %shift_right_arithmetic3A_371 = arith.shrsi %gather3A_364, %shift_right_arithmetic3A_370 : vector<16xi32>
      %and3A_372 = arith.constant 127 : i32
      %and3A_373 = vector.broadcast %and3A_372 : i32 to vector<16xi32>
      %and3A_374 = arith.andi %shift_right_arithmetic3A_371, %and3A_373 : vector<16xi32>
      %gather3A_375 = tpu.vector_load_idx %arg5[%select_n3A_36, %sub3A_368, %select_n3A_57, %and3A_374] : memref<4x25x8x128xf32, #tpu.memory_space<vmem>>[vector<16xi32>, vector<16xi32>, vector<16xi32>, vector<16xi32>], vector<16xf32>,
      %add3A_376 = arith.constant 2 : i32
      %add3A_377 = vector.broadcast %add3A_376 : i32 to vector<16xi32>
      %add3A_378 = arith.addi %select_n3A_36, %add3A_377 : vector<16xi32>
      %gather3A_379 = tpu.vector_load_idx %arg5[%add3A_378, %sub3A_368, %select_n3A_57, %and3A_374] : memref<4x25x8x128xf32, #tpu.memory_space<vmem>>[vector<16xi32>, vector<16xi32>, vector<16xi32>, vector<16xi32>], vector<16xf32>,
      %and3A_380 = arith.constant 15 : i32
      %and3A_381 = arith.andi %add3A_352, %and3A_380 : i32
      %ge3A_382 = arith.constant 16 : i32
      %ge3A_383 = arith.cmpi sge, %add3A_352, %ge3A_382 : i32
      %convert_element_type3A_384 = arith.extui %ge3A_383 : i1 to i32
      %cond3A_385 = arith.constant 0 : i32
      %cond3A_386 = arith.cmpi ne, %convert_element_type3A_384, %cond3A_385 : i32
      scf.if %cond3A_386 {
        %dma_wait3A = arith.constant 0 : i32
        %dma_wait3A_478 = tpu.memref_slice %arg8[%and3A_381, %dma_wait3A] : memref<16x32xf32, #tpu.memory_space<vmem>> -> memref<1x32xf32, #tpu.memory_space<vmem>>
        %dma_wait3A_479 = tpu.memref_squeeze %dma_wait3A_478 : memref<1x32xf32, #tpu.memory_space<vmem>> -> memref<32xf32, #tpu.memory_space<vmem>>
        %dma_wait3A_480 = arith.constant 0 : i32
        %dma_wait3A_481 = tpu.memref_slice %arg4[%dma_wait3A_480] : memref<524288xf32, #tpu.memory_space<hbm>> -> memref<32xf32, #tpu.memory_space<hbm>>
        %dma_wait3A_482 = tpu.memref_slice %arg11[%and3A_381] : memref<16x!tpu.dma_semaphore, #tpu.memory_space<semaphore_mem>> -> memref<1x!tpu.dma_semaphore, #tpu.memory_space<semaphore_mem>>
        %dma_wait3A_483 = tpu.memref_squeeze %dma_wait3A_482 : memref<1x!tpu.dma_semaphore, #tpu.memory_space<semaphore_mem>> -> memref<!tpu.dma_semaphore, #tpu.memory_space<semaphore_mem>>
        %dma_wait3A_484 = arith.constant 0 : i32
        %dma_wait3A_485 = tpu.memref_slice %arg8[%and3A_381, %dma_wait3A_484] : memref<16x32xf32, #tpu.memory_space<vmem>> -> memref<1x32xf32, #tpu.memory_space<vmem>>
        %dma_wait3A_486 = tpu.memref_squeeze %dma_wait3A_485 : memref<1x32xf32, #tpu.memory_space<vmem>> -> memref<32xf32, #tpu.memory_space<vmem>>
        %dma_wait3A_487 = arith.constant 0 : i32
        %dma_wait3A_488 = tpu.memref_slice %arg4[%dma_wait3A_487] : memref<524288xf32, #tpu.memory_space<hbm>> -> memref<32xf32, #tpu.memory_space<hbm>>
        tpu.wait_dma2 semaphore(%dma_wait3A_483 : memref<!tpu.dma_semaphore, #tpu.memory_space<semaphore_mem>>) src(%dma_wait3A_488 : memref<32xf32, #tpu.memory_space<hbm>>) dst(%dma_wait3A_486 : memref<32xf32, #tpu.memory_space<vmem>>)
      } else {
      }
      %swap3A_387 = arith.constant 0 : i32
      %swap3A_388 = tpu.memref_slice %arg8[%and3A_381, %swap3A_387] : memref<16x32xf32, #tpu.memory_space<vmem>> -> memref<1x32xf32, #tpu.memory_space<vmem>>
      %swap3A_389 = tpu.memref_squeeze %swap3A_388 : memref<1x32xf32, #tpu.memory_space<vmem>> -> memref<32xf32, #tpu.memory_space<vmem>>
      %swap3A_390 = arith.constant 0 : index
      %swap3A_391 = tpu.vector_load %swap3A_389[%swap3A_390] {strides = array<i32>} : memref<32xf32, #tpu.memory_space<vmem>>, vector<16xf32>,
      tpu.vector_store %swap3A_389[%swap3A_390], %gather3A_375 {strides = array<i32>} : memref<32xf32, #tpu.memory_space<vmem>>, vector<16xf32>,
      %swap3A_392 = arith.constant 0 : i32
      %swap3A_393 = tpu.memref_slice %arg8[%and3A_381, %swap3A_392] : memref<16x32xf32, #tpu.memory_space<vmem>> -> memref<1x32xf32, #tpu.memory_space<vmem>>
      %swap3A_394 = tpu.memref_squeeze %swap3A_393 : memref<1x32xf32, #tpu.memory_space<vmem>> -> memref<32xf32, #tpu.memory_space<vmem>>
      %swap3A_395 = arith.constant 16 : index
      %swap3A_396 = tpu.vector_load %swap3A_394[%swap3A_395] {strides = array<i32>} : memref<32xf32, #tpu.memory_space<vmem>>, vector<16xf32>,
      tpu.vector_store %swap3A_394[%swap3A_395], %gather3A_379 {strides = array<i32>} : memref<32xf32, #tpu.memory_space<vmem>>, vector<16xf32>,
      %slice3A_397 = vector.extract_strided_slice %get3A_354 {offsets = [0], sizes = [1], strides = [1]} : vector<16xi32> to vector<1xi32>
      %squeeze3A_398 = vector.extract %slice3A_397[0] : i32 from vector<1xi32>
      %and3A_399 = arith.constant 16383 : i32
      %and3A_400 = arith.andi %squeeze3A_398, %and3A_399 : i32
      %mul3A_401 = arith.constant 32 : i32
      %mul3A_402 = arith.muli %and3A_400, %mul3A_401 : i32
      %dma_start3A_403 = arith.constant 0 : i32
      %dma_start3A_404 = tpu.memref_slice %arg8[%and3A_381, %dma_start3A_403] : memref<16x32xf32, #tpu.memory_space<vmem>> -> memref<1x32xf32, #tpu.memory_space<vmem>>
      %dma_start3A_405 = tpu.memref_squeeze %dma_start3A_404 : memref<1x32xf32, #tpu.memory_space<vmem>> -> memref<32xf32, #tpu.memory_space<vmem>>
      %dma_start3A_406 = tpu.memref_slice %arg4[%mul3A_402] : memref<524288xf32, #tpu.memory_space<hbm>> -> memref<32xf32, #tpu.memory_space<hbm>>
      %dma_start3A_407 = tpu.memref_slice %arg11[%and3A_381] : memref<16x!tpu.dma_semaphore, #tpu.memory_space<semaphore_mem>> -> memref<1x!tpu.dma_semaphore, #tpu.memory_space<semaphore_mem>>
      %dma_start3A_408 = tpu.memref_squeeze %dma_start3A_407 : memref<1x!tpu.dma_semaphore, #tpu.memory_space<semaphore_mem>> -> memref<!tpu.dma_semaphore, #tpu.memory_space<semaphore_mem>>
      %dma_start3A_409 = tpu.memref_slice %arg4[%mul3A_402] : memref<524288xf32, #tpu.memory_space<hbm>> -> memref<32xf32, #tpu.memory_space<hbm>>
      %dma_start3A_410 = arith.constant 0 : i32
      %dma_start3A_411 = tpu.memref_slice %arg8[%and3A_381, %dma_start3A_410] : memref<16x32xf32, #tpu.memory_space<vmem>> -> memref<1x32xf32, #tpu.memory_space<vmem>>
      %dma_start3A_412 = tpu.memref_squeeze %dma_start3A_411 : memref<1x32xf32, #tpu.memory_space<vmem>> -> memref<32xf32, #tpu.memory_space<vmem>>
      tpu.enqueue_dma source(%dma_start3A_412 : memref<32xf32, #tpu.memory_space<vmem>>) target(%dma_start3A_409 : memref<32xf32, #tpu.memory_space<hbm>>) target_semaphore(%dma_start3A_408 : memref<!tpu.dma_semaphore, #tpu.memory_space<semaphore_mem>>)
      %mul3A_413 = arith.constant 4 : i32
      %mul3A_414 = arith.muli %while3A_226, %mul3A_413 : i32
      %add3A_415 = arith.constant 3 : i32
      %add3A_416 = arith.addi %mul3A_414, %add3A_415 : i32
      %get3A_417 = arith.index_cast %add3A_416 : i32 to index
      %get3A_418 = tpu.vector_load %arg7[%get3A_417] {strides = array<i32>} : memref<16400xi32, #tpu.memory_space<vmem>>, vector<16xi32>,
      %lt3A_419 = arith.constant 0 : i32
      %lt3A_420 = vector.broadcast %lt3A_419 : i32 to vector<16xi32>
      %lt3A_421 = arith.cmpi slt, %broadcast_in_dim3A_58, %lt3A_420 : vector<16xi32>
      %add3A_422 = arith.constant 16 : i32
      %add3A_423 = vector.broadcast %add3A_422 : i32 to vector<16xi32>
      %add3A_424 = arith.addi %broadcast_in_dim3A_58, %add3A_423 : vector<16xi32>
      %select_n3A_425 = arith.select %lt3A_421, %add3A_424, %broadcast_in_dim3A_58 : vector<16xi1>, vector<16xi32>
      %broadcast_in_dim3A_426 = vector.shape_cast %select_n3A_425 : vector<16xi32> to vector<16x1xi32>
      %gather3A_427 = vector.shape_cast %broadcast_in_dim3A_426 : vector<16x1xi32> to vector<16xi32>
      %gather3A_428 = tpu.dynamic_gather %get3A_418[%gather3A_427] in [0] : vector<16xi32>, vector<16xi32> -> vector<16xi32>
      %shift_right_arithmetic3A_429 = arith.constant 21 : i32
      %shift_right_arithmetic3A_430 = vector.broadcast %shift_right_arithmetic3A_429 : i32 to vector<16xi32>
      %shift_right_arithmetic3A_431 = arith.shrsi %gather3A_428, %shift_right_arithmetic3A_430 : vector<16xi32>
      %sub3A_432 = arith.subi %shift_right_arithmetic3A_431, %broadcast_in_dim3A_61 : vector<16xi32>
      %shift_right_arithmetic3A_433 = arith.constant 14 : i32
      %shift_right_arithmetic3A_434 = vector.broadcast %shift_right_arithmetic3A_433 : i32 to vector<16xi32>
      %shift_right_arithmetic3A_435 = arith.shrsi %gather3A_428, %shift_right_arithmetic3A_434 : vector<16xi32>
      %and3A_436 = arith.constant 127 : i32
      %and3A_437 = vector.broadcast %and3A_436 : i32 to vector<16xi32>
      %and3A_438 = arith.andi %shift_right_arithmetic3A_435, %and3A_437 : vector<16xi32>
      %gather3A_439 = tpu.vector_load_idx %arg5[%select_n3A_36, %sub3A_432, %select_n3A_57, %and3A_438] : memref<4x25x8x128xf32, #tpu.memory_space<vmem>>[vector<16xi32>, vector<16xi32>, vector<16xi32>, vector<16xi32>], vector<16xf32>,
      %add3A_440 = arith.constant 2 : i32
      %add3A_441 = vector.broadcast %add3A_440 : i32 to vector<16xi32>
      %add3A_442 = arith.addi %select_n3A_36, %add3A_441 : vector<16xi32>
      %gather3A_443 = tpu.vector_load_idx %arg5[%add3A_442, %sub3A_432, %select_n3A_57, %and3A_438] : memref<4x25x8x128xf32, #tpu.memory_space<vmem>>[vector<16xi32>, vector<16xi32>, vector<16xi32>, vector<16xi32>], vector<16xf32>,
      %and3A_444 = arith.constant 15 : i32
      %and3A_445 = arith.andi %add3A_416, %and3A_444 : i32
      %ge3A_446 = arith.constant 16 : i32
      %ge3A_447 = arith.cmpi sge, %add3A_416, %ge3A_446 : i32
      %convert_element_type3A_448 = arith.extui %ge3A_447 : i1 to i32
      %cond3A_449 = arith.constant 0 : i32
      %cond3A_450 = arith.cmpi ne, %convert_element_type3A_448, %cond3A_449 : i32
      scf.if %cond3A_450 {
        %dma_wait3A = arith.constant 0 : i32
        %dma_wait3A_478 = tpu.memref_slice %arg8[%and3A_445, %dma_wait3A] : memref<16x32xf32, #tpu.memory_space<vmem>> -> memref<1x32xf32, #tpu.memory_space<vmem>>
        %dma_wait3A_479 = tpu.memref_squeeze %dma_wait3A_478 : memref<1x32xf32, #tpu.memory_space<vmem>> -> memref<32xf32, #tpu.memory_space<vmem>>
        %dma_wait3A_480 = arith.constant 0 : i32
        %dma_wait3A_481 = tpu.memref_slice %arg4[%dma_wait3A_480] : memref<524288xf32, #tpu.memory_space<hbm>> -> memref<32xf32, #tpu.memory_space<hbm>>
        %dma_wait3A_482 = tpu.memref_slice %arg11[%and3A_445] : memref<16x!tpu.dma_semaphore, #tpu.memory_space<semaphore_mem>> -> memref<1x!tpu.dma_semaphore, #tpu.memory_space<semaphore_mem>>
        %dma_wait3A_483 = tpu.memref_squeeze %dma_wait3A_482 : memref<1x!tpu.dma_semaphore, #tpu.memory_space<semaphore_mem>> -> memref<!tpu.dma_semaphore, #tpu.memory_space<semaphore_mem>>
        %dma_wait3A_484 = arith.constant 0 : i32
        %dma_wait3A_485 = tpu.memref_slice %arg8[%and3A_445, %dma_wait3A_484] : memref<16x32xf32, #tpu.memory_space<vmem>> -> memref<1x32xf32, #tpu.memory_space<vmem>>
        %dma_wait3A_486 = tpu.memref_squeeze %dma_wait3A_485 : memref<1x32xf32, #tpu.memory_space<vmem>> -> memref<32xf32, #tpu.memory_space<vmem>>
        %dma_wait3A_487 = arith.constant 0 : i32
        %dma_wait3A_488 = tpu.memref_slice %arg4[%dma_wait3A_487] : memref<524288xf32, #tpu.memory_space<hbm>> -> memref<32xf32, #tpu.memory_space<hbm>>
        tpu.wait_dma2 semaphore(%dma_wait3A_483 : memref<!tpu.dma_semaphore, #tpu.memory_space<semaphore_mem>>) src(%dma_wait3A_488 : memref<32xf32, #tpu.memory_space<hbm>>) dst(%dma_wait3A_486 : memref<32xf32, #tpu.memory_space<vmem>>)
      } else {
      }
      %swap3A_451 = arith.constant 0 : i32
      %swap3A_452 = tpu.memref_slice %arg8[%and3A_445, %swap3A_451] : memref<16x32xf32, #tpu.memory_space<vmem>> -> memref<1x32xf32, #tpu.memory_space<vmem>>
      %swap3A_453 = tpu.memref_squeeze %swap3A_452 : memref<1x32xf32, #tpu.memory_space<vmem>> -> memref<32xf32, #tpu.memory_space<vmem>>
      %swap3A_454 = arith.constant 0 : index
      %swap3A_455 = tpu.vector_load %swap3A_453[%swap3A_454] {strides = array<i32>} : memref<32xf32, #tpu.memory_space<vmem>>, vector<16xf32>,
      tpu.vector_store %swap3A_453[%swap3A_454], %gather3A_439 {strides = array<i32>} : memref<32xf32, #tpu.memory_space<vmem>>, vector<16xf32>,
      %swap3A_456 = arith.constant 0 : i32
      %swap3A_457 = tpu.memref_slice %arg8[%and3A_445, %swap3A_456] : memref<16x32xf32, #tpu.memory_space<vmem>> -> memref<1x32xf32, #tpu.memory_space<vmem>>
      %swap3A_458 = tpu.memref_squeeze %swap3A_457 : memref<1x32xf32, #tpu.memory_space<vmem>> -> memref<32xf32, #tpu.memory_space<vmem>>
      %swap3A_459 = arith.constant 16 : index
      %swap3A_460 = tpu.vector_load %swap3A_458[%swap3A_459] {strides = array<i32>} : memref<32xf32, #tpu.memory_space<vmem>>, vector<16xf32>,
      tpu.vector_store %swap3A_458[%swap3A_459], %gather3A_443 {strides = array<i32>} : memref<32xf32, #tpu.memory_space<vmem>>, vector<16xf32>,
      %slice3A_461 = vector.extract_strided_slice %get3A_418 {offsets = [0], sizes = [1], strides = [1]} : vector<16xi32> to vector<1xi32>
      %squeeze3A_462 = vector.extract %slice3A_461[0] : i32 from vector<1xi32>
      %and3A_463 = arith.constant 16383 : i32
      %and3A_464 = arith.andi %squeeze3A_462, %and3A_463 : i32
      %mul3A_465 = arith.constant 32 : i32
      %mul3A_466 = arith.muli %and3A_464, %mul3A_465 : i32
      %dma_start3A_467 = arith.constant 0 : i32
      %dma_start3A_468 = tpu.memref_slice %arg8[%and3A_445, %dma_start3A_467] : memref<16x32xf32, #tpu.memory_space<vmem>> -> memref<1x32xf32, #tpu.memory_space<vmem>>
      %dma_start3A_469 = tpu.memref_squeeze %dma_start3A_468 : memref<1x32xf32, #tpu.memory_space<vmem>> -> memref<32xf32, #tpu.memory_space<vmem>>
      %dma_start3A_470 = tpu.memref_slice %arg4[%mul3A_466] : memref<524288xf32, #tpu.memory_space<hbm>> -> memref<32xf32, #tpu.memory_space<hbm>>
      %dma_start3A_471 = tpu.memref_slice %arg11[%and3A_445] : memref<16x!tpu.dma_semaphore, #tpu.memory_space<semaphore_mem>> -> memref<1x!tpu.dma_semaphore, #tpu.memory_space<semaphore_mem>>
      %dma_start3A_472 = tpu.memref_squeeze %dma_start3A_471 : memref<1x!tpu.dma_semaphore, #tpu.memory_space<semaphore_mem>> -> memref<!tpu.dma_semaphore, #tpu.memory_space<semaphore_mem>>
      %dma_start3A_473 = tpu.memref_slice %arg4[%mul3A_466] : memref<524288xf32, #tpu.memory_space<hbm>> -> memref<32xf32, #tpu.memory_space<hbm>>
      %dma_start3A_474 = arith.constant 0 : i32
      %dma_start3A_475 = tpu.memref_slice %arg8[%and3A_445, %dma_start3A_474] : memref<16x32xf32, #tpu.memory_space<vmem>> -> memref<1x32xf32, #tpu.memory_space<vmem>>
      %dma_start3A_476 = tpu.memref_squeeze %dma_start3A_475 : memref<1x32xf32, #tpu.memory_space<vmem>> -> memref<32xf32, #tpu.memory_space<vmem>>
      tpu.enqueue_dma source(%dma_start3A_476 : memref<32xf32, #tpu.memory_space<vmem>>) target(%dma_start3A_473 : memref<32xf32, #tpu.memory_space<hbm>>) target_semaphore(%dma_start3A_472 : memref<!tpu.dma_semaphore, #tpu.memory_space<semaphore_mem>>)
      %while3A_477 = arith.constant 0 : i32
      scf.yield %while3A_477 : i32
    }
    %gt3A_146 = arith.constant 0 : i32
    %gt3A_147 = arith.cmpi sgt, %and3A_109, %gt3A_146 : i32
    %convert_element_type3A_148 = arith.extui %gt3A_147 : i1 to i32
    %cond3A_149 = arith.constant 0 : i32
    %cond3A_150 = arith.cmpi ne, %convert_element_type3A_148, %cond3A_149 : i32
    scf.if %cond3A_150 {
      %dma_wait3A = arith.constant 0 : i32
      %dma_wait3A_226 = arith.constant 0 : i32
      %dma_wait3A_227 = arith.constant 0 : i32
      %dma_wait3A_228 = tpu.memref_slice %arg8[%dma_wait3A, %dma_wait3A_227] : memref<16x32xf32, #tpu.memory_space<vmem>> -> memref<1x32xf32, #tpu.memory_space<vmem>>
      %dma_wait3A_229 = tpu.memref_squeeze %dma_wait3A_228 : memref<1x32xf32, #tpu.memory_space<vmem>> -> memref<32xf32, #tpu.memory_space<vmem>>
      %dma_wait3A_230 = arith.constant 0 : i32
      %dma_wait3A_231 = tpu.memref_slice %arg4[%dma_wait3A_230] : memref<524288xf32, #tpu.memory_space<hbm>> -> memref<32xf32, #tpu.memory_space<hbm>>
      %dma_wait3A_232 = tpu.memref_slice %arg11[%dma_wait3A_226] : memref<16x!tpu.dma_semaphore, #tpu.memory_space<semaphore_mem>> -> memref<1x!tpu.dma_semaphore, #tpu.memory_space<semaphore_mem>>
      %dma_wait3A_233 = tpu.memref_squeeze %dma_wait3A_232 : memref<1x!tpu.dma_semaphore, #tpu.memory_space<semaphore_mem>> -> memref<!tpu.dma_semaphore, #tpu.memory_space<semaphore_mem>>
      %dma_wait3A_234 = arith.constant 0 : i32
      %dma_wait3A_235 = tpu.memref_slice %arg8[%dma_wait3A, %dma_wait3A_234] : memref<16x32xf32, #tpu.memory_space<vmem>> -> memref<1x32xf32, #tpu.memory_space<vmem>>
      %dma_wait3A_236 = tpu.memref_squeeze %dma_wait3A_235 : memref<1x32xf32, #tpu.memory_space<vmem>> -> memref<32xf32, #tpu.memory_space<vmem>>
      %dma_wait3A_237 = arith.constant 0 : i32
      %dma_wait3A_238 = tpu.memref_slice %arg4[%dma_wait3A_237] : memref<524288xf32, #tpu.memory_space<hbm>> -> memref<32xf32, #tpu.memory_space<hbm>>
      tpu.wait_dma2 semaphore(%dma_wait3A_233 : memref<!tpu.dma_semaphore, #tpu.memory_space<semaphore_mem>>) src(%dma_wait3A_238 : memref<32xf32, #tpu.memory_space<hbm>>) dst(%dma_wait3A_236 : memref<32xf32, #tpu.memory_space<vmem>>)
    } else {
    }
    %gt3A_151 = arith.constant 1 : i32
    %gt3A_152 = arith.cmpi sgt, %and3A_109, %gt3A_151 : i32
    %convert_element_type3A_153 = arith.extui %gt3A_152 : i1 to i32
    %cond3A_154 = arith.constant 0 : i32
    %cond3A_155 = arith.cmpi ne, %convert_element_type3A_153, %cond3A_154 : i32
    scf.if %cond3A_155 {
      %dma_wait3A = arith.constant 1 : i32
      %dma_wait3A_226 = arith.constant 1 : i32
      %dma_wait3A_227 = arith.constant 0 : i32
      %dma_wait3A_228 = tpu.memref_slice %arg8[%dma_wait3A, %dma_wait3A_227] : memref<16x32xf32, #tpu.memory_space<vmem>> -> memref<1x32xf32, #tpu.memory_space<vmem>>
      %dma_wait3A_229 = tpu.memref_squeeze %dma_wait3A_228 : memref<1x32xf32, #tpu.memory_space<vmem>> -> memref<32xf32, #tpu.memory_space<vmem>>
      %dma_wait3A_230 = arith.constant 0 : i32
      %dma_wait3A_231 = tpu.memref_slice %arg4[%dma_wait3A_230] : memref<524288xf32, #tpu.memory_space<hbm>> -> memref<32xf32, #tpu.memory_space<hbm>>
      %dma_wait3A_232 = tpu.memref_slice %arg11[%dma_wait3A_226] : memref<16x!tpu.dma_semaphore, #tpu.memory_space<semaphore_mem>> -> memref<1x!tpu.dma_semaphore, #tpu.memory_space<semaphore_mem>>
      %dma_wait3A_233 = tpu.memref_squeeze %dma_wait3A_232 : memref<1x!tpu.dma_semaphore, #tpu.memory_space<semaphore_mem>> -> memref<!tpu.dma_semaphore, #tpu.memory_space<semaphore_mem>>
      %dma_wait3A_234 = arith.constant 0 : i32
      %dma_wait3A_235 = tpu.memref_slice %arg8[%dma_wait3A, %dma_wait3A_234] : memref<16x32xf32, #tpu.memory_space<vmem>> -> memref<1x32xf32, #tpu.memory_space<vmem>>
      %dma_wait3A_236 = tpu.memref_squeeze %dma_wait3A_235 : memref<1x32xf32, #tpu.memory_space<vmem>> -> memref<32xf32, #tpu.memory_space<vmem>>
      %dma_wait3A_237 = arith.constant 0 : i32
      %dma_wait3A_238 = tpu.memref_slice %arg4[%dma_wait3A_237] : memref<524288xf32, #tpu.memory_space<hbm>> -> memref<32xf32, #tpu.memory_space<hbm>>
      tpu.wait_dma2 semaphore(%dma_wait3A_233 : memref<!tpu.dma_semaphore, #tpu.memory_space<semaphore_mem>>) src(%dma_wait3A_238 : memref<32xf32, #tpu.memory_space<hbm>>) dst(%dma_wait3A_236 : memref<32xf32, #tpu.memory_space<vmem>>)
    } else {
    }
    %gt3A_156 = arith.constant 2 : i32
    %gt3A_157 = arith.cmpi sgt, %and3A_109, %gt3A_156 : i32
    %convert_element_type3A_158 = arith.extui %gt3A_157 : i1 to i32
    %cond3A_159 = arith.constant 0 : i32
    %cond3A_160 = arith.cmpi ne, %convert_element_type3A_158, %cond3A_159 : i32
    scf.if %cond3A_160 {
      %dma_wait3A = arith.constant 2 : i32
      %dma_wait3A_226 = arith.constant 2 : i32
      %dma_wait3A_227 = arith.constant 0 : i32
      %dma_wait3A_228 = tpu.memref_slice %arg8[%dma_wait3A, %dma_wait3A_227] : memref<16x32xf32, #tpu.memory_space<vmem>> -> memref<1x32xf32, #tpu.memory_space<vmem>>
      %dma_wait3A_229 = tpu.memref_squeeze %dma_wait3A_228 : memref<1x32xf32, #tpu.memory_space<vmem>> -> memref<32xf32, #tpu.memory_space<vmem>>
      %dma_wait3A_230 = arith.constant 0 : i32
      %dma_wait3A_231 = tpu.memref_slice %arg4[%dma_wait3A_230] : memref<524288xf32, #tpu.memory_space<hbm>> -> memref<32xf32, #tpu.memory_space<hbm>>
      %dma_wait3A_232 = tpu.memref_slice %arg11[%dma_wait3A_226] : memref<16x!tpu.dma_semaphore, #tpu.memory_space<semaphore_mem>> -> memref<1x!tpu.dma_semaphore, #tpu.memory_space<semaphore_mem>>
      %dma_wait3A_233 = tpu.memref_squeeze %dma_wait3A_232 : memref<1x!tpu.dma_semaphore, #tpu.memory_space<semaphore_mem>> -> memref<!tpu.dma_semaphore, #tpu.memory_space<semaphore_mem>>
      %dma_wait3A_234 = arith.constant 0 : i32
      %dma_wait3A_235 = tpu.memref_slice %arg8[%dma_wait3A, %dma_wait3A_234] : memref<16x32xf32, #tpu.memory_space<vmem>> -> memref<1x32xf32, #tpu.memory_space<vmem>>
      %dma_wait3A_236 = tpu.memref_squeeze %dma_wait3A_235 : memref<1x32xf32, #tpu.memory_space<vmem>> -> memref<32xf32, #tpu.memory_space<vmem>>
      %dma_wait3A_237 = arith.constant 0 : i32
      %dma_wait3A_238 = tpu.memref_slice %arg4[%dma_wait3A_237] : memref<524288xf32, #tpu.memory_space<hbm>> -> memref<32xf32, #tpu.memory_space<hbm>>
      tpu.wait_dma2 semaphore(%dma_wait3A_233 : memref<!tpu.dma_semaphore, #tpu.memory_space<semaphore_mem>>) src(%dma_wait3A_238 : memref<32xf32, #tpu.memory_space<hbm>>) dst(%dma_wait3A_236 : memref<32xf32, #tpu.memory_space<vmem>>)
    } else {
    }
    %gt3A_161 = arith.constant 3 : i32
    %gt3A_162 = arith.cmpi sgt, %and3A_109, %gt3A_161 : i32
    %convert_element_type3A_163 = arith.extui %gt3A_162 : i1 to i32
    %cond3A_164 = arith.constant 0 : i32
    %cond3A_165 = arith.cmpi ne, %convert_element_type3A_163, %cond3A_164 : i32
    scf.if %cond3A_165 {
      %dma_wait3A = arith.constant 3 : i32
      %dma_wait3A_226 = arith.constant 3 : i32
      %dma_wait3A_227 = arith.constant 0 : i32
      %dma_wait3A_228 = tpu.memref_slice %arg8[%dma_wait3A, %dma_wait3A_227] : memref<16x32xf32, #tpu.memory_space<vmem>> -> memref<1x32xf32, #tpu.memory_space<vmem>>
      %dma_wait3A_229 = tpu.memref_squeeze %dma_wait3A_228 : memref<1x32xf32, #tpu.memory_space<vmem>> -> memref<32xf32, #tpu.memory_space<vmem>>
      %dma_wait3A_230 = arith.constant 0 : i32
      %dma_wait3A_231 = tpu.memref_slice %arg4[%dma_wait3A_230] : memref<524288xf32, #tpu.memory_space<hbm>> -> memref<32xf32, #tpu.memory_space<hbm>>
      %dma_wait3A_232 = tpu.memref_slice %arg11[%dma_wait3A_226] : memref<16x!tpu.dma_semaphore, #tpu.memory_space<semaphore_mem>> -> memref<1x!tpu.dma_semaphore, #tpu.memory_space<semaphore_mem>>
      %dma_wait3A_233 = tpu.memref_squeeze %dma_wait3A_232 : memref<1x!tpu.dma_semaphore, #tpu.memory_space<semaphore_mem>> -> memref<!tpu.dma_semaphore, #tpu.memory_space<semaphore_mem>>
      %dma_wait3A_234 = arith.constant 0 : i32
      %dma_wait3A_235 = tpu.memref_slice %arg8[%dma_wait3A, %dma_wait3A_234] : memref<16x32xf32, #tpu.memory_space<vmem>> -> memref<1x32xf32, #tpu.memory_space<vmem>>
      %dma_wait3A_236 = tpu.memref_squeeze %dma_wait3A_235 : memref<1x32xf32, #tpu.memory_space<vmem>> -> memref<32xf32, #tpu.memory_space<vmem>>
      %dma_wait3A_237 = arith.constant 0 : i32
      %dma_wait3A_238 = tpu.memref_slice %arg4[%dma_wait3A_237] : memref<524288xf32, #tpu.memory_space<hbm>> -> memref<32xf32, #tpu.memory_space<hbm>>
      tpu.wait_dma2 semaphore(%dma_wait3A_233 : memref<!tpu.dma_semaphore, #tpu.memory_space<semaphore_mem>>) src(%dma_wait3A_238 : memref<32xf32, #tpu.memory_space<hbm>>) dst(%dma_wait3A_236 : memref<32xf32, #tpu.memory_space<vmem>>)
    } else {
    }
    %gt3A_166 = arith.constant 4 : i32
    %gt3A_167 = arith.cmpi sgt, %and3A_109, %gt3A_166 : i32
    %convert_element_type3A_168 = arith.extui %gt3A_167 : i1 to i32
    %cond3A_169 = arith.constant 0 : i32
    %cond3A_170 = arith.cmpi ne, %convert_element_type3A_168, %cond3A_169 : i32
    scf.if %cond3A_170 {
      %dma_wait3A = arith.constant 4 : i32
      %dma_wait3A_226 = arith.constant 4 : i32
      %dma_wait3A_227 = arith.constant 0 : i32
      %dma_wait3A_228 = tpu.memref_slice %arg8[%dma_wait3A, %dma_wait3A_227] : memref<16x32xf32, #tpu.memory_space<vmem>> -> memref<1x32xf32, #tpu.memory_space<vmem>>
      %dma_wait3A_229 = tpu.memref_squeeze %dma_wait3A_228 : memref<1x32xf32, #tpu.memory_space<vmem>> -> memref<32xf32, #tpu.memory_space<vmem>>
      %dma_wait3A_230 = arith.constant 0 : i32
      %dma_wait3A_231 = tpu.memref_slice %arg4[%dma_wait3A_230] : memref<524288xf32, #tpu.memory_space<hbm>> -> memref<32xf32, #tpu.memory_space<hbm>>
      %dma_wait3A_232 = tpu.memref_slice %arg11[%dma_wait3A_226] : memref<16x!tpu.dma_semaphore, #tpu.memory_space<semaphore_mem>> -> memref<1x!tpu.dma_semaphore, #tpu.memory_space<semaphore_mem>>
      %dma_wait3A_233 = tpu.memref_squeeze %dma_wait3A_232 : memref<1x!tpu.dma_semaphore, #tpu.memory_space<semaphore_mem>> -> memref<!tpu.dma_semaphore, #tpu.memory_space<semaphore_mem>>
      %dma_wait3A_234 = arith.constant 0 : i32
      %dma_wait3A_235 = tpu.memref_slice %arg8[%dma_wait3A, %dma_wait3A_234] : memref<16x32xf32, #tpu.memory_space<vmem>> -> memref<1x32xf32, #tpu.memory_space<vmem>>
      %dma_wait3A_236 = tpu.memref_squeeze %dma_wait3A_235 : memref<1x32xf32, #tpu.memory_space<vmem>> -> memref<32xf32, #tpu.memory_space<vmem>>
      %dma_wait3A_237 = arith.constant 0 : i32
      %dma_wait3A_238 = tpu.memref_slice %arg4[%dma_wait3A_237] : memref<524288xf32, #tpu.memory_space<hbm>> -> memref<32xf32, #tpu.memory_space<hbm>>
      tpu.wait_dma2 semaphore(%dma_wait3A_233 : memref<!tpu.dma_semaphore, #tpu.memory_space<semaphore_mem>>) src(%dma_wait3A_238 : memref<32xf32, #tpu.memory_space<hbm>>) dst(%dma_wait3A_236 : memref<32xf32, #tpu.memory_space<vmem>>)
    } else {
    }
    %gt3A_171 = arith.constant 5 : i32
    %gt3A_172 = arith.cmpi sgt, %and3A_109, %gt3A_171 : i32
    %convert_element_type3A_173 = arith.extui %gt3A_172 : i1 to i32
    %cond3A_174 = arith.constant 0 : i32
    %cond3A_175 = arith.cmpi ne, %convert_element_type3A_173, %cond3A_174 : i32
    scf.if %cond3A_175 {
      %dma_wait3A = arith.constant 5 : i32
      %dma_wait3A_226 = arith.constant 5 : i32
      %dma_wait3A_227 = arith.constant 0 : i32
      %dma_wait3A_228 = tpu.memref_slice %arg8[%dma_wait3A, %dma_wait3A_227] : memref<16x32xf32, #tpu.memory_space<vmem>> -> memref<1x32xf32, #tpu.memory_space<vmem>>
      %dma_wait3A_229 = tpu.memref_squeeze %dma_wait3A_228 : memref<1x32xf32, #tpu.memory_space<vmem>> -> memref<32xf32, #tpu.memory_space<vmem>>
      %dma_wait3A_230 = arith.constant 0 : i32
      %dma_wait3A_231 = tpu.memref_slice %arg4[%dma_wait3A_230] : memref<524288xf32, #tpu.memory_space<hbm>> -> memref<32xf32, #tpu.memory_space<hbm>>
      %dma_wait3A_232 = tpu.memref_slice %arg11[%dma_wait3A_226] : memref<16x!tpu.dma_semaphore, #tpu.memory_space<semaphore_mem>> -> memref<1x!tpu.dma_semaphore, #tpu.memory_space<semaphore_mem>>
      %dma_wait3A_233 = tpu.memref_squeeze %dma_wait3A_232 : memref<1x!tpu.dma_semaphore, #tpu.memory_space<semaphore_mem>> -> memref<!tpu.dma_semaphore, #tpu.memory_space<semaphore_mem>>
      %dma_wait3A_234 = arith.constant 0 : i32
      %dma_wait3A_235 = tpu.memref_slice %arg8[%dma_wait3A, %dma_wait3A_234] : memref<16x32xf32, #tpu.memory_space<vmem>> -> memref<1x32xf32, #tpu.memory_space<vmem>>
      %dma_wait3A_236 = tpu.memref_squeeze %dma_wait3A_235 : memref<1x32xf32, #tpu.memory_space<vmem>> -> memref<32xf32, #tpu.memory_space<vmem>>
      %dma_wait3A_237 = arith.constant 0 : i32
      %dma_wait3A_238 = tpu.memref_slice %arg4[%dma_wait3A_237] : memref<524288xf32, #tpu.memory_space<hbm>> -> memref<32xf32, #tpu.memory_space<hbm>>
      tpu.wait_dma2 semaphore(%dma_wait3A_233 : memref<!tpu.dma_semaphore, #tpu.memory_space<semaphore_mem>>) src(%dma_wait3A_238 : memref<32xf32, #tpu.memory_space<hbm>>) dst(%dma_wait3A_236 : memref<32xf32, #tpu.memory_space<vmem>>)
    } else {
    }
    %gt3A_176 = arith.constant 6 : i32
    %gt3A_177 = arith.cmpi sgt, %and3A_109, %gt3A_176 : i32
    %convert_element_type3A_178 = arith.extui %gt3A_177 : i1 to i32
    %cond3A_179 = arith.constant 0 : i32
    %cond3A_180 = arith.cmpi ne, %convert_element_type3A_178, %cond3A_179 : i32
    scf.if %cond3A_180 {
      %dma_wait3A = arith.constant 6 : i32
      %dma_wait3A_226 = arith.constant 6 : i32
      %dma_wait3A_227 = arith.constant 0 : i32
      %dma_wait3A_228 = tpu.memref_slice %arg8[%dma_wait3A, %dma_wait3A_227] : memref<16x32xf32, #tpu.memory_space<vmem>> -> memref<1x32xf32, #tpu.memory_space<vmem>>
      %dma_wait3A_229 = tpu.memref_squeeze %dma_wait3A_228 : memref<1x32xf32, #tpu.memory_space<vmem>> -> memref<32xf32, #tpu.memory_space<vmem>>
      %dma_wait3A_230 = arith.constant 0 : i32
      %dma_wait3A_231 = tpu.memref_slice %arg4[%dma_wait3A_230] : memref<524288xf32, #tpu.memory_space<hbm>> -> memref<32xf32, #tpu.memory_space<hbm>>
      %dma_wait3A_232 = tpu.memref_slice %arg11[%dma_wait3A_226] : memref<16x!tpu.dma_semaphore, #tpu.memory_space<semaphore_mem>> -> memref<1x!tpu.dma_semaphore, #tpu.memory_space<semaphore_mem>>
      %dma_wait3A_233 = tpu.memref_squeeze %dma_wait3A_232 : memref<1x!tpu.dma_semaphore, #tpu.memory_space<semaphore_mem>> -> memref<!tpu.dma_semaphore, #tpu.memory_space<semaphore_mem>>
      %dma_wait3A_234 = arith.constant 0 : i32
      %dma_wait3A_235 = tpu.memref_slice %arg8[%dma_wait3A, %dma_wait3A_234] : memref<16x32xf32, #tpu.memory_space<vmem>> -> memref<1x32xf32, #tpu.memory_space<vmem>>
      %dma_wait3A_236 = tpu.memref_squeeze %dma_wait3A_235 : memref<1x32xf32, #tpu.memory_space<vmem>> -> memref<32xf32, #tpu.memory_space<vmem>>
      %dma_wait3A_237 = arith.constant 0 : i32
      %dma_wait3A_238 = tpu.memref_slice %arg4[%dma_wait3A_237] : memref<524288xf32, #tpu.memory_space<hbm>> -> memref<32xf32, #tpu.memory_space<hbm>>
      tpu.wait_dma2 semaphore(%dma_wait3A_233 : memref<!tpu.dma_semaphore, #tpu.memory_space<semaphore_mem>>) src(%dma_wait3A_238 : memref<32xf32, #tpu.memory_space<hbm>>) dst(%dma_wait3A_236 : memref<32xf32, #tpu.memory_space<vmem>>)
    } else {
    }
    %gt3A_181 = arith.constant 7 : i32
    %gt3A_182 = arith.cmpi sgt, %and3A_109, %gt3A_181 : i32
    %convert_element_type3A_183 = arith.extui %gt3A_182 : i1 to i32
    %cond3A_184 = arith.constant 0 : i32
    %cond3A_185 = arith.cmpi ne, %convert_element_type3A_183, %cond3A_184 : i32
    scf.if %cond3A_185 {
      %dma_wait3A = arith.constant 7 : i32
      %dma_wait3A_226 = arith.constant 7 : i32
      %dma_wait3A_227 = arith.constant 0 : i32
      %dma_wait3A_228 = tpu.memref_slice %arg8[%dma_wait3A, %dma_wait3A_227] : memref<16x32xf32, #tpu.memory_space<vmem>> -> memref<1x32xf32, #tpu.memory_space<vmem>>
      %dma_wait3A_229 = tpu.memref_squeeze %dma_wait3A_228 : memref<1x32xf32, #tpu.memory_space<vmem>> -> memref<32xf32, #tpu.memory_space<vmem>>
      %dma_wait3A_230 = arith.constant 0 : i32
      %dma_wait3A_231 = tpu.memref_slice %arg4[%dma_wait3A_230] : memref<524288xf32, #tpu.memory_space<hbm>> -> memref<32xf32, #tpu.memory_space<hbm>>
      %dma_wait3A_232 = tpu.memref_slice %arg11[%dma_wait3A_226] : memref<16x!tpu.dma_semaphore, #tpu.memory_space<semaphore_mem>> -> memref<1x!tpu.dma_semaphore, #tpu.memory_space<semaphore_mem>>
      %dma_wait3A_233 = tpu.memref_squeeze %dma_wait3A_232 : memref<1x!tpu.dma_semaphore, #tpu.memory_space<semaphore_mem>> -> memref<!tpu.dma_semaphore, #tpu.memory_space<semaphore_mem>>
      %dma_wait3A_234 = arith.constant 0 : i32
      %dma_wait3A_235 = tpu.memref_slice %arg8[%dma_wait3A, %dma_wait3A_234] : memref<16x32xf32, #tpu.memory_space<vmem>> -> memref<1x32xf32, #tpu.memory_space<vmem>>
      %dma_wait3A_236 = tpu.memref_squeeze %dma_wait3A_235 : memref<1x32xf32, #tpu.memory_space<vmem>> -> memref<32xf32, #tpu.memory_space<vmem>>
      %dma_wait3A_237 = arith.constant 0 : i32
      %dma_wait3A_238 = tpu.memref_slice %arg4[%dma_wait3A_237] : memref<524288xf32, #tpu.memory_space<hbm>> -> memref<32xf32, #tpu.memory_space<hbm>>
      tpu.wait_dma2 semaphore(%dma_wait3A_233 : memref<!tpu.dma_semaphore, #tpu.memory_space<semaphore_mem>>) src(%dma_wait3A_238 : memref<32xf32, #tpu.memory_space<hbm>>) dst(%dma_wait3A_236 : memref<32xf32, #tpu.memory_space<vmem>>)
    } else {
    }
    %gt3A_186 = arith.constant 8 : i32
    %gt3A_187 = arith.cmpi sgt, %and3A_109, %gt3A_186 : i32
    %convert_element_type3A_188 = arith.extui %gt3A_187 : i1 to i32
    %cond3A_189 = arith.constant 0 : i32
    %cond3A_190 = arith.cmpi ne, %convert_element_type3A_188, %cond3A_189 : i32
    scf.if %cond3A_190 {
      %dma_wait3A = arith.constant 8 : i32
      %dma_wait3A_226 = arith.constant 8 : i32
      %dma_wait3A_227 = arith.constant 0 : i32
      %dma_wait3A_228 = tpu.memref_slice %arg8[%dma_wait3A, %dma_wait3A_227] : memref<16x32xf32, #tpu.memory_space<vmem>> -> memref<1x32xf32, #tpu.memory_space<vmem>>
      %dma_wait3A_229 = tpu.memref_squeeze %dma_wait3A_228 : memref<1x32xf32, #tpu.memory_space<vmem>> -> memref<32xf32, #tpu.memory_space<vmem>>
      %dma_wait3A_230 = arith.constant 0 : i32
      %dma_wait3A_231 = tpu.memref_slice %arg4[%dma_wait3A_230] : memref<524288xf32, #tpu.memory_space<hbm>> -> memref<32xf32, #tpu.memory_space<hbm>>
      %dma_wait3A_232 = tpu.memref_slice %arg11[%dma_wait3A_226] : memref<16x!tpu.dma_semaphore, #tpu.memory_space<semaphore_mem>> -> memref<1x!tpu.dma_semaphore, #tpu.memory_space<semaphore_mem>>
      %dma_wait3A_233 = tpu.memref_squeeze %dma_wait3A_232 : memref<1x!tpu.dma_semaphore, #tpu.memory_space<semaphore_mem>> -> memref<!tpu.dma_semaphore, #tpu.memory_space<semaphore_mem>>
      %dma_wait3A_234 = arith.constant 0 : i32
      %dma_wait3A_235 = tpu.memref_slice %arg8[%dma_wait3A, %dma_wait3A_234] : memref<16x32xf32, #tpu.memory_space<vmem>> -> memref<1x32xf32, #tpu.memory_space<vmem>>
      %dma_wait3A_236 = tpu.memref_squeeze %dma_wait3A_235 : memref<1x32xf32, #tpu.memory_space<vmem>> -> memref<32xf32, #tpu.memory_space<vmem>>
      %dma_wait3A_237 = arith.constant 0 : i32
      %dma_wait3A_238 = tpu.memref_slice %arg4[%dma_wait3A_237] : memref<524288xf32, #tpu.memory_space<hbm>> -> memref<32xf32, #tpu.memory_space<hbm>>
      tpu.wait_dma2 semaphore(%dma_wait3A_233 : memref<!tpu.dma_semaphore, #tpu.memory_space<semaphore_mem>>) src(%dma_wait3A_238 : memref<32xf32, #tpu.memory_space<hbm>>) dst(%dma_wait3A_236 : memref<32xf32, #tpu.memory_space<vmem>>)
    } else {
    }
    %gt3A_191 = arith.constant 9 : i32
    %gt3A_192 = arith.cmpi sgt, %and3A_109, %gt3A_191 : i32
    %convert_element_type3A_193 = arith.extui %gt3A_192 : i1 to i32
    %cond3A_194 = arith.constant 0 : i32
    %cond3A_195 = arith.cmpi ne, %convert_element_type3A_193, %cond3A_194 : i32
    scf.if %cond3A_195 {
      %dma_wait3A = arith.constant 9 : i32
      %dma_wait3A_226 = arith.constant 9 : i32
      %dma_wait3A_227 = arith.constant 0 : i32
      %dma_wait3A_228 = tpu.memref_slice %arg8[%dma_wait3A, %dma_wait3A_227] : memref<16x32xf32, #tpu.memory_space<vmem>> -> memref<1x32xf32, #tpu.memory_space<vmem>>
      %dma_wait3A_229 = tpu.memref_squeeze %dma_wait3A_228 : memref<1x32xf32, #tpu.memory_space<vmem>> -> memref<32xf32, #tpu.memory_space<vmem>>
      %dma_wait3A_230 = arith.constant 0 : i32
      %dma_wait3A_231 = tpu.memref_slice %arg4[%dma_wait3A_230] : memref<524288xf32, #tpu.memory_space<hbm>> -> memref<32xf32, #tpu.memory_space<hbm>>
      %dma_wait3A_232 = tpu.memref_slice %arg11[%dma_wait3A_226] : memref<16x!tpu.dma_semaphore, #tpu.memory_space<semaphore_mem>> -> memref<1x!tpu.dma_semaphore, #tpu.memory_space<semaphore_mem>>
      %dma_wait3A_233 = tpu.memref_squeeze %dma_wait3A_232 : memref<1x!tpu.dma_semaphore, #tpu.memory_space<semaphore_mem>> -> memref<!tpu.dma_semaphore, #tpu.memory_space<semaphore_mem>>
      %dma_wait3A_234 = arith.constant 0 : i32
      %dma_wait3A_235 = tpu.memref_slice %arg8[%dma_wait3A, %dma_wait3A_234] : memref<16x32xf32, #tpu.memory_space<vmem>> -> memref<1x32xf32, #tpu.memory_space<vmem>>
      %dma_wait3A_236 = tpu.memref_squeeze %dma_wait3A_235 : memref<1x32xf32, #tpu.memory_space<vmem>> -> memref<32xf32, #tpu.memory_space<vmem>>
      %dma_wait3A_237 = arith.constant 0 : i32
      %dma_wait3A_238 = tpu.memref_slice %arg4[%dma_wait3A_237] : memref<524288xf32, #tpu.memory_space<hbm>> -> memref<32xf32, #tpu.memory_space<hbm>>
      tpu.wait_dma2 semaphore(%dma_wait3A_233 : memref<!tpu.dma_semaphore, #tpu.memory_space<semaphore_mem>>) src(%dma_wait3A_238 : memref<32xf32, #tpu.memory_space<hbm>>) dst(%dma_wait3A_236 : memref<32xf32, #tpu.memory_space<vmem>>)
    } else {
    }
    %gt3A_196 = arith.constant 10 : i32
    %gt3A_197 = arith.cmpi sgt, %and3A_109, %gt3A_196 : i32
    %convert_element_type3A_198 = arith.extui %gt3A_197 : i1 to i32
    %cond3A_199 = arith.constant 0 : i32
    %cond3A_200 = arith.cmpi ne, %convert_element_type3A_198, %cond3A_199 : i32
    scf.if %cond3A_200 {
      %dma_wait3A = arith.constant 10 : i32
      %dma_wait3A_226 = arith.constant 10 : i32
      %dma_wait3A_227 = arith.constant 0 : i32
      %dma_wait3A_228 = tpu.memref_slice %arg8[%dma_wait3A, %dma_wait3A_227] : memref<16x32xf32, #tpu.memory_space<vmem>> -> memref<1x32xf32, #tpu.memory_space<vmem>>
      %dma_wait3A_229 = tpu.memref_squeeze %dma_wait3A_228 : memref<1x32xf32, #tpu.memory_space<vmem>> -> memref<32xf32, #tpu.memory_space<vmem>>
      %dma_wait3A_230 = arith.constant 0 : i32
      %dma_wait3A_231 = tpu.memref_slice %arg4[%dma_wait3A_230] : memref<524288xf32, #tpu.memory_space<hbm>> -> memref<32xf32, #tpu.memory_space<hbm>>
      %dma_wait3A_232 = tpu.memref_slice %arg11[%dma_wait3A_226] : memref<16x!tpu.dma_semaphore, #tpu.memory_space<semaphore_mem>> -> memref<1x!tpu.dma_semaphore, #tpu.memory_space<semaphore_mem>>
      %dma_wait3A_233 = tpu.memref_squeeze %dma_wait3A_232 : memref<1x!tpu.dma_semaphore, #tpu.memory_space<semaphore_mem>> -> memref<!tpu.dma_semaphore, #tpu.memory_space<semaphore_mem>>
      %dma_wait3A_234 = arith.constant 0 : i32
      %dma_wait3A_235 = tpu.memref_slice %arg8[%dma_wait3A, %dma_wait3A_234] : memref<16x32xf32, #tpu.memory_space<vmem>> -> memref<1x32xf32, #tpu.memory_space<vmem>>
      %dma_wait3A_236 = tpu.memref_squeeze %dma_wait3A_235 : memref<1x32xf32, #tpu.memory_space<vmem>> -> memref<32xf32, #tpu.memory_space<vmem>>
      %dma_wait3A_237 = arith.constant 0 : i32
      %dma_wait3A_238 = tpu.memref_slice %arg4[%dma_wait3A_237] : memref<524288xf32, #tpu.memory_space<hbm>> -> memref<32xf32, #tpu.memory_space<hbm>>
      tpu.wait_dma2 semaphore(%dma_wait3A_233 : memref<!tpu.dma_semaphore, #tpu.memory_space<semaphore_mem>>) src(%dma_wait3A_238 : memref<32xf32, #tpu.memory_space<hbm>>) dst(%dma_wait3A_236 : memref<32xf32, #tpu.memory_space<vmem>>)
    } else {
    }
    %gt3A_201 = arith.constant 11 : i32
    %gt3A_202 = arith.cmpi sgt, %and3A_109, %gt3A_201 : i32
    %convert_element_type3A_203 = arith.extui %gt3A_202 : i1 to i32
    %cond3A_204 = arith.constant 0 : i32
    %cond3A_205 = arith.cmpi ne, %convert_element_type3A_203, %cond3A_204 : i32
    scf.if %cond3A_205 {
      %dma_wait3A = arith.constant 11 : i32
      %dma_wait3A_226 = arith.constant 11 : i32
      %dma_wait3A_227 = arith.constant 0 : i32
      %dma_wait3A_228 = tpu.memref_slice %arg8[%dma_wait3A, %dma_wait3A_227] : memref<16x32xf32, #tpu.memory_space<vmem>> -> memref<1x32xf32, #tpu.memory_space<vmem>>
      %dma_wait3A_229 = tpu.memref_squeeze %dma_wait3A_228 : memref<1x32xf32, #tpu.memory_space<vmem>> -> memref<32xf32, #tpu.memory_space<vmem>>
      %dma_wait3A_230 = arith.constant 0 : i32
      %dma_wait3A_231 = tpu.memref_slice %arg4[%dma_wait3A_230] : memref<524288xf32, #tpu.memory_space<hbm>> -> memref<32xf32, #tpu.memory_space<hbm>>
      %dma_wait3A_232 = tpu.memref_slice %arg11[%dma_wait3A_226] : memref<16x!tpu.dma_semaphore, #tpu.memory_space<semaphore_mem>> -> memref<1x!tpu.dma_semaphore, #tpu.memory_space<semaphore_mem>>
      %dma_wait3A_233 = tpu.memref_squeeze %dma_wait3A_232 : memref<1x!tpu.dma_semaphore, #tpu.memory_space<semaphore_mem>> -> memref<!tpu.dma_semaphore, #tpu.memory_space<semaphore_mem>>
      %dma_wait3A_234 = arith.constant 0 : i32
      %dma_wait3A_235 = tpu.memref_slice %arg8[%dma_wait3A, %dma_wait3A_234] : memref<16x32xf32, #tpu.memory_space<vmem>> -> memref<1x32xf32, #tpu.memory_space<vmem>>
      %dma_wait3A_236 = tpu.memref_squeeze %dma_wait3A_235 : memref<1x32xf32, #tpu.memory_space<vmem>> -> memref<32xf32, #tpu.memory_space<vmem>>
      %dma_wait3A_237 = arith.constant 0 : i32
      %dma_wait3A_238 = tpu.memref_slice %arg4[%dma_wait3A_237] : memref<524288xf32, #tpu.memory_space<hbm>> -> memref<32xf32, #tpu.memory_space<hbm>>
      tpu.wait_dma2 semaphore(%dma_wait3A_233 : memref<!tpu.dma_semaphore, #tpu.memory_space<semaphore_mem>>) src(%dma_wait3A_238 : memref<32xf32, #tpu.memory_space<hbm>>) dst(%dma_wait3A_236 : memref<32xf32, #tpu.memory_space<vmem>>)
    } else {
    }
    %gt3A_206 = arith.constant 12 : i32
    %gt3A_207 = arith.cmpi sgt, %and3A_109, %gt3A_206 : i32
    %convert_element_type3A_208 = arith.extui %gt3A_207 : i1 to i32
    %cond3A_209 = arith.constant 0 : i32
    %cond3A_210 = arith.cmpi ne, %convert_element_type3A_208, %cond3A_209 : i32
    scf.if %cond3A_210 {
      %dma_wait3A = arith.constant 12 : i32
      %dma_wait3A_226 = arith.constant 12 : i32
      %dma_wait3A_227 = arith.constant 0 : i32
      %dma_wait3A_228 = tpu.memref_slice %arg8[%dma_wait3A, %dma_wait3A_227] : memref<16x32xf32, #tpu.memory_space<vmem>> -> memref<1x32xf32, #tpu.memory_space<vmem>>
      %dma_wait3A_229 = tpu.memref_squeeze %dma_wait3A_228 : memref<1x32xf32, #tpu.memory_space<vmem>> -> memref<32xf32, #tpu.memory_space<vmem>>
      %dma_wait3A_230 = arith.constant 0 : i32
      %dma_wait3A_231 = tpu.memref_slice %arg4[%dma_wait3A_230] : memref<524288xf32, #tpu.memory_space<hbm>> -> memref<32xf32, #tpu.memory_space<hbm>>
      %dma_wait3A_232 = tpu.memref_slice %arg11[%dma_wait3A_226] : memref<16x!tpu.dma_semaphore, #tpu.memory_space<semaphore_mem>> -> memref<1x!tpu.dma_semaphore, #tpu.memory_space<semaphore_mem>>
      %dma_wait3A_233 = tpu.memref_squeeze %dma_wait3A_232 : memref<1x!tpu.dma_semaphore, #tpu.memory_space<semaphore_mem>> -> memref<!tpu.dma_semaphore, #tpu.memory_space<semaphore_mem>>
      %dma_wait3A_234 = arith.constant 0 : i32
      %dma_wait3A_235 = tpu.memref_slice %arg8[%dma_wait3A, %dma_wait3A_234] : memref<16x32xf32, #tpu.memory_space<vmem>> -> memref<1x32xf32, #tpu.memory_space<vmem>>
      %dma_wait3A_236 = tpu.memref_squeeze %dma_wait3A_235 : memref<1x32xf32, #tpu.memory_space<vmem>> -> memref<32xf32, #tpu.memory_space<vmem>>
      %dma_wait3A_237 = arith.constant 0 : i32
      %dma_wait3A_238 = tpu.memref_slice %arg4[%dma_wait3A_237] : memref<524288xf32, #tpu.memory_space<hbm>> -> memref<32xf32, #tpu.memory_space<hbm>>
      tpu.wait_dma2 semaphore(%dma_wait3A_233 : memref<!tpu.dma_semaphore, #tpu.memory_space<semaphore_mem>>) src(%dma_wait3A_238 : memref<32xf32, #tpu.memory_space<hbm>>) dst(%dma_wait3A_236 : memref<32xf32, #tpu.memory_space<vmem>>)
    } else {
    }
    %gt3A_211 = arith.constant 13 : i32
    %gt3A_212 = arith.cmpi sgt, %and3A_109, %gt3A_211 : i32
    %convert_element_type3A_213 = arith.extui %gt3A_212 : i1 to i32
    %cond3A_214 = arith.constant 0 : i32
    %cond3A_215 = arith.cmpi ne, %convert_element_type3A_213, %cond3A_214 : i32
    scf.if %cond3A_215 {
      %dma_wait3A = arith.constant 13 : i32
      %dma_wait3A_226 = arith.constant 13 : i32
      %dma_wait3A_227 = arith.constant 0 : i32
      %dma_wait3A_228 = tpu.memref_slice %arg8[%dma_wait3A, %dma_wait3A_227] : memref<16x32xf32, #tpu.memory_space<vmem>> -> memref<1x32xf32, #tpu.memory_space<vmem>>
      %dma_wait3A_229 = tpu.memref_squeeze %dma_wait3A_228 : memref<1x32xf32, #tpu.memory_space<vmem>> -> memref<32xf32, #tpu.memory_space<vmem>>
      %dma_wait3A_230 = arith.constant 0 : i32
      %dma_wait3A_231 = tpu.memref_slice %arg4[%dma_wait3A_230] : memref<524288xf32, #tpu.memory_space<hbm>> -> memref<32xf32, #tpu.memory_space<hbm>>
      %dma_wait3A_232 = tpu.memref_slice %arg11[%dma_wait3A_226] : memref<16x!tpu.dma_semaphore, #tpu.memory_space<semaphore_mem>> -> memref<1x!tpu.dma_semaphore, #tpu.memory_space<semaphore_mem>>
      %dma_wait3A_233 = tpu.memref_squeeze %dma_wait3A_232 : memref<1x!tpu.dma_semaphore, #tpu.memory_space<semaphore_mem>> -> memref<!tpu.dma_semaphore, #tpu.memory_space<semaphore_mem>>
      %dma_wait3A_234 = arith.constant 0 : i32
      %dma_wait3A_235 = tpu.memref_slice %arg8[%dma_wait3A, %dma_wait3A_234] : memref<16x32xf32, #tpu.memory_space<vmem>> -> memref<1x32xf32, #tpu.memory_space<vmem>>
      %dma_wait3A_236 = tpu.memref_squeeze %dma_wait3A_235 : memref<1x32xf32, #tpu.memory_space<vmem>> -> memref<32xf32, #tpu.memory_space<vmem>>
      %dma_wait3A_237 = arith.constant 0 : i32
      %dma_wait3A_238 = tpu.memref_slice %arg4[%dma_wait3A_237] : memref<524288xf32, #tpu.memory_space<hbm>> -> memref<32xf32, #tpu.memory_space<hbm>>
      tpu.wait_dma2 semaphore(%dma_wait3A_233 : memref<!tpu.dma_semaphore, #tpu.memory_space<semaphore_mem>>) src(%dma_wait3A_238 : memref<32xf32, #tpu.memory_space<hbm>>) dst(%dma_wait3A_236 : memref<32xf32, #tpu.memory_space<vmem>>)
    } else {
    }
    %gt3A_216 = arith.constant 14 : i32
    %gt3A_217 = arith.cmpi sgt, %and3A_109, %gt3A_216 : i32
    %convert_element_type3A_218 = arith.extui %gt3A_217 : i1 to i32
    %cond3A_219 = arith.constant 0 : i32
    %cond3A_220 = arith.cmpi ne, %convert_element_type3A_218, %cond3A_219 : i32
    scf.if %cond3A_220 {
      %dma_wait3A = arith.constant 14 : i32
      %dma_wait3A_226 = arith.constant 14 : i32
      %dma_wait3A_227 = arith.constant 0 : i32
      %dma_wait3A_228 = tpu.memref_slice %arg8[%dma_wait3A, %dma_wait3A_227] : memref<16x32xf32, #tpu.memory_space<vmem>> -> memref<1x32xf32, #tpu.memory_space<vmem>>
      %dma_wait3A_229 = tpu.memref_squeeze %dma_wait3A_228 : memref<1x32xf32, #tpu.memory_space<vmem>> -> memref<32xf32, #tpu.memory_space<vmem>>
      %dma_wait3A_230 = arith.constant 0 : i32
      %dma_wait3A_231 = tpu.memref_slice %arg4[%dma_wait3A_230] : memref<524288xf32, #tpu.memory_space<hbm>> -> memref<32xf32, #tpu.memory_space<hbm>>
      %dma_wait3A_232 = tpu.memref_slice %arg11[%dma_wait3A_226] : memref<16x!tpu.dma_semaphore, #tpu.memory_space<semaphore_mem>> -> memref<1x!tpu.dma_semaphore, #tpu.memory_space<semaphore_mem>>
      %dma_wait3A_233 = tpu.memref_squeeze %dma_wait3A_232 : memref<1x!tpu.dma_semaphore, #tpu.memory_space<semaphore_mem>> -> memref<!tpu.dma_semaphore, #tpu.memory_space<semaphore_mem>>
      %dma_wait3A_234 = arith.constant 0 : i32
      %dma_wait3A_235 = tpu.memref_slice %arg8[%dma_wait3A, %dma_wait3A_234] : memref<16x32xf32, #tpu.memory_space<vmem>> -> memref<1x32xf32, #tpu.memory_space<vmem>>
      %dma_wait3A_236 = tpu.memref_squeeze %dma_wait3A_235 : memref<1x32xf32, #tpu.memory_space<vmem>> -> memref<32xf32, #tpu.memory_space<vmem>>
      %dma_wait3A_237 = arith.constant 0 : i32
      %dma_wait3A_238 = tpu.memref_slice %arg4[%dma_wait3A_237] : memref<524288xf32, #tpu.memory_space<hbm>> -> memref<32xf32, #tpu.memory_space<hbm>>
      tpu.wait_dma2 semaphore(%dma_wait3A_233 : memref<!tpu.dma_semaphore, #tpu.memory_space<semaphore_mem>>) src(%dma_wait3A_238 : memref<32xf32, #tpu.memory_space<hbm>>) dst(%dma_wait3A_236 : memref<32xf32, #tpu.memory_space<vmem>>)
    } else {
    }
    %gt3A_221 = arith.constant 15 : i32
    %gt3A_222 = arith.cmpi sgt, %and3A_109, %gt3A_221 : i32
    %convert_element_type3A_223 = arith.extui %gt3A_222 : i1 to i32
    %cond3A_224 = arith.constant 0 : i32
    %cond3A_225 = arith.cmpi ne, %convert_element_type3A_223, %cond3A_224 : i32
    scf.if %cond3A_225 {
      %dma_wait3A = arith.constant 15 : i32
      %dma_wait3A_226 = arith.constant 15 : i32
      %dma_wait3A_227 = arith.constant 0 : i32
      %dma_wait3A_228 = tpu.memref_slice %arg8[%dma_wait3A, %dma_wait3A_227] : memref<16x32xf32, #tpu.memory_space<vmem>> -> memref<1x32xf32, #tpu.memory_space<vmem>>
      %dma_wait3A_229 = tpu.memref_squeeze %dma_wait3A_228 : memref<1x32xf32, #tpu.memory_space<vmem>> -> memref<32xf32, #tpu.memory_space<vmem>>
      %dma_wait3A_230 = arith.constant 0 : i32
      %dma_wait3A_231 = tpu.memref_slice %arg4[%dma_wait3A_230] : memref<524288xf32, #tpu.memory_space<hbm>> -> memref<32xf32, #tpu.memory_space<hbm>>
      %dma_wait3A_232 = tpu.memref_slice %arg11[%dma_wait3A_226] : memref<16x!tpu.dma_semaphore, #tpu.memory_space<semaphore_mem>> -> memref<1x!tpu.dma_semaphore, #tpu.memory_space<semaphore_mem>>
      %dma_wait3A_233 = tpu.memref_squeeze %dma_wait3A_232 : memref<1x!tpu.dma_semaphore, #tpu.memory_space<semaphore_mem>> -> memref<!tpu.dma_semaphore, #tpu.memory_space<semaphore_mem>>
      %dma_wait3A_234 = arith.constant 0 : i32
      %dma_wait3A_235 = tpu.memref_slice %arg8[%dma_wait3A, %dma_wait3A_234] : memref<16x32xf32, #tpu.memory_space<vmem>> -> memref<1x32xf32, #tpu.memory_space<vmem>>
      %dma_wait3A_236 = tpu.memref_squeeze %dma_wait3A_235 : memref<1x32xf32, #tpu.memory_space<vmem>> -> memref<32xf32, #tpu.memory_space<vmem>>
      %dma_wait3A_237 = arith.constant 0 : i32
      %dma_wait3A_238 = tpu.memref_slice %arg4[%dma_wait3A_237] : memref<524288xf32, #tpu.memory_space<hbm>> -> memref<32xf32, #tpu.memory_space<hbm>>
      tpu.wait_dma2 semaphore(%dma_wait3A_233 : memref<!tpu.dma_semaphore, #tpu.memory_space<semaphore_mem>>) src(%dma_wait3A_238 : memref<32xf32, #tpu.memory_space<hbm>>) dst(%dma_wait3A_236 : memref<32xf32, #tpu.memory_space<vmem>>)
    } else {
    }
    return
  }
}

</mosaic_0001>

<sc_bundles>
// kernel: kernel.3.cloned.1.call-start
scs
__scs_entry_jumppad:
0x0: {  	(pc) =	sbr.rel $0x88, $3  }
0x1: {  	(tag) =	ssettag $0x0;
	lr =	simm.s32 $0x1  }
0x2: {  	[smem:$0x3F9F] =	sst lr;
	_ =	strace $0xD0000000  }
0x3: {  	_ = 	snop  }
0x4: {  	_ = 	snop  }
0x5: {  	_ = 	snop  }
0x6: {  	_ = 	snop  }
0x7: {  	_ = 	snop  }
__scs_overlays_trampoline_lowered:
0x8: {  	[smem:$0x3FAE] =	sst s0  }
0x9: {  	[smem:$0x3FAF] =	sst s1  }
0xa: {  	[smem:$0x3FB0] =	sst s2  }
0xb: {  	[smem:$0x3FB1] =	sst s3  }
0xc: {  	[smem:$0x3FB2] =	sst s4  }
0xd: {  	[smem:$0x3FB3] =	sst s5  }
0xe: {  	[smem:$0x3FB4] =	sst s6  }
0xf: {  	[smem:$0x3FB5] =	sst s7  }
0x10: {  	[smem:$0x3FB6] =	sst s8  }
0x11: {  	[smem:$0x3FB7] =	sst s9;
	s0 =	simm.s32 @!p0 $0x0  }
0x12: {  	s1 =	sld [smem:$0x3F9D];
	s0 =	simm.s32 @p0 $0x1  }
0x13: {  	[smem:$0x3FB8] =	sst s0;
	s0 =	simm.s32 @!p1 $0x0  }
0x14: {  	s2 =	sld [smem:$0x3F9C];
	s0 =	simm.s32 @p1 $0x1  }
0x15: {  	[smem:$0x3FB9] =	sst s0;
	s0 =	simm.s32 @!p2 $0x0  }
0x16: {  	s3 =	sld [smem:$0x3FDB];
	s0 =	simm.s32 @p2 $0x1  }
0x17: {  	s4 =	simm.s32 $0x1BF5;
	[smem:$0x3FBB] =	sst s0  }
0x18: {  	s0 =	sld [smem:$0x3F9E];
	_ =	swait.ge [sflag:s4], $0x0  }
0x19: {  	s7 =	sld [smem:$0x3F9F]  }
0x1a: {  	s8 =	sadd.s32 $0xFFFFE003, lr  }
0x1b: {  	s9 =	sadd.s32 $0xFFFFFEF7, lr;
	s5 =	simm.s32 $0xFFFFFFFF;
	p2 =	slt.u32 s8, $0xFFFFF086  }
0x1c: {  	p1 =	slt.u32 s9, $0xF7A;
	s5 =	simm.s32 @!p2 $0x0  }
0x1d: {  	s5 =	simm.s32 @p1 $0x1;
	p0 =	seq.s32 s7, s2  }
0x1e: {  	s7 =	smul.u32 @!p0 $0xF7A, s2;
	p2 =	seq.s32 @!p0 s5, $0x0  }
0x1f: {  	s9 =	smul.u32 $0xF7A, s1;
	s8 =	simm.s32 @!p0 $0x1BF5;
	p2 =	por !p2, p0  }
0x20: {  	[sflag:s8] =	ssyncset.s32 @!p0 $0xFFFFF086;
	s6 =	sadd.s32 @!p0 s3, s7;
	s7 =	simm.s32 @!p0 $0x108  }
0x21: {  	s3 =	sadd.s32 s3, s9;
	s6 =	sadd.s32 @!p0 $0x88, s6;
	s7 =	simm.s32 @p2 $0x1082  }
0x22: {  	[simem:s7], [sflag:s8] =	dma.local @!p0 [hbm:s6], $0xF7A  }
0x23: {  	s9 =	sor.u32 $0xD0000000, s2;
	s6 =	simm.s32 $0x108;
	_ =	swait.ge @!p0 [sflag:s8], $0x0  }
0x24: {  	s3 =	sadd.s32 $0x88, s3;
	s6 =	simm.s32 @!p1 $0x1082;
	[sflag:s4] =	ssyncset.s32 $0xFFFFF086  }
0x25: {  	[simem:s6], [sflag:s4] =	dma.local [hbm:s3], $0xF7A  }
0x26: {  	[smem:$0x3F9F] =	sst s1;
	(tag) =	ssettag s2;
	_ =	strace s9  }
0x27: {  	s1 =	sld [smem:$0x3FAF]  }
0x28: {  	s2 =	sld [smem:$0x3FB0]  }
0x29: {  	s4 =	sld [smem:$0x3FB2]  }
0x2a: {  	p0 =	seq.s32 s5, $0x0;
	s5 =	sld [smem:$0x3FB3]  }
0x2b: {  	s6 =	sld [smem:$0x3FB4]  }
0x2c: {  	s7 =	sld [smem:$0x3FB5]  }
0x2d: {  	s3 =	simm.s32 $0x108;
	s8 =	sld [smem:$0x3FB6]  }
0x2e: {  	s3 =	simm.s32 @!p0 $0x1082;
	s9 =	sld [smem:$0x3FB7]  }
0x2f: {  	lr =	sadd.s32 s0, s3;
	s0 =	sld [smem:$0x3FAE]  }
0x30: {  	s3 =	sld [smem:$0x3FB1]  }
0x31: {  	[smem:$0x3FBA] =	sst s10  }
0x32: {  	s10 =	sld [smem:$0x3FB8];
	_ =	sdelay $0x3  }
0x33: {  	p0 =	seq.s32 s10, $0x1;
	s10 =	sld [smem:$0x3FBA];
	_ =	sdelay $0x3  }
0x34: {  	[smem:$0x3FBA] =	sst s10  }
0x35: {  	s10 =	sld [smem:$0x3FB9];
	_ =	sdelay $0x3  }
0x36: {  	p1 =	seq.s32 s10, $0x1;
	s10 =	sld [smem:$0x3FBA];
	_ =	sdelay $0x3  }
0x37: {  	[smem:$0x3FBA] =	sst s10  }
0x38: {  	s10 =	sld [smem:$0x3FBB]  }
0x39: {  	_ = 	snop;
	(pc) =	sbr.ind lr, $3  }
0x3a: {  	_ = 	snop  }
0x3b: {  	_ = 	snop  }
0x3c: {  	p2 =	seq.s32 s10, $0x1;
	s10 =	sld [smem:$0x3FBA]  }
0x3d: {  	_ =	shalt  }
0x3e: {  	_ =	shalt  }
0x3f: {  	_ =	shalt  }
0x40: {  	_ =	shalt  }
0x41: {  	_ =	shalt  }
0x42: {  	_ =	shalt  }
0x43: {  	_ =	shalt  }
0x44: {  	_ =	shalt  }
0x45: {  	_ =	shalt  }
0x46: {  	_ =	shalt  }
0x47: {  	_ =	shalt  }
0x48: {  	_ =	shalt  }
0x49: {  	_ =	shalt  }
0x4a: {  	_ =	shalt  }
0x4b: {  	_ =	shalt  }
0x4c: {  	_ =	shalt  }
0x4d: {  	_ =	shalt  }
0x4e: {  	_ =	shalt  }
0x4f: {  	_ =	shalt  }
0x50: {  	_ =	shalt  }
0x51: {  	_ =	shalt  }
0x52: {  	_ =	shalt  }
0x53: {  	_ =	shalt  }
0x54: {  	_ =	shalt  }
0x55: {  	_ =	shalt  }
0x56: {  	_ =	shalt  }
0x57: {  	_ =	shalt  }
0x58: {  	_ =	shalt  }
0x59: {  	_ =	shalt  }
0x5a: {  	_ =	shalt  }
0x5b: {  	_ =	shalt  }
0x5c: {  	_ =	shalt  }
0x5d: {  	_ =	shalt  }
0x5e: {  	_ =	shalt  }
0x5f: {  	_ =	shalt  }
0x60: {  	_ =	shalt  }
0x61: {  	_ =	shalt  }
0x62: {  	_ =	shalt  }
0x63: {  	_ =	shalt  }
0x64: {  	_ =	shalt  }
0x65: {  	_ =	shalt  }
0x66: {  	_ =	shalt  }
0x67: {  	_ =	shalt  }
0x68: {  	_ =	shalt  }
0x69: {  	_ =	shalt  }
0x6a: {  	_ =	shalt  }
0x6b: {  	_ =	shalt  }
0x6c: {  	_ =	shalt  }
0x6d: {  	_ =	shalt  }
0x6e: {  	_ =	shalt  }
0x6f: {  	_ =	shalt  }
0x70: {  	_ =	shalt  }
0x71: {  	_ =	shalt  }
0x72: {  	_ =	shalt  }
0x73: {  	_ =	shalt  }
0x74: {  	_ =	shalt  }
0x75: {  	_ =	shalt  }
0x76: {  	_ =	shalt  }
0x77: {  	_ =	shalt  }
0x78: {  	_ =	shalt  }
0x79: {  	_ =	shalt  }
0x7a: {  	_ =	shalt  }
0x7b: {  	_ =	shalt  }
0x7c: {  	_ =	shalt  }
0x7d: {  	_ =	shalt  }
0x7e: {  	_ =	shalt  }
0x7f: {  	_ =	shalt  }
0x80: {  	_ =	shalt  }
0x81: {  	_ =	shalt  }
0x82: {  	_ =	shalt  }
0x83: {  	_ =	shalt  }
0x84: {  	_ =	shalt  }
0x85: {  	_ =	shalt  }
0x86: {  	_ =	shalt  }
0x87: {  	_ =	shalt  }
.Lfunc_end0:
.L_simem_size_0:
called_computation_lowered:
.L_overlay_start_0:
0x88: {  	s2 =	sld [smem:$0x3FD9]  }
0x89: {  	s3 =	sld [smem:$0x3FFE];
	_ =	sdelay $0x1  }
0x8a: {  	s1 =	srdreg.scid  }
0x8b: {  	s0 =	sand.u32 $0x1, s1  }
0x8c: {  	s18 =	sshll.u32 s0, $0xA;
	s2 =	sadd.s32 s3, s2  }
0x8d: {  	s2 =	sadd.s32 s2, s18  }
0x8e: {  	[smem:$0x3FC6] =	sst s2  }
0x8f: {  	_ = 	snop  }
0x90: {  	s2 =	sld [smem:$0x3FC9]  }
0x91: {  	s19 =	sld [smem:$0x3FC8]  }
0x92: {  	s4 =	sld [smem:$0x3FD0];
	(tm) =	ssettm $0x1  }
0x93: {  	s5 =	sld [smem:$0x3FFB];
	_ =	sdelay $0x3  }
0x94: {  	_ =	strace s5  }
0x95: {  	s5 =	sld [smem:$0x3FFC];
	_ =	sdelay $0x3  }
0x96: {  	_ =	strace s5  }
0x97: {  	s5 =	sld [smem:$0x3FFD];
	_ =	sdelay $0x3  }
0x98: {  	_ =	strace s5  }
0x99: {  	_ =	strace $0x8FFFFFFF  }
0x9a: {  	s20 =	sld [smem:$0x3FDB];
	_ =	sdelay $0x1  }
0x9b: {  	s6 =	simm.s32 $_scs_section_size  }
0x9c: {  	s7 =	simm.s32 $_size__tile_overlayer_lowered;
	s8 =	simm.s32 $_tile_overlayer_lowered  }
0x9d: {  	s23 =	simm.s32 $0x1BFF;
	s22 =	sshll.u32 s8, $0x1;
	s5 =	sadd.s32 s6, s20  }
0x9e: {  	s9 =	simm.s32 $0x0;
	s21 =	sshll.u32 s7, $0x1;
	s7 =	sadd.s32 s22, s5  }
0x9f: {  	[timem:s9], [sflag:s23] =	dma.local [hbm:s7], s21  }
0xa0: {  	_ =	swait.ge [sflag:s23], s21  }
0xa1: {  	s6 =	ssub.s32 $0x0, s21;
	[sflag:s23] =	ssyncset.done $0x0  }
0xa2: {  	[sflag:s23] =	ssyncadd.s32 s6;
	_ =	sdelay $0x1  }
0xa3: {  	s24 =	simm.s32 $0x1B8B  }
0xa4: {  	_ =	swait.ge [sflag:s24], $0x1  }
0xa5: {  	[sflag:s24] =	ssyncset.done $0x0  }
0xa6: {  	s25 =	simm.s32 $0x1B8E;
	[sflag:s24] =	ssyncadd.s32 $0xFFFFFFFF  }
0xa7: {  	s26 =	simm.s32 $execute0_lowered;
	[smem:$0x3FD2] =	sst s25  }
0xa8: {  	s6 =	sshll.u32 s26, $0x1;
	_ =	strace $0x80000046;
	[dreg:$0x1] =	wrdreg $0xFFFFFFFF  }
0xa9: {  	s28 =	simm.s32 $_size_execute0_lowered;
	s5 =	sadd.s32 s5, s6;
	[dreg:$0x0] =	wrdreg $0x0  }
0xaa: {  	s6 =	sshll.u32 s28, $0x1;
	[dreg:$0x2] =	wrdreg s5  }
0xab: {  	[dreg:$0x3] =	wrdreg s6  }
0xac: {  	[dreg:$0x4] =	wrdreg $0xC0  }
0xad: {  	_ =	task [dreg:s9], $0x5FFFF  }
0xae: {  	[dreg:$0x1] =	wrdreg $0xFFFFFFFF  }
0xaf: {  	[dreg:$0x0] =	wrdreg $0x60  }
0xb0: {  	[dreg:$0x2] =	wrdreg s19  }
0xb1: {  	[dreg:$0x3] =	wrdreg s2  }
0xb2: {  	[dreg:$0x4] =	wrdreg s4  }
0xb3: {  	[dreg:$0x5] =	wrdreg $0x9  }
0xb4: {  	_ =	task.clear_ibuf [dreg:s9], $0x6FFFF;
	_ =	strace $0x90000046  }
0xb5: {  	s29 =	simm.s32 $0x9;
	_ =	strace $0x80000048  }
0xb6: {  	_ =	swait.ge [sflag:s29], $0x1  }
0xb7: {  	[sflag:s29] =	ssyncadd.s32 $0xFFFFFFFF  }
0xb8: {  	_ =	strace $0x90000048  }
0xb9: {  	_ =	sfence  }
0xba: {  	s30 =	sld [smem:$0x0];
	_ =	sdelay $0x2  }
0xbb: {  	s31 =	sshll.u32 s1, $0xD;
	s1 =	sshrl.u32 s1, $0x2  }
0xbc: {  	s3 =	sand.u32 $0x4000, s31;
	s1 =	sadd.s32 s1, s30  }
0xbd: {  	s0 =	sor.u32 s3, s0;
	s1 =	sshll.u32 s1, $0x11  }
0xbe: {  	s0 =	sor.u32 s1, s0  }
0xbf: {  	s0 =	sadd.s32 $0x8F2B, s0  }
0xc0: {  	[sflag:s0] =	ssyncadd.remote.s32 $0x1  }
0xc1: {  	_ =	sfence.sel $0xFFFF  }
0xc2: {  	[dreg:$0x0] =	wrdreg $0xFFFFFFFF;
	(pc) =	sbr.abs _section_cstart, $3  }
0xc3: {  	[dreg:$0x1] =	wrdreg $0xFFFFFFFF  }
0xc4: {  	_ =	task.clear_ibuf [dreg:s9], $0x2FFFF;
	_ =	strace $0x9FFFFFFF  }
0xc5: {  	(tm) =	ssettm $0x7FFFFFFF  }
tec
execute0_lowered:
.L_overlay_start_1:
0x0: {  	(tag) =	ssettag $0x1  }
0x1: {  	v3 =	vlaneseq.u32  }
0x2: {  	v4 =	vimm.s32 $0x6780;
	vm0 =	vcmask $0x300;
	v5 =	vimm.s32 $0x12F80  }
0x3: {  	vm1 =	vcmask $0x704;
	vm15 =	vcmask $0xB08;
	vm4 =	vcmask $0xF0C  }
0x4: {  	vm5 =	vcmask $0x1310;
	v4 =	vsel vm0, $0x0, v4;
	v5 =	vsel vm0, $0xC800, v5  }
0x5: {  	vm6 =	vcmask $0x1714;
	v4 =	vsel vm1, $0x80, v4;
	v5 =	vsel vm1, $0xC880, v5  }
0x6: {  	s1 =	srdreg.scid;
	vm7 =	vcmask $0x1B18;
	v4 =	vsel vm15, $0x100, v4;
	v5 =	vsel vm15, $0xC900, v5  }
0x7: {  	s0 =	stileid.u32;
	s8 =	rddreg [dreg:$0x0];
	vm8 =	vcmask $0x1F1C;
	s5 =	simm.s32 $0x0;
	v4 =	vsel vm4, $0x180, v4;
	v5 =	vsel vm4, $0xC980, v5  }
0x8: {  	vm9 =	vcmask $0x2320;
	s6 =	sand.u32 $0x1, s1;
	s29 =	sshll.u32 s0, $0x1;
	s10 =	smul.u32 $0x1800, s0;
	v4 =	vsel vm5, $0x200, v4;
	v5 =	vsel vm5, $0xCA00, v5  }
0x9: {  	vm10 =	vcmask $0x2724;
	p0 =	slt.u32 s0, $0x7;
	s1 =	sor.u32 s6, s29;
	s12 =	smul.u32 $0xC00, s6;
	v4 =	vsel vm6, $0x280, v4;
	v5 =	vsel vm6, $0xCA80, v5  }
0xa: {  	vm11 =	vcmask $0x2B28;
	[smem:$0x7FF] =	sst s5;
	s9 =	ssub.s32 $0x2, s6;
	s2 =	smul.u32 $0x18, s1;
	v4 =	vsel vm7, $0x300, v4;
	v5 =	vsel vm7, $0xCB00, v5  }
0xb: {  	vm12 =	vcmask $0x2F2C;
	s7 =	smin.u32 s1, $0xE;
	s1 =	simm.s32 $0x19;
	s11 =	sshrl.u32 s9, $0x1;
	v4 =	vsel vm8, $0x380, v4;
	v5 =	vsel vm8, $0xCB80, v5  }
0xc: {  	vm13 =	vcmask $0x3330;
	s8 =	sadd.s32 s10, s8;
	s10 =	simm.s32 $0xA;
	s1 =	simm.s32 @!p0 $0x18;
	v4 =	vsel vm9, $0x6400, v4;
	v5 =	vsel vm9, $0x12C00, v5  }
0xd: {  	vm14 =	vcmask $0x3734;
	s30 =	ssub.s32 s9, s11;
	s8 =	sadd.s32 s12, s8;
	s31 =	sshll.u32 s7, $0x7;
	v4 =	vsel vm10, $0x6480, v4;
	v5 =	vsel vm10, $0x12C80, v5  }
.Ltmp0:
0xe: {  	vm15 =	vcmask $0x3B38;
	s9 =	simm.s32 $0x1;
	s2 =	sadd.s32 s7, s2;
	v4 =	vsel vm11, $0x6500, v4;
	v5 =	vsel vm11, $0x12D00, v5;
	(pc) =	sbr.rel .LBB2_1-.Ltmp0, $4  }
0xf: {  	s11 =	simm.s32 $0xB;
	s3 =	sshll.u32 s2, $0x7;
	s4 =	sadd.s32 s1, s2;
	v2 =	vmov s2;
	v4 =	vsel vm12, $0x6580, v4;
	v5 =	vsel vm12, $0x12D80, v5  }
0x10: {  	s12 =	simm.s32 $0x0;
	s2 =	rddreg [dreg:$0x1];
	s4 =	sshll.u32 s4, $0x7;
	v0 =	vmov s3;
	v4 =	vsel vm13, $0x6600, v4;
	v5 =	vsel vm13, $0x12E00, v5  }
0x11: {  	s6 =	smax.u32 s30, $0x1;
	s7 =	sshll.u32 s1, $0x7;
	s3 =	rddreg [dreg:$0x3];
	v1 =	vmov s4;
	v6 =	vsel vm14, $0x6680, v4;
	v7 =	vsel vm14, $0x12E80, v5  }
0x12: {  	s8 =	sadd.s32 s31, s8;
	s4 =	rddreg [dreg:$0x2];
	_ =	strace $0x80000047;
	v4 =	vimm.s32 $0x0;
	v5 =	vsel vm15, $0x6700, v6;
	v6 =	vsel vm15, $0x12F00, v7  }
.LBB2_22:
0x13: {  	s12 =	sadd.s32 $0x1, s12  }
0x14: {  	p0 =	sne.s32 s12, s6  }
.Ltmp1:
0x15: {  	_ = 	snop;
	(pc) =	sbr.rel @!p0 .LBB2_23-.Ltmp1, $1  }
0x16: {  	_ =	sdelay $0x3  }
.LBB2_1:
0x17: {  	s14 =	simm.s32 $0x19000;
	s13 =	sadd.s32 $0x0, s2;
	s15 =	simm.s32 $0x10  }
0x18: {  	[tilespmem:s14], [sflag:$0x2] =	stream.linear.gather [hbm4b:s13+s5], $0x80, $0x38;
	[tilespmem:$0x1F880] =	vst v63  }
.LBB2_2:
0x19: {  	p0 =	sne.s32 s15, $0x1F0  }
.Ltmp2:
0x1a: {  	_ = 	snop;
	(pc) =	sbr.rel @p0 .LBB2_2-.Ltmp2, $4  }
0x1b: {  	_ = 	snop  }
0x1c: {  	s16 =	sadd.s32 s15, s2;
	s14 =	sadd.s32 $0x100, s14  }
0x1d: {  	s13 =	simm.s32 $0x0;
	s15 =	sadd.s32 $0x10, s15  }
0x1e: {  	[tilespmem:s14], [sflag:$0x2] =	stream.linear.gather [hbm4b:s16+s13], $0x80, $0x38;
	[tilespmem:$0x1F880] =	vst v63  }
0x1f: {  	s15 =	sadd.s32 $0x0, s8;
	p0 =	seq.s32 s7, $0x80  }
0x20: {  	[tilespmem:s13], [sflag:$0x1] =	stream.linear.gather [hbm4b:s15+s13], $0x400, $0x38;
	[tilespmem:$0x1F880] =	vst v63  }
.Ltmp3:
0x21: {  	s14 =	simm.s32 $0x6400;
	s30 =	simm.s32 $0xC800;
	(pc) =	sbr.rel @p0 .LBB2_5-.Ltmp3, $4  }
0x22: {  	s16 =	sadd.s32 $0x18700, s15;
	s31 =	sadd.s32 $0x30E00, s15;
	s17 =	sadd.s32 $0x49500, s15  }
0x23: {  	[tilespmem:s14], [sflag:$0x1] =	stream.linear.gather [hbm4b:s16+s13], $0x400, $0x38;
	[tilespmem:$0x1F880] =	vst v63  }
0x24: {  	s15 =	simm.s32 $0x400;
	s14 =	simm.s32 $0x80;
	s16 =	simm.s32 $0x12C00  }
0x25: {  	[tilespmem:s30], [sflag:$0x1] =	stream.linear.gather [hbm4b:s31+s13], $0x400, $0x38;
	[tilespmem:$0x1F880] =	vst v63  }
.LBB2_4:
0x26: {  	[tilespmem:s16], [sflag:$0x1] =	stream.linear.gather [hbm4b:s17+s13], $0x400, $0x38;
	[tilespmem:$0x1F880] =	vst v63  }
0x27: {  	s17 =	sadd.s32 s14, s8;
	s14 =	sadd.s32 $0x80, s14  }
0x28: {  	p0 =	seq.s32 s7, s14  }
0x29: {  	[tilespmem:s15], [sflag:$0x1] =	stream.linear.gather [hbm4b:s17+s13], $0x400, $0x38;
	[tilespmem:$0x1F880] =	vst v63  }
.Ltmp4:
0x2a: {  	s16 =	sadd.s32 $0x6400, s15;
	s18 =	sadd.s32 $0x18700, s17;
	(pc) =	sbr.rel @!p0 .LBB2_4-.Ltmp4, $4  }
0x2b: {  	[tilespmem:s16], [sflag:$0x1] =	stream.linear.gather [hbm4b:s18+s13], $0x400, $0x38;
	[tilespmem:$0x1F880] =	vst v63  }
0x2c: {  	s16 =	sadd.s32 $0xC800, s15;
	s18 =	sadd.s32 $0x30E00, s17  }
0x2d: {  	[tilespmem:s16], [sflag:$0x1] =	stream.linear.gather [hbm4b:s18+s13], $0x400, $0x38;
	[tilespmem:$0x1F880] =	vst v63  }
0x2e: {  	s17 =	sadd.s32 $0x49500, s17;
	s16 =	sadd.s32 $0x12C00, s15;
	s15 =	sadd.s32 $0x400, s15  }
.LBB2_5:
0x2f: {  	[tilespmem:s16], [sflag:$0x1] =	stream.linear.gather [hbm4b:s17+s13], $0x400, $0x38;
	[tilespmem:$0x1F880] =	vst v63  }
0x30: {  	p0 =	por $0x1, $0x1;
	s14 =	simm.s32 $0x0;
	s15 =	simm.s32 $0x0  }
.LBB2_7:
0x31: {  	p1 =	seq.s32 s13, $0x3  }
.Ltmp5:
0x32: {  	s16 =	sand.u32 $0x1, s13;
	(pc) =	sbr.rel @p1 .LBB2_11-.Ltmp5, $4  }
0x33: {  	s17 =	sor.u32 $0x2, s16  }
0x34: {  	_ =	swait.ge [sflag:s17], $0x1000  }
0x35: {  	[sflag:s17] =	ssyncset.done $0x0  }
0x36: {  	s13 =	sadd.s32 $0x1, s13;
	[sflag:s17] =	ssyncadd.s32 $0xFFFFF000  }
0x37: {  	s17 =	simm.s32 $0x1  }
0x38: {  	s17 =	simm.s32 @!p0 $0x0  }
0x39: {  	s19 =	sand.u32 $0x1, s13;
	s20 =	sshll.u32 s13, $0x9;
	s17 =	sshll.u32 s17, $0x7  }
0x3a: {  	s18 =	sor.u32 $0x19000, s17;
	s17 =	sor.u32 $0x2, s19;
	s19 =	sadd.s32 s2, s20  }
0x3b: {  	s20 =	simm.s32 $0x10;
	s22 =	sadd.s32 $0x0, s19;
	s21 =	sadd.s32 $0x100, s18  }
.LBB2_9:
0x3c: {  	[tilespmem:s18], [sflag:s17] =	stream.linear.gather [hbm4b:s22+s5], $0x80, $0x38;
	[tilespmem:$0x1F880] =	vst v63  }
0x3d: {  	s22 =	smov.u32 s20;
	s18 =	smov.u32 s21;
	p1 =	sne.s32 s20, $0x1F0  }
.Ltmp6:
0x3e: {  	s20 =	sadd.s32 $0x10, s20;
	(pc) =	sbr.rel @p1 .LBB2_9-.Ltmp6, $2  }
0x3f: {  	_ =	sdelay $0x2  }
0x40: {  	s21 =	sadd.s32 $0x100, s21;
	s22 =	sadd.s32 s22, s19  }
0x41: {  	[tilespmem:s18], [sflag:s17] =	stream.linear.gather [hbm4b:s22+s5], $0x80, $0x38;
	[tilespmem:$0x1F880] =	vst v63  }
.LBB2_11:
0x42: {  	s16 =	sshll.u32 s16, $0x7  }
0x43: {  	v7 =	vmov s16  }
0x44: {  	s30 =	simm.s32 $0x0  }
0x45: {  	s17 =	sand.u32 $0x1F00, s30  }
0x46: {  	s16 =	sand.u32 $0x40, s30;
	s17 =	sadd.s32 $0x19000, s17  }
0x47: {  	s16 =	sor.u32 s16, s17  }
0x48: {  	v8 =	vld.idx.msk [tilespmem:v7+s16+$0x0 ss:$0x1], $0xffff;
	_ =	sdelay $0x4  }
0x49: {  	s31 =	sadd.s32 $0x0, s14;
	vm0 =	vge.s32 v8, v0;
	vm1 =	vlt.s32 v8, v1;
	v8 =	vshll.u32 v8, $0xE  }
0x4a: {  	s18 =	simm.s32 $0x10;
	vm0 =	vmand vm0, vm1;
	v8 =	vadd.s32 s31, v8  }
0x4b: {  	s18 =	sand.u32 $0x50, s18;
	v9 =	vmpcnt.ones.xlane vm0;
	v8 =	vadd.s32 v3, v8  }
0x4c: {  	s18 =	sor.u32 s18, s17;
	[tilespmem:s15+$0x1B000] =	vst.msk vm0, v8  }
0x4d: {  	v8 =	vld.idx.msk [tilespmem:v7+s18+$0x0 ss:$0x1], $0xffff;
	(v2sf) =	vpush v9, $0x0;
	_ =	sdelay $0x4  }
0x4e: {  	vm0 =	vge.s32 v8, v0;
	vm1 =	vlt.s32 v8, v1  }
0x4f: {  	vm0 =	vmand vm0, vm1  }
0x50: {  	v9 =	vmpcnt.ones.xlane vm0;
	_ =	sdelay $0x1  }
0x51: {  	(v2sf) =	vpush v9, $0x0;
	_ =	sdelay $0x4  }
0x52: {  	s20 =	sadd.s32 $0x10, s31;
	v8 =	vshll.u32 v8, $0xE  }
0x53: {  	s21 =	simm.s32 $0x20;
	v8 =	vor.u32 s20, v8;
	s19 =	spop (v2sf)  }
0x54: {  	s18 =	sand.u32 $0x60, s21;
	v8 =	vor.u32 v3, v8;
	s22 =	sadd.s32 s15, s19  }
0x55: {  	s18 =	sor.u32 s18, s17;
	[tilespmem:s22+$0x1B000] =	vst.msk vm0, v8  }
0x56: {  	v8 =	vld.idx.msk [tilespmem:v7+s18+$0x0 ss:$0x1], $0xffff;
	_ =	sdelay $0x4  }
0x57: {  	s23 =	sadd.s32 $0x20, s31;
	vm0 =	vge.s32 v8, v0;
	vm1 =	vlt.s32 v8, v1;
	v8 =	vshll.u32 v8, $0xE  }
0x58: {  	s24 =	simm.s32 $0x30;
	vm0 =	vmand vm0, vm1;
	v8 =	vor.u32 s23, v8;
	s25 =	spop (v2sf)  }
0x59: {  	s26 =	sand.u32 $0x70, s24;
	s19 =	sadd.s32 s22, s25;
	v9 =	vmpcnt.ones.xlane vm0;
	v8 =	vor.u32 v3, v8  }
0x5a: {  	s15 =	sor.u32 s26, s17;
	[tilespmem:s19+$0x1B000] =	vst.msk vm0, v8  }
0x5b: {  	v8 =	vld.idx.msk [tilespmem:v7+s15+$0x0 ss:$0x1], $0xffff;
	(v2sf) =	vpush v9, $0x0;
	_ =	sdelay $0x4  }
0x5c: {  	vm0 =	vge.s32 v8, v0;
	vm1 =	vlt.s32 v8, v1  }
0x5d: {  	vm0 =	vmand vm0, vm1  }
0x5e: {  	v9 =	vmpcnt.ones.xlane vm0;
	_ =	sdelay $0x1  }
0x5f: {  	(v2sf) =	vpush v9, $0x0;
	_ =	sdelay $0x4  }
0x60: {  	s28 =	sadd.s32 $0x30, s31;
	s16 =	simm.s32 $0x80;
	v8 =	vshll.u32 v8, $0xE  }
0x61: {  	s29 =	sand.u32 $0x1F00, s16;
	s15 =	simm.s32 $0x40;
	v8 =	vor.u32 s28, v8;
	s30 =	spop (v2sf)  }
0x62: {  	s17 =	sadd.s32 $0x19000, s29;
	s21 =	sand.u32 $0x40, s15;
	v8 =	vor.u32 v3, v8;
	s20 =	sadd.s32 s19, s30  }
0x63: {  	s31 =	sor.u32 s21, s17;
	[tilespmem:s20+$0x1B000] =	vst.msk vm0, v8  }
0x64: {  	v8 =	vld.idx.msk [tilespmem:v7+s31+$0x0 ss:$0x1], $0xffff;
	_ =	sdelay $0x4  }
0x65: {  	s18 =	sadd.s32 $0x40, s14;
	vm0 =	vge.s32 v8, v0;
	vm1 =	vlt.s32 v8, v1;
	v8 =	vshll.u32 v8, $0xE  }
0x66: {  	s21 =	simm.s32 $0x50;
	s19 =	simm.s32 $0x4;
	vm0 =	vmand vm0, vm1;
	v8 =	vadd.s32 s18, v8;
	s22 =	spop (v2sf)  }
.LBB2_12:
0x67: {  	s19 =	sadd.s32 $0x4, s19;
	v9 =	vmpcnt.ones.xlane vm0;
	v8 =	vadd.s32 v3, v8;
	s21 =	sand.u32 $0x50, s21;
	s20 =	sadd.s32 s20, s22  }
0x68: {  	p1 =	slt.u32 s19, $0xFC;
	[tilespmem:s20+$0x1B000] =	vst.msk vm0, v8;
	s21 =	sor.u32 s21, s17  }
0x69: {  	v8 =	vld.idx.msk [tilespmem:v7+s21+$0x0 ss:$0x1], $0xffff;
	(v2sf) =	vpush v9, $0x0;
	_ =	sdelay $0x5  }
0x6a: {  	s21 =	sadd.s32 $0x10, s18;
	vm0 =	vge.s32 v8, v0;
	vm1 =	vlt.s32 v8, v1;
	v8 =	vshll.u32 v8, $0xE  }
0x6b: {  	vm0 =	vmand vm0, vm1;
	v8 =	vor.u32 s21, v8  }
0x6c: {  	v9 =	vmpcnt.ones.xlane vm0;
	_ =	sdelay $0x1  }
0x6d: {  	(v2sf) =	vpush v9, $0x0;
	_ =	sdelay $0x4  }
0x6e: {  	s21 =	sadd.s32 $0x20, s15;
	s22 =	spop (v2sf)  }
0x6f: {  	v8 =	vor.u32 v3, v8;
	s21 =	sand.u32 $0x60, s21;
	s20 =	sadd.s32 s20, s22  }
0x70: {  	s21 =	sor.u32 s21, s17;
	[tilespmem:s20+$0x1B000] =	vst.msk vm0, v8  }
0x71: {  	v8 =	vld.idx.msk [tilespmem:v7+s21+$0x0 ss:$0x1], $0xffff;
	_ =	sdelay $0x5  }
0x72: {  	s21 =	sadd.s32 $0x20, s18;
	vm0 =	vge.s32 v8, v0;
	vm1 =	vlt.s32 v8, v1;
	v8 =	vshll.u32 v8, $0xE  }
0x73: {  	vm0 =	vmand vm0, vm1;
	v8 =	vor.u32 s21, v8;
	s21 =	sadd.s32 $0x30, s15;
	s22 =	spop (v2sf)  }
0x74: {  	v9 =	vmpcnt.ones.xlane vm0;
	v8 =	vor.u32 v3, v8;
	s21 =	sand.u32 $0x70, s21;
	s20 =	sadd.s32 s20, s22  }
0x75: {  	s17 =	sor.u32 s21, s17;
	[tilespmem:s20+$0x1B000] =	vst.msk vm0, v8  }
0x76: {  	v8 =	vld.idx.msk [tilespmem:v7+s17+$0x0 ss:$0x1], $0xffff;
	(v2sf) =	vpush v9, $0x0;
	_ =	sdelay $0x5  }
0x77: {  	s17 =	sadd.s32 $0x30, s18;
	vm0 =	vge.s32 v8, v0;
	vm1 =	vlt.s32 v8, v1;
	v8 =	vshll.u32 v8, $0xE  }
0x78: {  	vm0 =	vmand vm0, vm1;
	v8 =	vor.u32 s17, v8  }
0x79: {  	v9 =	vmpcnt.ones.xlane vm0;
	_ =	sdelay $0x1  }
0x7a: {  	(v2sf) =	vpush v9, $0x0;
	_ =	sdelay $0x3  }
0x7b: {  	s16 =	sadd.s32 $0x80, s16  }
0x7c: {  	s15 =	sadd.s32 $0x40, s15;
	s17 =	sand.u32 $0x1F00, s16;
	s18 =	spop (v2sf)  }
0x7d: {  	s21 =	sand.u32 $0x40, s15;
	s17 =	sadd.s32 $0x19000, s17;
	v8 =	vor.u32 v3, v8;
	s20 =	sadd.s32 s20, s18  }
0x7e: {  	s18 =	sor.u32 s21, s17;
	[tilespmem:s20+$0x1B000] =	vst.msk vm0, v8  }
0x7f: {  	v8 =	vld.idx.msk [tilespmem:v7+s18+$0x0 ss:$0x1], $0xffff;
	_ =	sdelay $0x2  }
.Ltmp7:
0x80: {  	(pc) =	sbr.rel @p1 .LBB2_12-.Ltmp7, $3  }
0x81: {  	_ =	sdelay $0x1  }
0x82: {  	s18 =	sadd.s32 s15, s14;
	vm0 =	vge.s32 v8, v0;
	vm1 =	vlt.s32 v8, v1;
	v8 =	vshll.u32 v8, $0xE  }
0x83: {  	s21 =	sadd.s32 $0x10, s15;
	vm0 =	vmand vm0, vm1;
	v8 =	vadd.s32 s18, v8;
	s22 =	spop (v2sf)  }
0x84: {  	_ =	sdelay $0x1  }
0x85: {  	v9 =	vmpcnt.ones.xlane vm0;
	v8 =	vadd.s32 v3, v8;
	s16 =	sand.u32 $0x50, s21;
	s19 =	sadd.s32 s20, s22  }
0x86: {  	[tilespmem:s19+$0x1B000] =	vst.msk vm0, v8;
	s16 =	sor.u32 s16, s17  }
0x87: {  	v8 =	vld.idx.msk [tilespmem:v7+s16+$0x0 ss:$0x1], $0xffff;
	(v2sf) =	vpush v9, $0x0;
	_ =	sdelay $0x4  }
0x88: {  	vm11 =	vge.s32 v8, v0;
	vm1 =	vlt.s32 v8, v1  }
0x89: {  	vm0 =	vmand vm11, vm1  }
0x8a: {  	v61 =	vmpcnt.ones.xlane vm0;
	_ =	sdelay $0x1  }
0x8b: {  	(v2sf) =	vpush v61, $0x0;
	_ =	sdelay $0x4  }
0x8c: {  	s22 =	sadd.s32 $0x10, s18;
	v8 =	vshll.u32 v8, $0xE  }
0x8d: {  	s23 =	sadd.s32 $0x20, s15;
	v8 =	vor.u32 s22, v8;
	s24 =	spop (v2sf)  }
0x8e: {  	s16 =	sand.u32 $0x60, s23;
	v8 =	vor.u32 v3, v8;
	s19 =	sadd.s32 s19, s24  }
0x8f: {  	s16 =	sor.u32 s16, s17;
	[tilespmem:s19+$0x1B000] =	vst.msk vm0, v8  }
0x90: {  	v8 =	vld.idx.msk [tilespmem:v7+s16+$0x0 ss:$0x1], $0xffff;
	_ =	sdelay $0x4  }
0x91: {  	s25 =	sadd.s32 $0x20, s18;
	v62 =	vshll.u32 v8, $0xE  }
0x92: {  	s26 =	sadd.s32 $0x30, s15;
	vm12 =	vge.s32 v8, v0;
	vm13 =	vlt.s32 v8, v1;
	v8 =	vor.u32 s25, v62;
	s28 =	spop (v2sf)  }
0x93: {  	s15 =	sand.u32 $0x70, s26;
	vm0 =	vmand vm12, vm13;
	s16 =	sadd.s32 s19, s28;
	v8 =	vor.u32 v3, v8  }
0x94: {  	s15 =	sor.u32 s15, s17;
	[tilespmem:s16+$0x1B000] =	vst.msk vm0, v8  }
0x95: {  	v7 =	vld.idx.msk [tilespmem:v7+s15+$0x0 ss:$0x1], $0xffff;
	_ =	sdelay $0x4  }
0x96: {  	vm14 =	vge.s32 v7, v0;
	vm2 =	vlt.s32 v7, v1  }
0x97: {  	v8 =	vmpcnt.ones.xlane vm0;
	vm15 =	vmand vm14, vm2  }
0x98: {  	v63 =	vmpcnt.ones.xlane vm15  }
0x99: {  	(v2sf) =	vpush v8, $0x0  }
0x9a: {  	(v2sf) =	vpush v63, $0x0;
	_ =	sdelay $0xc  }
0x9b: {  	s29 =	sadd.s32 $0x30, s18;
	v7 =	vshll.u32 v7, $0xE  }
0x9c: {  	v7 =	vor.u32 s29, v7;
	s30 =	spop (v2sf)  }
0x9d: {  	v7 =	vor.u32 v3, v7;
	s15 =	sadd.s32 s16, s30;
	s31 =	spop (v2sf)  }
0x9e: {  	[tilespmem:s15+$0x1B000] =	vst.msk vm15, v7;
	s15 =	sadd.s32 s15, s31  }
0x9f: {  	p1 =	seq.s32 s13, $0x4  }
.Ltmp8:
0xa0: {  	_ = 	snop;
	(pc) =	sbr.rel @!p1 .LBB2_7-.Ltmp8, $2  }
0xa1: {  	_ =	sdelay $0x2  }
0xa2: {  	p0 =	por !p0, !p0;
	s14 =	sadd.s32 $0x1000, s14  }
0xa3: {  	_ =	swait.ge [sflag:s9], $0x400  }
0xa4: {  	[sflag:s9] =	ssyncset.done $0x0  }
0xa5: {  	[sflag:s9] =	ssyncadd.s32 $0xFFFFFC00  }
0xa6: {  	_ =	swait.ge [sflag:s9], $0x400  }
0xa7: {  	[sflag:s9] =	ssyncset.done $0x0  }
0xa8: {  	p0 =	sne.s32 s1, $0x1;
	[sflag:s9] =	ssyncadd.s32 $0xFFFFFC00  }
.Ltmp9:
0xa9: {  	_ =	swait.ge [sflag:s9], $0x400;
	(pc) =	sbr.rel @!p0 .LBB2_16-.Ltmp9, $4  }
0xaa: {  	[sflag:s9] =	ssyncset.done $0x0  }
0xab: {  	[sflag:s9] =	ssyncadd.s32 $0xFFFFFC00  }
0xac: {  	_ =	swait.ge [sflag:s9], $0x400  }
0xad: {  	s13 =	sadd.s32 $0xFFFFFFFF, s1;
	[sflag:s9] =	ssyncset.done $0x0  }
.LBB2_15:
0xae: {  	p0 =	sne.s32 s13, $0x1;
	s13 =	sadd.s32 $0xFFFFFFFF, s13;
	[sflag:s9] =	ssyncadd.s32 $0xFFFFFC00  }
0xaf: {  	_ =	swait.ge [sflag:s9], $0x400  }
0xb0: {  	[sflag:s9] =	ssyncset.done $0x0  }
0xb1: {  	[sflag:s9] =	ssyncadd.s32 $0xFFFFFC00  }
0xb2: {  	_ =	swait.ge [sflag:s9], $0x400  }
0xb3: {  	[sflag:s9] =	ssyncset.done $0x0  }
0xb4: {  	[sflag:s9] =	ssyncadd.s32 $0xFFFFFC00  }
.Ltmp10:
0xb5: {  	_ =	swait.ge [sflag:s9], $0x400;
	(pc) =	sbr.rel @p0 .LBB2_15-.Ltmp10, $4  }
0xb6: {  	[sflag:s9] =	ssyncset.done $0x0  }
0xb7: {  	[sflag:s9] =	ssyncadd.s32 $0xFFFFFC00  }
0xb8: {  	_ =	swait.ge [sflag:s9], $0x400  }
0xb9: {  	[sflag:s9] =	ssyncset.done $0x0  }
.LBB2_16:
0xba: {  	[sflag:s9] =	ssyncadd.s32 $0xFFFFFC00;
	p0 =	slt.s32 s15, $0x1  }
0xbb: {  	s13 =	sadd.s32 $0x3, s15;
	v7 =	vld @!p0 [tilespmem:s15+$0x1AFFF]  }
0xbc: {  	s14 =	sshra.s32 s13, $0x2  }
0xbd: {  	p1 =	slt.s32 s14, $0x1  }
.Ltmp11:
0xbe: {  	_ = 	snop;
	(pc) =	sbr.rel @p1 .LBB2_20-.Ltmp11, $3  }
0xbf: {  	v8 =	vimm.s32 @!p0 $0x0  }
0xc0: {  	v7 =	vperm.xlane @!p0 v7, v8;
	_ =	sdelay $0x1  }
0xc1: {  	[tilespmem:s15+$0x1B000] =	vst @!p0 v7  }
0xc2: {  	s15 =	simm.s32 $0x1B002  }
0xc3: {  	v7 =	vld [tilespmem:s15+$0xFFFFFFFE];
	_ =	sdelay $0x4  }
0xc4: {  	(v2sf) =	vpush v7, $0x0  }
0xc5: {  	v7 =	vperm.xlane v7, v4;
	_ =	sdelay $0x1  }
0xc6: {  	v8 =	vshra.s32 v7, $0x15  }
0xc7: {  	v7 =	vshrl.u32 v7, $0xE;
	v8 =	vsub.s32 v8, v2  }
0xc8: {  	v7 =	vand.u32 $0x7F, v7;
	v8 =	vshll.u32 v8, $0xA  }
0xc9: {  	v7 =	vor.u32 v7, v8  }
0xca: {  	v8 =	vadd.s32 v5, v7  }
0xcb: {  	v7 =	vadd.s32 v6, v7;
	_ =	sdelay $0x2  }
0xcc: {  	s16 =	simm.s32 $0x0  }
0xcd: {  	p0 =	por $0x1, $0x1;
	s16 =	sand.u32 $0xC, s16;
	v8 =	vld.idx.msk [tilespmem:v8+s5+$0x0], $0xffff  }
0xce: {  	s17 =	sadd.s32 @!p0 $0x4, s16;
	v7 =	vld.idx.msk [tilespmem:v7+s5+$0x0], $0xffff  }
0xcf: {  	_ =	swait.ge @!p0 [sflag:s17], $0x20  }
0xd0: {  	[sflag:s17] =	ssyncset.done @!p0 $0x0;
	s18 =	spop (v2sf)  }
0xd1: {  	s26 =	sshll.u32 s16, $0x7;
	[sflag:s17] =	ssyncadd.s32 @!p0 $0xFFFFFFE0;
	s18 =	sshll.u32 s18, $0x2  }
0xd2: {  	[tilespmem:s26+$0x1F080] =	vst v8;
	s18 =	sand.u32 $0xFFFC, s18  }
0xd3: {  	s28 =	sadd.s32 $0x4, s16;
	s19 =	sadd.s32 $0x1F080, s26;
	[tilespmem:s26+$0x1F090] =	vst v7;
	s18 =	sadd.s32 s4, s18  }
0xd4: {  	[hbm4b:s18+s5] =	stream.linear.scatter [tilespmem:s19], [sflag:s28], $0x20, $0x38;
	[tilespmem:$0x1F880] =	vst v63  }
0xd5: {  	v7 =	vld [tilespmem:s15+$0xFFFFFFFF];
	_ =	sdelay $0x4  }
0xd6: {  	(v2sf) =	vpush v7, $0x0  }
0xd7: {  	v7 =	vperm.xlane v7, v4;
	_ =	sdelay $0x1  }
0xd8: {  	v8 =	vshra.s32 v7, $0x15  }
0xd9: {  	v7 =	vshrl.u32 v7, $0xE;
	v8 =	vsub.s32 v8, v2  }
0xda: {  	v7 =	vand.u32 $0x7F, v7;
	v8 =	vshll.u32 v8, $0xA  }
0xdb: {  	v7 =	vor.u32 v7, v8  }
0xdc: {  	v8 =	vadd.s32 v5, v7  }
0xdd: {  	v7 =	vadd.s32 v6, v7;
	_ =	sdelay $0x2  }
0xde: {  	s29 =	simm.s32 $0x1  }
0xdf: {  	p1 =	por $0x1, $0x1;
	s17 =	sand.u32 $0xD, s29;
	v8 =	vld.idx.msk [tilespmem:v8+s5+$0x0], $0xffff  }
0xe0: {  	s18 =	sadd.s32 @!p1 $0x4, s17;
	v7 =	vld.idx.msk [tilespmem:v7+s5+$0x0], $0xffff  }
0xe1: {  	_ =	swait.ge @!p1 [sflag:s18], $0x20  }
0xe2: {  	[sflag:s18] =	ssyncset.done @!p1 $0x0;
	s30 =	spop (v2sf)  }
0xe3: {  	s31 =	sshll.u32 s17, $0x7;
	[sflag:s18] =	ssyncadd.s32 @!p1 $0xFFFFFFE0;
	s19 =	sshll.u32 s30, $0x2  }
0xe4: {  	[tilespmem:s31+$0x1F080] =	vst v8;
	s19 =	sand.u32 $0xFFFC, s19  }
0xe5: {  	s20 =	sadd.s32 $0x1F080, s31;
	s17 =	sadd.s32 $0x4, s17;
	[tilespmem:s31+$0x1F090] =	vst v7;
	s21 =	sadd.s32 s4, s19  }
0xe6: {  	[hbm4b:s21+s5] =	stream.linear.scatter [tilespmem:s20], [sflag:s17], $0x20, $0x38;
	[tilespmem:$0x1F880] =	vst v63  }
0xe7: {  	v7 =	vld [tilespmem:s15+$0x0];
	_ =	sdelay $0x4  }
0xe8: {  	(v2sf) =	vpush v7, $0x0  }
0xe9: {  	v7 =	vperm.xlane v7, v4;
	_ =	sdelay $0x1  }
0xea: {  	v8 =	vshra.s32 v7, $0x15  }
0xeb: {  	v7 =	vshrl.u32 v7, $0xE;
	v8 =	vsub.s32 v8, v2  }
0xec: {  	v7 =	vand.u32 $0x7F, v7;
	v8 =	vshll.u32 v8, $0xA  }
0xed: {  	v7 =	vor.u32 v7, v8  }
0xee: {  	v8 =	vadd.s32 v5, v7  }
0xef: {  	v7 =	vadd.s32 v6, v7;
	_ =	sdelay $0x2  }
0xf0: {  	s22 =	simm.s32 $0x2  }
0xf1: {  	s17 =	sand.u32 $0xE, s22;
	v8 =	vld.idx.msk [tilespmem:v8+s5+$0x0], $0xffff  }
0xf2: {  	s18 =	sadd.s32 @!p0 $0x4, s17;
	v7 =	vld.idx.msk [tilespmem:v7+s5+$0x0], $0xffff  }
0xf3: {  	_ =	swait.ge @!p0 [sflag:s18], $0x20  }
0xf4: {  	[sflag:s18] =	ssyncset.done @!p0 $0x0;
	s23 =	spop (v2sf)  }
0xf5: {  	s24 =	sshll.u32 s17, $0x7;
	[sflag:s18] =	ssyncadd.s32 @!p0 $0xFFFFFFE0;
	s19 =	sshll.u32 s23, $0x2  }
0xf6: {  	[tilespmem:s24+$0x1F080] =	vst v8;
	s19 =	sand.u32 $0xFFFC, s19  }
0xf7: {  	s17 =	sadd.s32 $0x4, s17;
	s25 =	sadd.s32 $0x1F080, s24;
	[tilespmem:s24+$0x1F090] =	vst v7;
	s26 =	sadd.s32 s4, s19  }
0xf8: {  	[hbm4b:s26+s5] =	stream.linear.scatter [tilespmem:s25], [sflag:s17], $0x20, $0x38;
	[tilespmem:$0x1F880] =	vst v63  }
0xf9: {  	v7 =	vld [tilespmem:s15+$0x1];
	_ =	sdelay $0x4  }
0xfa: {  	(v2sf) =	vpush v7, $0x0  }
0xfb: {  	v7 =	vperm.xlane v7, v4;
	_ =	sdelay $0x1  }
0xfc: {  	v8 =	vshra.s32 v7, $0x15  }
0xfd: {  	v7 =	vshrl.u32 v7, $0xE;
	v8 =	vsub.s32 v8, v2  }
0xfe: {  	v7 =	vand.u32 $0x7F, v7;
	v8 =	vshll.u32 v8, $0xA  }
0xff: {  	v7 =	vor.u32 v7, v8  }
0x100: {  	v8 =	vadd.s32 v5, v7  }
0x101: {  	v7 =	vadd.s32 v6, v7;
	_ =	sdelay $0x3  }
0x102: {  	s14 =	sadd.s32 $0xFFFFFFFF, s14;
	s17 =	sor.u32 $0x3, s16;
	v8 =	vld.idx.msk [tilespmem:v8+s5+$0x0], $0xffff  }
0x103: {  	p1 =	sne.s32 s14, $0x0;
	s15 =	sadd.s32 @!p0 $0x4, s17;
	v7 =	vld.idx.msk [tilespmem:v7+s5+$0x0], $0xffff  }
.Ltmp12:
0x104: {  	_ =	swait.ge @!p0 [sflag:s15], $0x20;
	(pc) =	sbr.rel @!p1 .LBB2_19-.Ltmp12, $4  }
0x105: {  	[sflag:s15] =	ssyncset.done @!p0 $0x0;
	s28 =	spop (v2sf)  }
0x106: {  	s29 =	sshll.u32 s17, $0x7;
	[sflag:s15] =	ssyncadd.s32 @!p0 $0xFFFFFFE0;
	s30 =	sshll.u32 s28, $0x2  }
0x107: {  	s16 =	simm.s32 $0x6;
	s17 =	sadd.s32 $0x4, s17;
	[tilespmem:s29+$0x1F080] =	vst v8;
	s31 =	sand.u32 $0xFFFC, s30  }
0x108: {  	s18 =	sadd.s32 $0x1F080, s29;
	s15 =	simm.s32 $0x1B006;
	[tilespmem:s29+$0x1F090] =	vst v7;
	s19 =	sadd.s32 s4, s31  }
.LBB2_18:
0x109: {  	[hbm4b:s19+s5] =	stream.linear.scatter [tilespmem:s18], [sflag:s17], $0x20, $0x38;
	[tilespmem:$0x1F880] =	vst v63  }
0x10a: {  	s14 =	sadd.s32 $0xFFFFFFFF, s14;
	v7 =	vld [tilespmem:s15+$0xFFFFFFFE]  }
0x10b: {  	p0 =	sne.s32 s14, $0x0;
	_ =	sdelay $0x3  }
0x10c: {  	v8 =	vperm.xlane v7, v4;
	(v2sf) =	vpush v7, $0x0;
	_ =	sdelay $0x1  }
0x10d: {  	v7 =	vshra.s32 v8, $0x15;
	v8 =	vshrl.u32 v8, $0xE  }
0x10e: {  	v7 =	vsub.s32 v7, v2  }
0x10f: {  	v8 =	vand.u32 $0x7F, v8;
	v7 =	vshll.u32 v7, $0xA  }
0x110: {  	v7 =	vor.u32 v8, v7  }
0x111: {  	v8 =	vadd.s32 v5, v7;
	v7 =	vadd.s32 v6, v7;
	_ =	sdelay $0x4  }
0x112: {  	s18 =	sadd.s32 $0xFFFFFFFE, s16;
	v8 =	vld.idx.msk [tilespmem:v8+s5+$0x0], $0xffff  }
0x113: {  	s19 =	sand.u32 $0xC, s18;
	p1 =	slt.u32 s18, $0x10;
	v7 =	vld.idx.msk [tilespmem:v7+s5+$0x0], $0xffff  }
0x114: {  	s20 =	sadd.s32 @!p1 $0x4, s19;
	s17 =	sor.u32 $0x3, s19  }
0x115: {  	_ =	swait.ge @!p1 [sflag:s20], $0x20  }
0x116: {  	[sflag:s20] =	ssyncset.done @!p1 $0x0;
	s21 =	spop (v2sf)  }
0x117: {  	[sflag:s20] =	ssyncadd.s32 @!p1 $0xFFFFFFE0;
	s20 =	sshll.u32 s19, $0x7;
	s21 =	sshll.u32 s21, $0x2  }
0x118: {  	[tilespmem:s20+$0x1F080] =	vst v8;
	s21 =	sand.u32 $0xFFFC, s21  }
0x119: {  	s19 =	sadd.s32 $0x4, s19;
	s22 =	sadd.s32 $0x1F080, s20;
	[tilespmem:s20+$0x1F090] =	vst v7;
	s20 =	sadd.s32 s4, s21  }
0x11a: {  	[hbm4b:s20+s5] =	stream.linear.scatter [tilespmem:s22], [sflag:s19], $0x20, $0x38;
	[tilespmem:$0x1F880] =	vst v63  }
0x11b: {  	v7 =	vld [tilespmem:s15+$0xFFFFFFFF];
	_ =	sdelay $0x4  }
0x11c: {  	v8 =	vperm.xlane v7, v4;
	(v2sf) =	vpush v7, $0x0;
	_ =	sdelay $0x1  }
0x11d: {  	v7 =	vshra.s32 v8, $0x15;
	v8 =	vshrl.u32 v8, $0xE  }
0x11e: {  	v7 =	vsub.s32 v7, v2  }
0x11f: {  	v8 =	vand.u32 $0x7F, v8;
	v7 =	vshll.u32 v7, $0xA  }
0x120: {  	v7 =	vor.u32 v8, v7  }
0x121: {  	v8 =	vadd.s32 v5, v7;
	v7 =	vadd.s32 v6, v7;
	_ =	sdelay $0x4  }
0x122: {  	s19 =	sadd.s32 $0xFFFFFFFF, s16;
	v8 =	vld.idx.msk [tilespmem:v8+s5+$0x0], $0xffff  }
0x123: {  	p2 =	slt.u32 s18, $0xF;
	s19 =	sand.u32 $0xD, s19;
	v7 =	vld.idx.msk [tilespmem:v7+s5+$0x0], $0xffff  }
0x124: {  	s18 =	sadd.s32 @!p2 $0x4, s19  }
0x125: {  	_ =	swait.ge @!p2 [sflag:s18], $0x20  }
0x126: {  	[sflag:s18] =	ssyncset.done @!p2 $0x0;
	s20 =	spop (v2sf)  }
0x127: {  	[sflag:s18] =	ssyncadd.s32 @!p2 $0xFFFFFFE0;
	s18 =	sshll.u32 s19, $0x7;
	s20 =	sshll.u32 s20, $0x2  }
0x128: {  	[tilespmem:s18+$0x1F080] =	vst v8;
	s20 =	sand.u32 $0xFFFC, s20  }
0x129: {  	s21 =	sadd.s32 $0x1F080, s18;
	[tilespmem:s18+$0x1F090] =	vst v7;
	s18 =	sadd.s32 $0x4, s19;
	s19 =	sadd.s32 s4, s20  }
0x12a: {  	[hbm4b:s19+s5] =	stream.linear.scatter [tilespmem:s21], [sflag:s18], $0x20, $0x38;
	[tilespmem:$0x1F880] =	vst v63  }
0x12b: {  	v7 =	vld [tilespmem:s15+$0x0];
	_ =	sdelay $0x4  }
0x12c: {  	v8 =	vperm.xlane v7, v4;
	(v2sf) =	vpush v7, $0x0;
	_ =	sdelay $0x1  }
0x12d: {  	v7 =	vshra.s32 v8, $0x15  }
0x12e: {  	v8 =	vshrl.u32 v8, $0xE;
	v7 =	vsub.s32 v7, v2  }
0x12f: {  	v8 =	vand.u32 $0x7F, v8;
	v7 =	vshll.u32 v7, $0xA  }
0x130: {  	v7 =	vor.u32 v8, v7  }
0x131: {  	v8 =	vadd.s32 v5, v7;
	v7 =	vadd.s32 v6, v7;
	_ =	sdelay $0x4  }
0x132: {  	v8 =	vld.idx.msk [tilespmem:v8+s5+$0x0], $0xffff  }
0x133: {  	s18 =	sand.u32 $0xE, s16;
	v7 =	vld.idx.msk [tilespmem:v7+s5+$0x0], $0xffff  }
0x134: {  	s19 =	sadd.s32 @!p1 $0x4, s18  }
0x135: {  	_ =	swait.ge @!p1 [sflag:s19], $0x20  }
0x136: {  	[sflag:s19] =	ssyncset.done @!p1 $0x0;
	s20 =	spop (v2sf)  }
0x137: {  	[sflag:s19] =	ssyncadd.s32 @!p1 $0xFFFFFFE0;
	s19 =	sshll.u32 s18, $0x7;
	s20 =	sshll.u32 s20, $0x2  }
0x138: {  	[tilespmem:s19+$0x1F080] =	vst v8;
	s20 =	sand.u32 $0xFFFC, s20  }
0x139: {  	s18 =	sadd.s32 $0x4, s18;
	s21 =	sadd.s32 $0x1F080, s19;
	[tilespmem:s19+$0x1F090] =	vst v7;
	s19 =	sadd.s32 s4, s20  }
0x13a: {  	[hbm4b:s19+s5] =	stream.linear.scatter [tilespmem:s21], [sflag:s18], $0x20, $0x38;
	[tilespmem:$0x1F880] =	vst v63  }
0x13b: {  	v7 =	vld [tilespmem:s15+$0x1];
	_ =	sdelay $0x4  }
0x13c: {  	v8 =	vperm.xlane v7, v4;
	(v2sf) =	vpush v7, $0x0;
	_ =	sdelay $0x1  }
0x13d: {  	v7 =	vshra.s32 v8, $0x15;
	v8 =	vshrl.u32 v8, $0xE  }
0x13e: {  	v7 =	vsub.s32 v7, v2  }
0x13f: {  	v8 =	vand.u32 $0x7F, v8;
	v7 =	vshll.u32 v7, $0xA  }
0x140: {  	v7 =	vor.u32 v8, v7  }
0x141: {  	v8 =	vadd.s32 v5, v7;
	v7 =	vadd.s32 v6, v7;
	_ =	sdelay $0x4  }
0x142: {  	v8 =	vld.idx.msk [tilespmem:v8+s5+$0x0], $0xffff  }
0x143: {  	s18 =	sadd.s32 @!p1 $0x4, s17;
	v7 =	vld.idx.msk [tilespmem:v7+s5+$0x0], $0xffff  }
0x144: {  	_ =	swait.ge @!p1 [sflag:s18], $0x20  }
.Ltmp13:
0x145: {  	(pc) =	sbr.rel @p0 .LBB2_18-.Ltmp13, $4  }
0x146: {  	[sflag:s18] =	ssyncset.done @!p1 $0x0;
	s19 =	spop (v2sf)  }
0x147: {  	s20 =	sshll.u32 s17, $0x7;
	[sflag:s18] =	ssyncadd.s32 @!p1 $0xFFFFFFE0;
	s18 =	sshll.u32 s19, $0x2  }
0x148: {  	s16 =	sadd.s32 $0x4, s16;
	s15 =	sadd.s32 $0x4, s15;
	[tilespmem:s20+$0x1F080] =	vst v8;
	s19 =	sand.u32 $0xFFFC, s18  }
0x149: {  	s17 =	sadd.s32 $0x4, s17;
	s18 =	sadd.s32 $0x1F080, s20;
	[tilespmem:s20+$0x1F090] =	vst v7;
	s19 =	sadd.s32 s4, s19  }
.LBB2_19:
0x14a: {  	[hbm4b:s19+s5] =	stream.linear.scatter [tilespmem:s18], [sflag:s17], $0x20, $0x38;
	[tilespmem:$0x1F880] =	vst v63  }
0x14b: {  	p0 =	slt.s32 s13, $0x4  }
0x14c: {  	s14 =	simm.s32 @!p0 $0x4  }
0x14d: {  	_ =	swait.ge @!p0 [sflag:s14], $0x20  }
0x14e: {  	[sflag:s14] =	ssyncset.done @!p0 $0x0  }
0x14f: {  	[sflag:s14] =	ssyncadd.s32 @!p0 $0xFFFFFFE0;
	s14 =	simm.s32 @!p0 $0x5  }
0x150: {  	_ =	swait.ge @!p0 [sflag:s14], $0x20  }
0x151: {  	[sflag:s14] =	ssyncset.done @!p0 $0x0  }
0x152: {  	[sflag:s14] =	ssyncadd.s32 @!p0 $0xFFFFFFE0;
	s14 =	simm.s32 @!p0 $0x6  }
0x153: {  	_ =	swait.ge @!p0 [sflag:s14], $0x20  }
0x154: {  	[sflag:s14] =	ssyncset.done @!p0 $0x0  }
0x155: {  	[sflag:s14] =	ssyncadd.s32 @!p0 $0xFFFFFFE0;
	s14 =	simm.s32 @!p0 $0x7  }
0x156: {  	_ =	swait.ge @!p0 [sflag:s14], $0x20  }
0x157: {  	[sflag:s14] =	ssyncset.done @!p0 $0x0  }
0x158: {  	[sflag:s14] =	ssyncadd.s32 @!p0 $0xFFFFFFE0  }
.LBB2_20:
0x159: {  	s13 =	sand.u32 $0xFFFFFFFC, s13  }
0x15a: {  	p0 =	slt.s32 s13, $0x5  }
0x15b: {  	s14 =	simm.s32 @!p0 $0x8;
	p1 =	slt.u32 @!p0 s13, $0x7  }
0x15c: {  	_ =	swait.ge @!p0 [sflag:s14], $0x20;
	p1 =	por p0, p1  }
.Ltmp14:
0x15d: {  	[sflag:s14] =	ssyncset.done @!p0 $0x0;
	(pc) =	sbr.rel @p1 .LBB2_22-.Ltmp14, $4  }
0x15e: {  	[sflag:s14] =	ssyncadd.s32 @!p0 $0xFFFFFFE0;
	s14 =	simm.s32 @!p0 $0x9  }
0x15f: {  	_ =	swait.ge @!p0 [sflag:s14], $0x20  }
0x160: {  	[sflag:s14] =	ssyncset.done @!p0 $0x0  }
0x161: {  	[sflag:s14] =	ssyncadd.s32 @!p0 $0xFFFFFFE0  }
0x162: {  	_ =	swait.ge [sflag:s10], $0x20  }
0x163: {  	[sflag:s10] =	ssyncset.done $0x0  }
0x164: {  	[sflag:s10] =	ssyncadd.s32 $0xFFFFFFE0  }
0x165: {  	_ =	swait.ge [sflag:s11], $0x20  }
0x166: {  	p0 =	slt.u32 s13, $0x9;
	[sflag:s11] =	ssyncset.done $0x0  }
0x167: {  	s14 =	simm.s32 @!p0 $0xC;
	[sflag:s11] =	ssyncadd.s32 $0xFFFFFFE0  }
0x168: {  	_ =	swait.ge @!p0 [sflag:s14], $0x20  }
0x169: {  	[sflag:s14] =	ssyncset.done @!p0 $0x0  }
0x16a: {  	[sflag:s14] =	ssyncadd.s32 @!p0 $0xFFFFFFE0;
	s14 =	simm.s32 @!p0 $0xD  }
0x16b: {  	p1 =	slt.u32 @!p0 s13, $0xB;
	_ =	swait.ge @!p0 [sflag:s14], $0x20  }
0x16c: {  	p2 =	por p1, p0;
	[sflag:s14] =	ssyncset.done @!p0 $0x0  }
0x16d: {  	[sflag:s14] =	ssyncadd.s32 @!p0 $0xFFFFFFE0;
	s14 =	simm.s32 @!p2 $0xE  }
0x16e: {  	_ =	swait.ge @!p2 [sflag:s14], $0x20  }
0x16f: {  	[sflag:s14] =	ssyncset.done @!p2 $0x0  }
0x170: {  	p3 =	slt.u32 @!p2 s13, $0xD;
	[sflag:s14] =	ssyncadd.s32 @!p2 $0xFFFFFFE0;
	s14 =	simm.s32 @!p2 $0xF  }
0x171: {  	p4 =	por @!p0 p3, p1;
	_ =	swait.ge @!p2 [sflag:s14], $0x20  }
0x172: {  	p4 =	por p4, p0;
	[sflag:s14] =	ssyncset.done @!p2 $0x0  }
0x173: {  	[sflag:s14] =	ssyncadd.s32 @!p2 $0xFFFFFFE0;
	s14 =	simm.s32 @!p4 $0x10  }
0x174: {  	_ =	swait.ge @!p4 [sflag:s14], $0x20  }
0x175: {  	p5 =	slt.u32 @!p4 s13, $0xF;
	[sflag:s14] =	ssyncset.done @!p4 $0x0  }
0x176: {  	s13 =	simm.s32 @!p4 $0x11;
	p2 =	por @!p2 p5, p3;
	[sflag:s14] =	ssyncadd.s32 @!p4 $0xFFFFFFE0  }
0x177: {  	p1 =	por @!p0 p2, p1;
	_ =	swait.ge @!p4 [sflag:s13], $0x20  }
0x178: {  	p0 =	por p1, p0;
	[sflag:s13] =	ssyncset.done @!p4 $0x0  }
0x179: {  	[sflag:s13] =	ssyncadd.s32 @!p4 $0xFFFFFFE0;
	s13 =	simm.s32 @!p0 $0x12  }
0x17a: {  	_ =	swait.ge @!p0 [sflag:s13], $0x20  }
.Ltmp15:
0x17b: {  	[sflag:s13] =	ssyncset.done @!p0 $0x0;
	(pc) =	sbr.rel .LBB2_22-.Ltmp15, $4  }
0x17c: {  	[sflag:s13] =	ssyncadd.s32 @!p0 $0xFFFFFFE0;
	s13 =	simm.s32 @!p0 $0x13  }
0x17d: {  	_ =	swait.ge @!p0 [sflag:s13], $0x20  }
0x17e: {  	[sflag:s13] =	ssyncset.done @!p0 $0x0  }
0x17f: {  	[sflag:s13] =	ssyncadd.s32 @!p0 $0xFFFFFFE0  }
.LBB2_23:
0x180: {  	_ =	sfence.sel $0x180000  }
0x181: {  	[bflag:$0x0] =	sbarrier.arrive $0xFFFF  }
0x182: {  	p0 =	sne.s32 s0, $0x0;
	_ =	strace $0x90000047  }
0x183: {  	s0 =	sadd.s32 @!p0 $0x100000, s3;
	[bflag:$0x2] =	sbarrier.arrive $0xFFFF  }
0x184: {  	[sflag:s0] =	ssyncadd.tile.s32 @!p0 $0x1;
	_ =	shalt  }
.Lfunc_end2:
_tile_overlayer_lowered:
.L_overlay_start_2:
0x185: {  	(tag) =	ssettag $0x2  }
0x186: {  	s0 =	rddreg [dreg:$0x0];
	s2 =	stileid.u32  }
0x187: {  	s1 =	rddreg [dreg:$0x1];
	p0 =	sne.s32 s2, $0x0  }
0x188: {  	s3 =	rddreg [dreg:$0x2];
	[bflag:$0x3] =	sbarrier.arrive $0xFFFF;
	s2 =	simm.s32 @!p0 $0x1C14  }
0x189: {  	[timem:s3], [sflag:s2] =	dma.local @!p0 [hbm:s0], s1  }
0x18a: {  	s0 =	simm.s32 @!p0 $0x14  }
0x18b: {  	_ =	swait.ge @!p0 [sflag:s0], s1  }
0x18c: {  	s1 =	ssub.s32 @!p0 $0x0, s1;
	[sflag:s0] =	ssyncset.done @!p0 $0x0  }
0x18d: {  	[sflag:s0] =	ssyncadd.s32 @!p0 s1  }
0x18e: {  	[bflag:$0x3] =	sbarrier.arrive $0xFFFF  }
0x18f: {  	_ =	shalt  }

</sc_bundles>
